<compile_context>
chip_gen: v7x
topology: tpu7x:2x2x1
jax: 0.10.2.dev20260603
libtpu: 0.0.44.dev20260713+nightly
codegen_flags: <defaults>
</compile_context>

<pallas_src>
import functools

import jax
import jax.numpy as jnp
from jax import lax
from jax.experimental import pallas as pl
from jax.experimental.pallas import tpu as pltpu
from jax.experimental.pallas import tpu_sc as plsc

_B = 4096
_L = 200
_EMB = 32
_NBUF = 4


def _make_gather(nbuf: int):
    info = plsc.get_sparse_core_info()
    nc, ns = info.num_cores, info.num_subcores
    nw = nc * ns
    n_units = _L * (_B // 128)
    u_per_w = n_units // nw
    n_groups = u_per_w // nbuf
    assert n_groups * nbuf == u_per_w

    mesh = plsc.VectorSubcoreMesh(core_axis_name="c", subcore_axis_name="s")

    @functools.partial(
        pl.kernel,
        mesh=mesh,
        out_type=jax.ShapeDtypeStruct((_L, _EMB // 8, _B // 128, 8, 128), jnp.float32),
        scratch_types=[
            pltpu.VMEM((u_per_w, 128), jnp.int32),
            [pltpu.VMEM((128, _EMB), jnp.float32) for _ in range(nbuf)],
            [pltpu.VMEM((_EMB, 128), jnp.float32) for _ in range(nbuf)],
            [pltpu.SemaphoreType.DMA for _ in range(nbuf)],
            [pltpu.SemaphoreType.DMA for _ in range(nbuf)],
        ],
        compiler_params=pltpu.CompilerParams(
            use_tc_tiling_on_sc=False, needs_layout_passes=False
        ),
    )
    def gather_kernel(idx_hbm, table_hbm, out_hbm, idx_v, rows, tbuf, gsem, ssem):
        wid = lax.axis_index("s") * nc + lax.axis_index("c")
        ubase = wid * u_per_w
        pltpu.sync_copy(idx_hbm.at[pl.ds(ubase, u_per_w)], idx_v)

        riota = lax.iota(jnp.int32, 16)
        rowis = [riota + blk * 16 for blk in range(8)]

        def fire_gather(i, b):
            pltpu.async_copy(table_hbm.at[idx_v.at[i]], rows[b], gsem[b])

        def transpose_unit(b):
            @plsc.parallel_loop(0, _EMB, unroll=4)
            def _(e0):
                erot = jnp.bitwise_and(e0 + riota, _EMB - 1)
                for blk in range(8):
                    v = plsc.load_gather(rows[b], [rowis[blk], erot])
                    plsc.store_scatter(tbuf[b], [erot, rowis[blk]], v)

        def store_unit(i, b):
            u = ubase + i
            l = u // (_B // 128)
            tb = u % (_B // 128)
            for te in range(_EMB // 8):
                pltpu.async_copy(
                    tbuf[b].at[pl.ds(te * 8, 8)], out_hbm.at[l, te, tb], ssem[b]
                )

        def wait_store(i, b):
            u = ubase + i
            l = u // (_B // 128)
            tb = u % (_B // 128)
            for te in range(_EMB // 8):
                pltpu.make_async_copy(
                    tbuf[b].at[pl.ds(te * 8, 8)], out_hbm.at[l, te, tb], ssem[b]
                ).wait()

        for b in range(nbuf):
            fire_gather(b, b)

        def group(g, carry):
            for b in range(nbuf):
                i = g * nbuf + b
                pltpu.make_async_copy(
                    table_hbm.at[idx_v.at[i]], rows[b], gsem[b]
                ).wait()

                @pl.when(g > 0)
                def _():
                    wait_store(i - nbuf, b)

                transpose_unit(b)
                store_unit(i, b)
                j = i + nbuf

                @pl.when(j < u_per_w)
                def _():
                    fire_gather(j, b)

            return carry

        lax.fori_loop(0, n_groups, group, 0)
        for b in range(nbuf):
            wait_store(u_per_w - nbuf + b, b)

    return gather_kernel


def kernel(word_inputs, table):
    idx_units = (
        word_inputs.T.astype(jnp.int32).reshape(_L, _B // 128, 128).reshape(-1, 128)
    )
    out5d = _make_gather(_NBUF)(idx_units, table)
    return out5d.transpose(2, 4, 0, 1, 3).reshape(_B, _L, _EMB)

# --- scband reference (transcript-rebuilt; emitter-appended) ---
"""Pipeline reference for scband-word-rep-91199335563409 (READ-ONLY COPY).

The authoritative reference and input builder live on the scoring server;
editing this copy changes nothing except your own understanding.
"""

import jax, jax.numpy as jnp
import numpy as np

VOCAB = 1000000
EMB = 32
B = 4096
L = 200

def setup_inputs(seed: int = 0) -> dict:
    key = jax.random.key(seed)
    k1, k2 = jax.random.split(key)
    word_inputs = jax.random.randint(k1, (B, L), 0, VOCAB, dtype=jnp.int64 if jax.config.jax_enable_x64 else jnp.int32)
    scale = np.sqrt(3.0 / EMB)
    table = jax.random.uniform(k2, (VOCAB, EMB), dtype=jnp.float32, minval=-scale, maxval=scale)
    return {"word_inputs": word_inputs, "table": table}

def reference(word_inputs, table):
    # word_embs = self.word_embedding(word_inputs)
    word_embs = jnp.take(table, word_inputs, axis=0)
    # torch.cat([word_embs], 2) is identity
    word_represent = word_embs  # dropout is identity in eval mode
    return word_represent

if __name__ == "__main__":
    import jax
    _d = setup_inputs()
    print(jax.jit(kernel)(*tuple(_d.values())))

</pallas_src>

<mosaic_0001>
#map = affine_map<(d0, d1) -> (0, 0)>
#map1 = affine_map<(d0, d1) -> (0, 0, 0, 0, 0)>
module attributes {stable_mosaic.version = 14 : i64} {
  func.func @gather_kernel(%arg0: i32, %arg1: i32, %arg2: memref<6400x128xi32, #tpu.memory_space<hbm>>, %arg3: memref<1000000x32xf32, #tpu.memory_space<hbm>>, %arg4: memref<200x4x32x8x128xf32, #tpu.memory_space<hbm>>, %arg5: memref<200x128xi32, #tpu.memory_space<vmem>>, %arg6: memref<128x32xf32, #tpu.memory_space<vmem>>, %arg7: memref<128x32xf32, #tpu.memory_space<vmem>>, %arg8: memref<128x32xf32, #tpu.memory_space<vmem>>, %arg9: memref<128x32xf32, #tpu.memory_space<vmem>>, %arg10: memref<32x128xf32, #tpu.memory_space<vmem>>, %arg11: memref<32x128xf32, #tpu.memory_space<vmem>>, %arg12: memref<32x128xf32, #tpu.memory_space<vmem>>, %arg13: memref<32x128xf32, #tpu.memory_space<vmem>>, %arg14: memref<!tpu.dma_semaphore, #tpu.memory_space<semaphore_mem>>, %arg15: memref<!tpu.dma_semaphore, #tpu.memory_space<semaphore_mem>>, %arg16: memref<!tpu.dma_semaphore, #tpu.memory_space<semaphore_mem>>, %arg17: memref<!tpu.dma_semaphore, #tpu.memory_space<semaphore_mem>>, %arg18: memref<!tpu.dma_semaphore, #tpu.memory_space<semaphore_mem>>, %arg19: memref<!tpu.dma_semaphore, #tpu.memory_space<semaphore_mem>>, %arg20: memref<!tpu.dma_semaphore, #tpu.memory_space<semaphore_mem>>, %arg21: memref<!tpu.dma_semaphore, #tpu.memory_space<semaphore_mem>>) attributes {dimension_semantics = [#tpu.dimension_semantics<core_parallel>, #tpu.dimension_semantics<subcore_parallel>], iteration_bounds = array<i64: 2, 16>, scalar_prefetch = 0 : i64, scratch_operands = 17 : i64, tpu.core_type = #tpu.core_type<sc_vector_subcore>, window_params = [{transform_indices = #map}, {transform_indices = #map}, {transform_indices = #map1}]} {
    %mul3A = arith.constant 2 : i32
    %mul3A_0 = arith.muli %arg1, %mul3A : i32
    %add3A = arith.addi %mul3A_0, %arg0 : i32
    %mul3A_1 = arith.constant 200 : i32
    %mul3A_2 = arith.muli %add3A, %mul3A_1 : i32
    "tpu.region"() ({
      %run_scoped3A = tpu.sem_alloc : memref<!tpu.dma_semaphore, #tpu.memory_space<semaphore_mem>>
      %dma_start3A_456 = arith.constant 0 : i32
      %dma_start3A_457 = tpu.memref_slice %arg2[%mul3A_2, %dma_start3A_456] : memref<6400x128xi32, #tpu.memory_space<hbm>> -> memref<200x128xi32, #tpu.memory_space<hbm>>
      %dma_start3A_458 = arith.constant 0 : i32
      %dma_start3A_459 = tpu.memref_slice %arg2[%mul3A_2, %dma_start3A_458] : memref<6400x128xi32, #tpu.memory_space<hbm>> -> memref<200x128xi32, #tpu.memory_space<hbm>>
      tpu.enqueue_dma source(%dma_start3A_459 : memref<200x128xi32, #tpu.memory_space<hbm>>) target(%arg5 : memref<200x128xi32, #tpu.memory_space<vmem>>) target_semaphore(%run_scoped3A : memref<!tpu.dma_semaphore, #tpu.memory_space<semaphore_mem>>)
      %dma_wait3A_460 = arith.constant 0 : i32
      %dma_wait3A_461 = tpu.memref_slice %arg2[%mul3A_2, %dma_wait3A_460] : memref<6400x128xi32, #tpu.memory_space<hbm>> -> memref<200x128xi32, #tpu.memory_space<hbm>>
      %dma_wait3A_462 = arith.constant 0 : i32
      %dma_wait3A_463 = tpu.memref_slice %arg2[%mul3A_2, %dma_wait3A_462] : memref<6400x128xi32, #tpu.memory_space<hbm>> -> memref<200x128xi32, #tpu.memory_space<hbm>>
      tpu.wait_dma2 semaphore(%run_scoped3A : memref<!tpu.dma_semaphore, #tpu.memory_space<semaphore_mem>>) src(%dma_wait3A_463 : memref<200x128xi32, #tpu.memory_space<hbm>>) dst(%arg5 : memref<200x128xi32, #tpu.memory_space<vmem>>)
      tpu.yield
    }) : () -> ()
    %iota3A = tpu.iota {dimensions = array<i32: 0>} : vector<16xi32>
    %add3A_3 = arith.constant 0 : i32
    %add3A_4 = vector.broadcast %add3A_3 : i32 to vector<16xi32>
    %add3A_5 = arith.addi %iota3A, %add3A_4 : vector<16xi32>
    %add3A_6 = arith.constant 16 : i32
    %add3A_7 = vector.broadcast %add3A_6 : i32 to vector<16xi32>
    %add3A_8 = arith.addi %iota3A, %add3A_7 : vector<16xi32>
    %add3A_9 = arith.constant 32 : i32
    %add3A_10 = vector.broadcast %add3A_9 : i32 to vector<16xi32>
    %add3A_11 = arith.addi %iota3A, %add3A_10 : vector<16xi32>
    %add3A_12 = arith.constant 48 : i32
    %add3A_13 = vector.broadcast %add3A_12 : i32 to vector<16xi32>
    %add3A_14 = arith.addi %iota3A, %add3A_13 : vector<16xi32>
    %add3A_15 = arith.constant 64 : i32
    %add3A_16 = vector.broadcast %add3A_15 : i32 to vector<16xi32>
    %add3A_17 = arith.addi %iota3A, %add3A_16 : vector<16xi32>
    %add3A_18 = arith.constant 80 : i32
    %add3A_19 = vector.broadcast %add3A_18 : i32 to vector<16xi32>
    %add3A_20 = arith.addi %iota3A, %add3A_19 : vector<16xi32>
    %add3A_21 = arith.constant 96 : i32
    %add3A_22 = vector.broadcast %add3A_21 : i32 to vector<16xi32>
    %add3A_23 = arith.addi %iota3A, %add3A_22 : vector<16xi32>
    %add3A_24 = arith.constant 112 : i32
    %add3A_25 = vector.broadcast %add3A_24 : i32 to vector<16xi32>
    %add3A_26 = arith.addi %iota3A, %add3A_25 : vector<16xi32>
    %dma_start3A = arith.constant 0 : i32
    %dma_start3A_27 = arith.constant 0 : i32
    %dma_start3A_28 = tpu.memref_slice %arg5[%dma_start3A, %dma_start3A_27] : memref<200x128xi32, #tpu.memory_space<vmem>> -> memref<1x128xi32, #tpu.memory_space<vmem>>
    %dma_start3A_29 = tpu.memref_squeeze %dma_start3A_28 : memref<1x128xi32, #tpu.memory_space<vmem>> -> memref<128xi32, #tpu.memory_space<vmem>>
    %dma_start3A_30 = arith.constant 0 : i32
    %dma_start3A_31 = arith.constant 0 : i32
    %dma_start3A_32 = tpu.memref_slice %arg3[%dma_start3A_30, %dma_start3A_31] : memref<1000000x32xf32, #tpu.memory_space<hbm>> -> memref<1000000x32xf32, #tpu.memory_space<hbm>>
    tpu.enqueue_indirect_dma source(%dma_start3A_32 : memref<1000000x32xf32, #tpu.memory_space<hbm>>) target(%arg6 : memref<128x32xf32, #tpu.memory_space<vmem>>) offsets(%dma_start3A_29 : memref<128xi32, #tpu.memory_space<vmem>>) semaphore(%arg14 : memref<!tpu.dma_semaphore, #tpu.memory_space<semaphore_mem>>)
    %dma_start3A_33 = arith.constant 1 : i32
    %dma_start3A_34 = arith.constant 0 : i32
    %dma_start3A_35 = tpu.memref_slice %arg5[%dma_start3A_33, %dma_start3A_34] : memref<200x128xi32, #tpu.memory_space<vmem>> -> memref<1x128xi32, #tpu.memory_space<vmem>>
    %dma_start3A_36 = tpu.memref_squeeze %dma_start3A_35 : memref<1x128xi32, #tpu.memory_space<vmem>> -> memref<128xi32, #tpu.memory_space<vmem>>
    %dma_start3A_37 = arith.constant 0 : i32
    %dma_start3A_38 = arith.constant 0 : i32
    %dma_start3A_39 = tpu.memref_slice %arg3[%dma_start3A_37, %dma_start3A_38] : memref<1000000x32xf32, #tpu.memory_space<hbm>> -> memref<1000000x32xf32, #tpu.memory_space<hbm>>
    tpu.enqueue_indirect_dma source(%dma_start3A_39 : memref<1000000x32xf32, #tpu.memory_space<hbm>>) target(%arg7 : memref<128x32xf32, #tpu.memory_space<vmem>>) offsets(%dma_start3A_36 : memref<128xi32, #tpu.memory_space<vmem>>) semaphore(%arg15 : memref<!tpu.dma_semaphore, #tpu.memory_space<semaphore_mem>>)
    %dma_start3A_40 = arith.constant 2 : i32
    %dma_start3A_41 = arith.constant 0 : i32
    %dma_start3A_42 = tpu.memref_slice %arg5[%dma_start3A_40, %dma_start3A_41] : memref<200x128xi32, #tpu.memory_space<vmem>> -> memref<1x128xi32, #tpu.memory_space<vmem>>
    %dma_start3A_43 = tpu.memref_squeeze %dma_start3A_42 : memref<1x128xi32, #tpu.memory_space<vmem>> -> memref<128xi32, #tpu.memory_space<vmem>>
    %dma_start3A_44 = arith.constant 0 : i32
    %dma_start3A_45 = arith.constant 0 : i32
    %dma_start3A_46 = tpu.memref_slice %arg3[%dma_start3A_44, %dma_start3A_45] : memref<1000000x32xf32, #tpu.memory_space<hbm>> -> memref<1000000x32xf32, #tpu.memory_space<hbm>>
    tpu.enqueue_indirect_dma source(%dma_start3A_46 : memref<1000000x32xf32, #tpu.memory_space<hbm>>) target(%arg8 : memref<128x32xf32, #tpu.memory_space<vmem>>) offsets(%dma_start3A_43 : memref<128xi32, #tpu.memory_space<vmem>>) semaphore(%arg16 : memref<!tpu.dma_semaphore, #tpu.memory_space<semaphore_mem>>)
    %dma_start3A_47 = arith.constant 3 : i32
    %dma_start3A_48 = arith.constant 0 : i32
    %dma_start3A_49 = tpu.memref_slice %arg5[%dma_start3A_47, %dma_start3A_48] : memref<200x128xi32, #tpu.memory_space<vmem>> -> memref<1x128xi32, #tpu.memory_space<vmem>>
    %dma_start3A_50 = tpu.memref_squeeze %dma_start3A_49 : memref<1x128xi32, #tpu.memory_space<vmem>> -> memref<128xi32, #tpu.memory_space<vmem>>
    %dma_start3A_51 = arith.constant 0 : i32
    %dma_start3A_52 = arith.constant 0 : i32
    %dma_start3A_53 = tpu.memref_slice %arg3[%dma_start3A_51, %dma_start3A_52] : memref<1000000x32xf32, #tpu.memory_space<hbm>> -> memref<1000000x32xf32, #tpu.memory_space<hbm>>
    tpu.enqueue_indirect_dma source(%dma_start3A_53 : memref<1000000x32xf32, #tpu.memory_space<hbm>>) target(%arg9 : memref<128x32xf32, #tpu.memory_space<vmem>>) offsets(%dma_start3A_50 : memref<128xi32, #tpu.memory_space<vmem>>) semaphore(%arg17 : memref<!tpu.dma_semaphore, #tpu.memory_space<semaphore_mem>>)
    %scan3A = arith.constant 0 : i32
    %scan3A_54 = arith.constant 0 : i32
    %scan3A_55 = arith.constant 50 : i32
    %scan3A_56 = arith.addi %scan3A_54, %scan3A_55 : i32
    %scan3A_57 = arith.constant 1 : i32
    scf.for %scan3A_456 = %scan3A_54 to %scan3A_56 step %scan3A_57  : i32 {
      %mul3A_457 = arith.constant 4 : i32
      %mul3A_458 = arith.muli %scan3A_456, %mul3A_457 : i32
      %add3A_459 = arith.constant 0 : i32
      %add3A_460 = arith.addi %mul3A_458, %add3A_459 : i32
      %dma_wait3A_461 = arith.constant 0 : i32
      %dma_wait3A_462 = tpu.memref_slice %arg5[%add3A_460, %dma_wait3A_461] : memref<200x128xi32, #tpu.memory_space<vmem>> -> memref<1x128xi32, #tpu.memory_space<vmem>>
      %dma_wait3A_463 = tpu.memref_squeeze %dma_wait3A_462 : memref<1x128xi32, #tpu.memory_space<vmem>> -> memref<128xi32, #tpu.memory_space<vmem>>
      %dma_wait3A_464 = arith.constant 0 : i32
      %dma_wait3A_465 = arith.constant 0 : i32
      %dma_wait3A_466 = tpu.memref_slice %arg3[%dma_wait3A_464, %dma_wait3A_465] : memref<1000000x32xf32, #tpu.memory_space<hbm>> -> memref<1000000x32xf32, #tpu.memory_space<hbm>>
      tpu.wait_indirect_dma semaphore(%arg14 : memref<!tpu.dma_semaphore, #tpu.memory_space<semaphore_mem>>) src(%dma_wait3A_466 : memref<1000000x32xf32, #tpu.memory_space<hbm>>) dst(%arg6 : memref<128x32xf32, #tpu.memory_space<vmem>>)
      %gt3A = arith.constant 0 : i32
      %gt3A_467 = arith.cmpi sgt, %scan3A_456, %gt3A : i32
      %convert_element_type3A = arith.extui %gt3A_467 : i1 to i32
      %cond3A = arith.constant 0 : i32
      %cond3A_468 = arith.cmpi ne, %convert_element_type3A, %cond3A : i32
      scf.if %cond3A_468 {
        %sub3A_957 = arith.constant 4 : i32
        %sub3A_958 = arith.subi %add3A_460, %sub3A_957 : i32
        %add3A_959 = arith.addi %mul3A_2, %sub3A_958 : i32
        %jit3A_960 = arith.constant 32 : i32
        %div3A_961 = arith.divsi %add3A_959, %jit3A_960 : i32
        %sign3A_962 = arith.constant 0 : i32
        %sign3A_963 = arith.cmpi sgt, %add3A_959, %sign3A_962 : i32
        %sign3A_964 = arith.extui %sign3A_963 : i1 to i32
        %sign3A_965 = arith.constant 0 : i32
        %sign3A_966 = arith.cmpi slt, %add3A_959, %sign3A_965 : i32
        %sign3A_967 = arith.extui %sign3A_966 : i1 to i32
        %sign3A_968 = arith.subi %sign3A_964, %sign3A_967 : i32
        %sign3A_969 = arith.constant 0 : i32
        %sign3A_970 = arith.cmpi sgt, %jit3A_960, %sign3A_969 : i32
        %sign3A_971 = arith.extui %sign3A_970 : i1 to i32
        %sign3A_972 = arith.constant 0 : i32
        %sign3A_973 = arith.cmpi slt, %jit3A_960, %sign3A_972 : i32
        %sign3A_974 = arith.extui %sign3A_973 : i1 to i32
        %sign3A_975 = arith.subi %sign3A_971, %sign3A_974 : i32
        %ne3A_976 = arith.cmpi ne, %sign3A_968, %sign3A_975 : i32
        %rem3A_977 = arith.remsi %add3A_959, %jit3A_960 : i32
        %ne3A_978 = arith.constant 0 : i32
        %ne3A_979 = arith.cmpi ne, %rem3A_977, %ne3A_978 : i32
        %and3A_980 = arith.andi %ne3A_976, %ne3A_979 : i1
        %sub3A_981 = arith.constant 1 : i32
        %sub3A_982 = arith.subi %div3A_961, %sub3A_981 : i32
        %select_n3A_983 = arith.select %and3A_980, %sub3A_982, %div3A_961 : i32
        %jit3A_984 = arith.constant 32 : i32
        %eq3A_985 = arith.constant 0 : i32
        %eq3A_986 = arith.cmpi eq, %jit3A_984, %eq3A_985 : i32
        %jit3A_987 = arith.constant 1 : i32
        %select_n3A_988 = arith.select %eq3A_986, %jit3A_987, %jit3A_984 : i32
        %rem3A_989 = arith.remsi %add3A_959, %select_n3A_988 : i32
        %ne3A_990 = arith.constant 0 : i32
        %ne3A_991 = arith.cmpi ne, %rem3A_989, %ne3A_990 : i32
        %lt3A_992 = arith.constant 0 : i32
        %lt3A_993 = arith.cmpi slt, %rem3A_989, %lt3A_992 : i32
        %lt3A_994 = arith.constant 0 : i32
        %lt3A_995 = arith.cmpi slt, %select_n3A_988, %lt3A_994 : i32
        %ne3A_996 = arith.xori %lt3A_993, %lt3A_995 : i1
        %and3A_997 = arith.andi %ne3A_996, %ne3A_991 : i1
        %add3A_998 = arith.addi %rem3A_989, %select_n3A_988 : i32
        %select_n3A_999 = arith.select %and3A_997, %add3A_998, %rem3A_989 : i32
        %dma_wait3A_1000 = arith.constant 0 : i32
        %dma_wait3A_1001 = arith.constant 0 : i32
        %dma_wait3A_1002 = arith.constant 0 : i32
        %dma_wait3A_1003 = tpu.memref_slice %arg10[%dma_wait3A_1001, %dma_wait3A_1002] : memref<32x128xf32, #tpu.memory_space<vmem>> -> memref<8x128xf32, #tpu.memory_space<vmem>>
        %dma_wait3A_1004 = arith.constant 0 : i32
        %dma_wait3A_1005 = arith.constant 0 : i32
        %dma_wait3A_1006 = tpu.memref_slice %arg4[%select_n3A_983, %dma_wait3A_1000, %select_n3A_999, %dma_wait3A_1004, %dma_wait3A_1005] : memref<200x4x32x8x128xf32, #tpu.memory_space<hbm>> -> memref<1x1x1x8x128xf32, #tpu.memory_space<hbm>>
        %dma_wait3A_1007 = tpu.memref_squeeze %dma_wait3A_1006 : memref<1x1x1x8x128xf32, #tpu.memory_space<hbm>> -> memref<8x128xf32, #tpu.memory_space<hbm>>
        %dma_wait3A_1008 = arith.constant 0 : i32
        %dma_wait3A_1009 = arith.constant 0 : i32
        %dma_wait3A_1010 = tpu.memref_slice %arg4[%select_n3A_983, %dma_wait3A_1000, %select_n3A_999, %dma_wait3A_1008, %dma_wait3A_1009] : memref<200x4x32x8x128xf32, #tpu.memory_space<hbm>> -> memref<1x1x1x8x128xf32, #tpu.memory_space<hbm>>
        %dma_wait3A_1011 = tpu.memref_squeeze %dma_wait3A_1010 : memref<1x1x1x8x128xf32, #tpu.memory_space<hbm>> -> memref<8x128xf32, #tpu.memory_space<hbm>>
        %dma_wait3A_1012 = arith.constant 0 : i32
        %dma_wait3A_1013 = arith.constant 0 : i32
        %dma_wait3A_1014 = tpu.memref_slice %arg10[%dma_wait3A_1012, %dma_wait3A_1013] : memref<32x128xf32, #tpu.memory_space<vmem>> -> memref<8x128xf32, #tpu.memory_space<vmem>>
        tpu.wait_dma2 semaphore(%arg18 : memref<!tpu.dma_semaphore, #tpu.memory_space<semaphore_mem>>) src(%dma_wait3A_1014 : memref<8x128xf32, #tpu.memory_space<vmem>>) dst(%dma_wait3A_1011 : memref<8x128xf32, #tpu.memory_space<hbm>>)
        %dma_wait3A_1015 = arith.constant 1 : i32
        %dma_wait3A_1016 = arith.constant 8 : i32
        %dma_wait3A_1017 = arith.constant 0 : i32
        %dma_wait3A_1018 = tpu.memref_slice %arg10[%dma_wait3A_1016, %dma_wait3A_1017] : memref<32x128xf32, #tpu.memory_space<vmem>> -> memref<8x128xf32, #tpu.memory_space<vmem>>
        %dma_wait3A_1019 = arith.constant 0 : i32
        %dma_wait3A_1020 = arith.constant 0 : i32
        %dma_wait3A_1021 = tpu.memref_slice %arg4[%select_n3A_983, %dma_wait3A_1015, %select_n3A_999, %dma_wait3A_1019, %dma_wait3A_1020] : memref<200x4x32x8x128xf32, #tpu.memory_space<hbm>> -> memref<1x1x1x8x128xf32, #tpu.memory_space<hbm>>
        %dma_wait3A_1022 = tpu.memref_squeeze %dma_wait3A_1021 : memref<1x1x1x8x128xf32, #tpu.memory_space<hbm>> -> memref<8x128xf32, #tpu.memory_space<hbm>>
        %dma_wait3A_1023 = arith.constant 0 : i32
        %dma_wait3A_1024 = arith.constant 0 : i32
        %dma_wait3A_1025 = tpu.memref_slice %arg4[%select_n3A_983, %dma_wait3A_1015, %select_n3A_999, %dma_wait3A_1023, %dma_wait3A_1024] : memref<200x4x32x8x128xf32, #tpu.memory_space<hbm>> -> memref<1x1x1x8x128xf32, #tpu.memory_space<hbm>>
        %dma_wait3A_1026 = tpu.memref_squeeze %dma_wait3A_1025 : memref<1x1x1x8x128xf32, #tpu.memory_space<hbm>> -> memref<8x128xf32, #tpu.memory_space<hbm>>
        %dma_wait3A_1027 = arith.constant 8 : i32
        %dma_wait3A_1028 = arith.constant 0 : i32
        %dma_wait3A_1029 = tpu.memref_slice %arg10[%dma_wait3A_1027, %dma_wait3A_1028] : memref<32x128xf32, #tpu.memory_space<vmem>> -> memref<8x128xf32, #tpu.memory_space<vmem>>
        tpu.wait_dma2 semaphore(%arg18 : memref<!tpu.dma_semaphore, #tpu.memory_space<semaphore_mem>>) src(%dma_wait3A_1029 : memref<8x128xf32, #tpu.memory_space<vmem>>) dst(%dma_wait3A_1026 : memref<8x128xf32, #tpu.memory_space<hbm>>)
        %dma_wait3A_1030 = arith.constant 2 : i32
        %dma_wait3A_1031 = arith.constant 16 : i32
        %dma_wait3A_1032 = arith.constant 0 : i32
        %dma_wait3A_1033 = tpu.memref_slice %arg10[%dma_wait3A_1031, %dma_wait3A_1032] : memref<32x128xf32, #tpu.memory_space<vmem>> -> memref<8x128xf32, #tpu.memory_space<vmem>>
        %dma_wait3A_1034 = arith.constant 0 : i32
        %dma_wait3A_1035 = arith.constant 0 : i32
        %dma_wait3A_1036 = tpu.memref_slice %arg4[%select_n3A_983, %dma_wait3A_1030, %select_n3A_999, %dma_wait3A_1034, %dma_wait3A_1035] : memref<200x4x32x8x128xf32, #tpu.memory_space<hbm>> -> memref<1x1x1x8x128xf32, #tpu.memory_space<hbm>>
        %dma_wait3A_1037 = tpu.memref_squeeze %dma_wait3A_1036 : memref<1x1x1x8x128xf32, #tpu.memory_space<hbm>> -> memref<8x128xf32, #tpu.memory_space<hbm>>
        %dma_wait3A_1038 = arith.constant 0 : i32
        %dma_wait3A_1039 = arith.constant 0 : i32
        %dma_wait3A_1040 = tpu.memref_slice %arg4[%select_n3A_983, %dma_wait3A_1030, %select_n3A_999, %dma_wait3A_1038, %dma_wait3A_1039] : memref<200x4x32x8x128xf32, #tpu.memory_space<hbm>> -> memref<1x1x1x8x128xf32, #tpu.memory_space<hbm>>
        %dma_wait3A_1041 = tpu.memref_squeeze %dma_wait3A_1040 : memref<1x1x1x8x128xf32, #tpu.memory_space<hbm>> -> memref<8x128xf32, #tpu.memory_space<hbm>>
        %dma_wait3A_1042 = arith.constant 16 : i32
        %dma_wait3A_1043 = arith.constant 0 : i32
        %dma_wait3A_1044 = tpu.memref_slice %arg10[%dma_wait3A_1042, %dma_wait3A_1043] : memref<32x128xf32, #tpu.memory_space<vmem>> -> memref<8x128xf32, #tpu.memory_space<vmem>>
        tpu.wait_dma2 semaphore(%arg18 : memref<!tpu.dma_semaphore, #tpu.memory_space<semaphore_mem>>) src(%dma_wait3A_1044 : memref<8x128xf32, #tpu.memory_space<vmem>>) dst(%dma_wait3A_1041 : memref<8x128xf32, #tpu.memory_space<hbm>>)
        %dma_wait3A_1045 = arith.constant 3 : i32
        %dma_wait3A_1046 = arith.constant 24 : i32
        %dma_wait3A_1047 = arith.constant 0 : i32
        %dma_wait3A_1048 = tpu.memref_slice %arg10[%dma_wait3A_1046, %dma_wait3A_1047] : memref<32x128xf32, #tpu.memory_space<vmem>> -> memref<8x128xf32, #tpu.memory_space<vmem>>
        %dma_wait3A_1049 = arith.constant 0 : i32
        %dma_wait3A_1050 = arith.constant 0 : i32
        %dma_wait3A_1051 = tpu.memref_slice %arg4[%select_n3A_983, %dma_wait3A_1045, %select_n3A_999, %dma_wait3A_1049, %dma_wait3A_1050] : memref<200x4x32x8x128xf32, #tpu.memory_space<hbm>> -> memref<1x1x1x8x128xf32, #tpu.memory_space<hbm>>
        %dma_wait3A_1052 = tpu.memref_squeeze %dma_wait3A_1051 : memref<1x1x1x8x128xf32, #tpu.memory_space<hbm>> -> memref<8x128xf32, #tpu.memory_space<hbm>>
        %dma_wait3A_1053 = arith.constant 0 : i32
        %dma_wait3A_1054 = arith.constant 0 : i32
        %dma_wait3A_1055 = tpu.memref_slice %arg4[%select_n3A_983, %dma_wait3A_1045, %select_n3A_999, %dma_wait3A_1053, %dma_wait3A_1054] : memref<200x4x32x8x128xf32, #tpu.memory_space<hbm>> -> memref<1x1x1x8x128xf32, #tpu.memory_space<hbm>>
        %dma_wait3A_1056 = tpu.memref_squeeze %dma_wait3A_1055 : memref<1x1x1x8x128xf32, #tpu.memory_space<hbm>> -> memref<8x128xf32, #tpu.memory_space<hbm>>
        %dma_wait3A_1057 = arith.constant 24 : i32
        %dma_wait3A_1058 = arith.constant 0 : i32
        %dma_wait3A_1059 = tpu.memref_slice %arg10[%dma_wait3A_1057, %dma_wait3A_1058] : memref<32x128xf32, #tpu.memory_space<vmem>> -> memref<8x128xf32, #tpu.memory_space<vmem>>
        tpu.wait_dma2 semaphore(%arg18 : memref<!tpu.dma_semaphore, #tpu.memory_space<semaphore_mem>>) src(%dma_wait3A_1059 : memref<8x128xf32, #tpu.memory_space<vmem>>) dst(%dma_wait3A_1056 : memref<8x128xf32, #tpu.memory_space<hbm>>)
      } else {
      }
      %parallel_loop3A = arith.constant 0 : i32
      %parallel_loop3A_469 = arith.constant 32 : i32
      %parallel_loop3A_470 = arith.constant 1 : i32
      scf.for %parallel_loop3A_957 = %parallel_loop3A to %parallel_loop3A_469 step %parallel_loop3A_470  : i32 {
        %parallel_loop3A_958 = vector.broadcast %parallel_loop3A_957 : i32 to vector<16xi32>
        %parallel_loop3A_959 = arith.addi %parallel_loop3A_958, %iota3A : vector<16xi32>
        %parallel_loop3A_960 = arith.constant 31 : i32
        %parallel_loop3A_961 = vector.broadcast %parallel_loop3A_960 : i32 to vector<16xi32>
        %parallel_loop3A_962 = arith.andi %parallel_loop3A_959, %parallel_loop3A_961 : vector<16xi32>
        %parallel_loop3A_963 = tpu.vector_load_idx %arg6[%add3A_5, %parallel_loop3A_962] : memref<128x32xf32, #tpu.memory_space<vmem>>[vector<16xi32>, vector<16xi32>], vector<16xf32>,
        tpu.vector_store_idx %arg10[%parallel_loop3A_962, %add3A_5], %parallel_loop3A_963 : memref<32x128xf32, #tpu.memory_space<vmem>>[vector<16xi32>, vector<16xi32>], vector<16xf32>,
        %parallel_loop3A_964 = tpu.vector_load_idx %arg6[%add3A_8, %parallel_loop3A_962] : memref<128x32xf32, #tpu.memory_space<vmem>>[vector<16xi32>, vector<16xi32>], vector<16xf32>,
        tpu.vector_store_idx %arg10[%parallel_loop3A_962, %add3A_8], %parallel_loop3A_964 : memref<32x128xf32, #tpu.memory_space<vmem>>[vector<16xi32>, vector<16xi32>], vector<16xf32>,
        %parallel_loop3A_965 = tpu.vector_load_idx %arg6[%add3A_11, %parallel_loop3A_962] : memref<128x32xf32, #tpu.memory_space<vmem>>[vector<16xi32>, vector<16xi32>], vector<16xf32>,
        tpu.vector_store_idx %arg10[%parallel_loop3A_962, %add3A_11], %parallel_loop3A_965 : memref<32x128xf32, #tpu.memory_space<vmem>>[vector<16xi32>, vector<16xi32>], vector<16xf32>,
        %parallel_loop3A_966 = tpu.vector_load_idx %arg6[%add3A_14, %parallel_loop3A_962] : memref<128x32xf32, #tpu.memory_space<vmem>>[vector<16xi32>, vector<16xi32>], vector<16xf32>,
        tpu.vector_store_idx %arg10[%parallel_loop3A_962, %add3A_14], %parallel_loop3A_966 : memref<32x128xf32, #tpu.memory_space<vmem>>[vector<16xi32>, vector<16xi32>], vector<16xf32>,
        %parallel_loop3A_967 = tpu.vector_load_idx %arg6[%add3A_17, %parallel_loop3A_962] : memref<128x32xf32, #tpu.memory_space<vmem>>[vector<16xi32>, vector<16xi32>], vector<16xf32>,
        tpu.vector_store_idx %arg10[%parallel_loop3A_962, %add3A_17], %parallel_loop3A_967 : memref<32x128xf32, #tpu.memory_space<vmem>>[vector<16xi32>, vector<16xi32>], vector<16xf32>,
        %parallel_loop3A_968 = tpu.vector_load_idx %arg6[%add3A_20, %parallel_loop3A_962] : memref<128x32xf32, #tpu.memory_space<vmem>>[vector<16xi32>, vector<16xi32>], vector<16xf32>,
        tpu.vector_store_idx %arg10[%parallel_loop3A_962, %add3A_20], %parallel_loop3A_968 : memref<32x128xf32, #tpu.memory_space<vmem>>[vector<16xi32>, vector<16xi32>], vector<16xf32>,
        %parallel_loop3A_969 = tpu.vector_load_idx %arg6[%add3A_23, %parallel_loop3A_962] : memref<128x32xf32, #tpu.memory_space<vmem>>[vector<16xi32>, vector<16xi32>], vector<16xf32>,
        tpu.vector_store_idx %arg10[%parallel_loop3A_962, %add3A_23], %parallel_loop3A_969 : memref<32x128xf32, #tpu.memory_space<vmem>>[vector<16xi32>, vector<16xi32>], vector<16xf32>,
        %parallel_loop3A_970 = tpu.vector_load_idx %arg6[%add3A_26, %parallel_loop3A_962] : memref<128x32xf32, #tpu.memory_space<vmem>>[vector<16xi32>, vector<16xi32>], vector<16xf32>,
        tpu.vector_store_idx %arg10[%parallel_loop3A_962, %add3A_26], %parallel_loop3A_970 : memref<32x128xf32, #tpu.memory_space<vmem>>[vector<16xi32>, vector<16xi32>], vector<16xf32>,
      } {sc.loop_unroll_factor = 4 : i64, sc.parallel_access}
      %add3A_471 = arith.addi %mul3A_2, %add3A_460 : i32
      %jit3A_472 = arith.constant 32 : i32
      %div3A_473 = arith.divsi %add3A_471, %jit3A_472 : i32
      %sign3A_474 = arith.constant 0 : i32
      %sign3A_475 = arith.cmpi sgt, %add3A_471, %sign3A_474 : i32
      %sign3A_476 = arith.extui %sign3A_475 : i1 to i32
      %sign3A_477 = arith.constant 0 : i32
      %sign3A_478 = arith.cmpi slt, %add3A_471, %sign3A_477 : i32
      %sign3A_479 = arith.extui %sign3A_478 : i1 to i32
      %sign3A_480 = arith.subi %sign3A_476, %sign3A_479 : i32
      %sign3A_481 = arith.constant 0 : i32
      %sign3A_482 = arith.cmpi sgt, %jit3A_472, %sign3A_481 : i32
      %sign3A_483 = arith.extui %sign3A_482 : i1 to i32
      %sign3A_484 = arith.constant 0 : i32
      %sign3A_485 = arith.cmpi slt, %jit3A_472, %sign3A_484 : i32
      %sign3A_486 = arith.extui %sign3A_485 : i1 to i32
      %sign3A_487 = arith.subi %sign3A_483, %sign3A_486 : i32
      %ne3A_488 = arith.cmpi ne, %sign3A_480, %sign3A_487 : i32
      %rem3A_489 = arith.remsi %add3A_471, %jit3A_472 : i32
      %ne3A_490 = arith.constant 0 : i32
      %ne3A_491 = arith.cmpi ne, %rem3A_489, %ne3A_490 : i32
      %and3A_492 = arith.andi %ne3A_488, %ne3A_491 : i1
      %sub3A_493 = arith.constant 1 : i32
      %sub3A_494 = arith.subi %div3A_473, %sub3A_493 : i32
      %select_n3A_495 = arith.select %and3A_492, %sub3A_494, %div3A_473 : i32
      %jit3A_496 = arith.constant 32 : i32
      %eq3A_497 = arith.constant 0 : i32
      %eq3A_498 = arith.cmpi eq, %jit3A_496, %eq3A_497 : i32
      %jit3A_499 = arith.constant 1 : i32
      %select_n3A_500 = arith.select %eq3A_498, %jit3A_499, %jit3A_496 : i32
      %rem3A_501 = arith.remsi %add3A_471, %select_n3A_500 : i32
      %ne3A_502 = arith.constant 0 : i32
      %ne3A_503 = arith.cmpi ne, %rem3A_501, %ne3A_502 : i32
      %lt3A_504 = arith.constant 0 : i32
      %lt3A_505 = arith.cmpi slt, %rem3A_501, %lt3A_504 : i32
      %lt3A_506 = arith.constant 0 : i32
      %lt3A_507 = arith.cmpi slt, %select_n3A_500, %lt3A_506 : i32
      %ne3A_508 = arith.xori %lt3A_505, %lt3A_507 : i1
      %and3A_509 = arith.andi %ne3A_508, %ne3A_503 : i1
      %add3A_510 = arith.addi %rem3A_501, %select_n3A_500 : i32
      %select_n3A_511 = arith.select %and3A_509, %add3A_510, %rem3A_501 : i32
      %dma_start3A_512 = arith.constant 0 : i32
      %dma_start3A_513 = arith.constant 0 : i32
      %dma_start3A_514 = arith.constant 0 : i32
      %dma_start3A_515 = tpu.memref_slice %arg10[%dma_start3A_513, %dma_start3A_514] : memref<32x128xf32, #tpu.memory_space<vmem>> -> memref<8x128xf32, #tpu.memory_space<vmem>>
      %dma_start3A_516 = arith.constant 0 : i32
      %dma_start3A_517 = arith.constant 0 : i32
      %dma_start3A_518 = tpu.memref_slice %arg4[%select_n3A_495, %dma_start3A_512, %select_n3A_511, %dma_start3A_516, %dma_start3A_517] : memref<200x4x32x8x128xf32, #tpu.memory_space<hbm>> -> memref<1x1x1x8x128xf32, #tpu.memory_space<hbm>>
      %dma_start3A_519 = tpu.memref_squeeze %dma_start3A_518 : memref<1x1x1x8x128xf32, #tpu.memory_space<hbm>> -> memref<8x128xf32, #tpu.memory_space<hbm>>
      %dma_start3A_520 = arith.constant 0 : i32
      %dma_start3A_521 = arith.constant 0 : i32
      %dma_start3A_522 = tpu.memref_slice %arg4[%select_n3A_495, %dma_start3A_512, %select_n3A_511, %dma_start3A_520, %dma_start3A_521] : memref<200x4x32x8x128xf32, #tpu.memory_space<hbm>> -> memref<1x1x1x8x128xf32, #tpu.memory_space<hbm>>
      %dma_start3A_523 = tpu.memref_squeeze %dma_start3A_522 : memref<1x1x1x8x128xf32, #tpu.memory_space<hbm>> -> memref<8x128xf32, #tpu.memory_space<hbm>>
      %dma_start3A_524 = arith.constant 0 : i32
      %dma_start3A_525 = arith.constant 0 : i32
      %dma_start3A_526 = tpu.memref_slice %arg10[%dma_start3A_524, %dma_start3A_525] : memref<32x128xf32, #tpu.memory_space<vmem>> -> memref<8x128xf32, #tpu.memory_space<vmem>>
      tpu.enqueue_dma source(%dma_start3A_526 : memref<8x128xf32, #tpu.memory_space<vmem>>) target(%dma_start3A_523 : memref<8x128xf32, #tpu.memory_space<hbm>>) target_semaphore(%arg18 : memref<!tpu.dma_semaphore, #tpu.memory_space<semaphore_mem>>)
      %dma_start3A_527 = arith.constant 1 : i32
      %dma_start3A_528 = arith.constant 8 : i32
      %dma_start3A_529 = arith.constant 0 : i32
      %dma_start3A_530 = tpu.memref_slice %arg10[%dma_start3A_528, %dma_start3A_529] : memref<32x128xf32, #tpu.memory_space<vmem>> -> memref<8x128xf32, #tpu.memory_space<vmem>>
      %dma_start3A_531 = arith.constant 0 : i32
      %dma_start3A_532 = arith.constant 0 : i32
      %dma_start3A_533 = tpu.memref_slice %arg4[%select_n3A_495, %dma_start3A_527, %select_n3A_511, %dma_start3A_531, %dma_start3A_532] : memref<200x4x32x8x128xf32, #tpu.memory_space<hbm>> -> memref<1x1x1x8x128xf32, #tpu.memory_space<hbm>>
      %dma_start3A_534 = tpu.memref_squeeze %dma_start3A_533 : memref<1x1x1x8x128xf32, #tpu.memory_space<hbm>> -> memref<8x128xf32, #tpu.memory_space<hbm>>
      %dma_start3A_535 = arith.constant 0 : i32
      %dma_start3A_536 = arith.constant 0 : i32
      %dma_start3A_537 = tpu.memref_slice %arg4[%select_n3A_495, %dma_start3A_527, %select_n3A_511, %dma_start3A_535, %dma_start3A_536] : memref<200x4x32x8x128xf32, #tpu.memory_space<hbm>> -> memref<1x1x1x8x128xf32, #tpu.memory_space<hbm>>
      %dma_start3A_538 = tpu.memref_squeeze %dma_start3A_537 : memref<1x1x1x8x128xf32, #tpu.memory_space<hbm>> -> memref<8x128xf32, #tpu.memory_space<hbm>>
      %dma_start3A_539 = arith.constant 8 : i32
      %dma_start3A_540 = arith.constant 0 : i32
      %dma_start3A_541 = tpu.memref_slice %arg10[%dma_start3A_539, %dma_start3A_540] : memref<32x128xf32, #tpu.memory_space<vmem>> -> memref<8x128xf32, #tpu.memory_space<vmem>>
      tpu.enqueue_dma source(%dma_start3A_541 : memref<8x128xf32, #tpu.memory_space<vmem>>) target(%dma_start3A_538 : memref<8x128xf32, #tpu.memory_space<hbm>>) target_semaphore(%arg18 : memref<!tpu.dma_semaphore, #tpu.memory_space<semaphore_mem>>)
      %dma_start3A_542 = arith.constant 2 : i32
      %dma_start3A_543 = arith.constant 16 : i32
      %dma_start3A_544 = arith.constant 0 : i32
      %dma_start3A_545 = tpu.memref_slice %arg10[%dma_start3A_543, %dma_start3A_544] : memref<32x128xf32, #tpu.memory_space<vmem>> -> memref<8x128xf32, #tpu.memory_space<vmem>>
      %dma_start3A_546 = arith.constant 0 : i32
      %dma_start3A_547 = arith.constant 0 : i32
      %dma_start3A_548 = tpu.memref_slice %arg4[%select_n3A_495, %dma_start3A_542, %select_n3A_511, %dma_start3A_546, %dma_start3A_547] : memref<200x4x32x8x128xf32, #tpu.memory_space<hbm>> -> memref<1x1x1x8x128xf32, #tpu.memory_space<hbm>>
      %dma_start3A_549 = tpu.memref_squeeze %dma_start3A_548 : memref<1x1x1x8x128xf32, #tpu.memory_space<hbm>> -> memref<8x128xf32, #tpu.memory_space<hbm>>
      %dma_start3A_550 = arith.constant 0 : i32
      %dma_start3A_551 = arith.constant 0 : i32
      %dma_start3A_552 = tpu.memref_slice %arg4[%select_n3A_495, %dma_start3A_542, %select_n3A_511, %dma_start3A_550, %dma_start3A_551] : memref<200x4x32x8x128xf32, #tpu.memory_space<hbm>> -> memref<1x1x1x8x128xf32, #tpu.memory_space<hbm>>
      %dma_start3A_553 = tpu.memref_squeeze %dma_start3A_552 : memref<1x1x1x8x128xf32, #tpu.memory_space<hbm>> -> memref<8x128xf32, #tpu.memory_space<hbm>>
      %dma_start3A_554 = arith.constant 16 : i32
      %dma_start3A_555 = arith.constant 0 : i32
      %dma_start3A_556 = tpu.memref_slice %arg10[%dma_start3A_554, %dma_start3A_555] : memref<32x128xf32, #tpu.memory_space<vmem>> -> memref<8x128xf32, #tpu.memory_space<vmem>>
      tpu.enqueue_dma source(%dma_start3A_556 : memref<8x128xf32, #tpu.memory_space<vmem>>) target(%dma_start3A_553 : memref<8x128xf32, #tpu.memory_space<hbm>>) target_semaphore(%arg18 : memref<!tpu.dma_semaphore, #tpu.memory_space<semaphore_mem>>)
      %dma_start3A_557 = arith.constant 3 : i32
      %dma_start3A_558 = arith.constant 24 : i32
      %dma_start3A_559 = arith.constant 0 : i32
      %dma_start3A_560 = tpu.memref_slice %arg10[%dma_start3A_558, %dma_start3A_559] : memref<32x128xf32, #tpu.memory_space<vmem>> -> memref<8x128xf32, #tpu.memory_space<vmem>>
      %dma_start3A_561 = arith.constant 0 : i32
      %dma_start3A_562 = arith.constant 0 : i32
      %dma_start3A_563 = tpu.memref_slice %arg4[%select_n3A_495, %dma_start3A_557, %select_n3A_511, %dma_start3A_561, %dma_start3A_562] : memref<200x4x32x8x128xf32, #tpu.memory_space<hbm>> -> memref<1x1x1x8x128xf32, #tpu.memory_space<hbm>>
      %dma_start3A_564 = tpu.memref_squeeze %dma_start3A_563 : memref<1x1x1x8x128xf32, #tpu.memory_space<hbm>> -> memref<8x128xf32, #tpu.memory_space<hbm>>
      %dma_start3A_565 = arith.constant 0 : i32
      %dma_start3A_566 = arith.constant 0 : i32
      %dma_start3A_567 = tpu.memref_slice %arg4[%select_n3A_495, %dma_start3A_557, %select_n3A_511, %dma_start3A_565, %dma_start3A_566] : memref<200x4x32x8x128xf32, #tpu.memory_space<hbm>> -> memref<1x1x1x8x128xf32, #tpu.memory_space<hbm>>
      %dma_start3A_568 = tpu.memref_squeeze %dma_start3A_567 : memref<1x1x1x8x128xf32, #tpu.memory_space<hbm>> -> memref<8x128xf32, #tpu.memory_space<hbm>>
      %dma_start3A_569 = arith.constant 24 : i32
      %dma_start3A_570 = arith.constant 0 : i32
      %dma_start3A_571 = tpu.memref_slice %arg10[%dma_start3A_569, %dma_start3A_570] : memref<32x128xf32, #tpu.memory_space<vmem>> -> memref<8x128xf32, #tpu.memory_space<vmem>>
      tpu.enqueue_dma source(%dma_start3A_571 : memref<8x128xf32, #tpu.memory_space<vmem>>) target(%dma_start3A_568 : memref<8x128xf32, #tpu.memory_space<hbm>>) target_semaphore(%arg18 : memref<!tpu.dma_semaphore, #tpu.memory_space<semaphore_mem>>)
      %add3A_572 = arith.constant 4 : i32
      %add3A_573 = arith.addi %add3A_460, %add3A_572 : i32
      %lt3A_574 = arith.constant 200 : i32
      %lt3A_575 = arith.cmpi slt, %add3A_573, %lt3A_574 : i32
      %convert_element_type3A_576 = arith.extui %lt3A_575 : i1 to i32
      %cond3A_577 = arith.constant 0 : i32
      %cond3A_578 = arith.cmpi ne, %convert_element_type3A_576, %cond3A_577 : i32
      scf.if %cond3A_578 {
        %dma_start3A_957 = arith.constant 0 : i32
        %dma_start3A_958 = tpu.memref_slice %arg5[%add3A_573, %dma_start3A_957] : memref<200x128xi32, #tpu.memory_space<vmem>> -> memref<1x128xi32, #tpu.memory_space<vmem>>
        %dma_start3A_959 = tpu.memref_squeeze %dma_start3A_958 : memref<1x128xi32, #tpu.memory_space<vmem>> -> memref<128xi32, #tpu.memory_space<vmem>>
        %dma_start3A_960 = arith.constant 0 : i32
        %dma_start3A_961 = arith.constant 0 : i32
        %dma_start3A_962 = tpu.memref_slice %arg3[%dma_start3A_960, %dma_start3A_961] : memref<1000000x32xf32, #tpu.memory_space<hbm>> -> memref<1000000x32xf32, #tpu.memory_space<hbm>>
        tpu.enqueue_indirect_dma source(%dma_start3A_962 : memref<1000000x32xf32, #tpu.memory_space<hbm>>) target(%arg6 : memref<128x32xf32, #tpu.memory_space<vmem>>) offsets(%dma_start3A_959 : memref<128xi32, #tpu.memory_space<vmem>>) semaphore(%arg14 : memref<!tpu.dma_semaphore, #tpu.memory_space<semaphore_mem>>)
      } else {
      }
      %mul3A_579 = arith.constant 4 : i32
      %mul3A_580 = arith.muli %scan3A_456, %mul3A_579 : i32
      %add3A_581 = arith.constant 1 : i32
      %add3A_582 = arith.addi %mul3A_580, %add3A_581 : i32
      %dma_wait3A_583 = arith.constant 0 : i32
      %dma_wait3A_584 = tpu.memref_slice %arg5[%add3A_582, %dma_wait3A_583] : memref<200x128xi32, #tpu.memory_space<vmem>> -> memref<1x128xi32, #tpu.memory_space<vmem>>
      %dma_wait3A_585 = tpu.memref_squeeze %dma_wait3A_584 : memref<1x128xi32, #tpu.memory_space<vmem>> -> memref<128xi32, #tpu.memory_space<vmem>>
      %dma_wait3A_586 = arith.constant 0 : i32
      %dma_wait3A_587 = arith.constant 0 : i32
      %dma_wait3A_588 = tpu.memref_slice %arg3[%dma_wait3A_586, %dma_wait3A_587] : memref<1000000x32xf32, #tpu.memory_space<hbm>> -> memref<1000000x32xf32, #tpu.memory_space<hbm>>
      tpu.wait_indirect_dma semaphore(%arg15 : memref<!tpu.dma_semaphore, #tpu.memory_space<semaphore_mem>>) src(%dma_wait3A_588 : memref<1000000x32xf32, #tpu.memory_space<hbm>>) dst(%arg7 : memref<128x32xf32, #tpu.memory_space<vmem>>)
      %gt3A_589 = arith.constant 0 : i32
      %gt3A_590 = arith.cmpi sgt, %scan3A_456, %gt3A_589 : i32
      %convert_element_type3A_591 = arith.extui %gt3A_590 : i1 to i32
      %cond3A_592 = arith.constant 0 : i32
      %cond3A_593 = arith.cmpi ne, %convert_element_type3A_591, %cond3A_592 : i32
      scf.if %cond3A_593 {
        %sub3A_957 = arith.constant 4 : i32
        %sub3A_958 = arith.subi %add3A_582, %sub3A_957 : i32
        %add3A_959 = arith.addi %mul3A_2, %sub3A_958 : i32
        %jit3A_960 = arith.constant 32 : i32
        %div3A_961 = arith.divsi %add3A_959, %jit3A_960 : i32
        %sign3A_962 = arith.constant 0 : i32
        %sign3A_963 = arith.cmpi sgt, %add3A_959, %sign3A_962 : i32
        %sign3A_964 = arith.extui %sign3A_963 : i1 to i32
        %sign3A_965 = arith.constant 0 : i32
        %sign3A_966 = arith.cmpi slt, %add3A_959, %sign3A_965 : i32
        %sign3A_967 = arith.extui %sign3A_966 : i1 to i32
        %sign3A_968 = arith.subi %sign3A_964, %sign3A_967 : i32
        %sign3A_969 = arith.constant 0 : i32
        %sign3A_970 = arith.cmpi sgt, %jit3A_960, %sign3A_969 : i32
        %sign3A_971 = arith.extui %sign3A_970 : i1 to i32
        %sign3A_972 = arith.constant 0 : i32
        %sign3A_973 = arith.cmpi slt, %jit3A_960, %sign3A_972 : i32
        %sign3A_974 = arith.extui %sign3A_973 : i1 to i32
        %sign3A_975 = arith.subi %sign3A_971, %sign3A_974 : i32
        %ne3A_976 = arith.cmpi ne, %sign3A_968, %sign3A_975 : i32
        %rem3A_977 = arith.remsi %add3A_959, %jit3A_960 : i32
        %ne3A_978 = arith.constant 0 : i32
        %ne3A_979 = arith.cmpi ne, %rem3A_977, %ne3A_978 : i32
        %and3A_980 = arith.andi %ne3A_976, %ne3A_979 : i1
        %sub3A_981 = arith.constant 1 : i32
        %sub3A_982 = arith.subi %div3A_961, %sub3A_981 : i32
        %select_n3A_983 = arith.select %and3A_980, %sub3A_982, %div3A_961 : i32
        %jit3A_984 = arith.constant 32 : i32
        %eq3A_985 = arith.constant 0 : i32
        %eq3A_986 = arith.cmpi eq, %jit3A_984, %eq3A_985 : i32
        %jit3A_987 = arith.constant 1 : i32
        %select_n3A_988 = arith.select %eq3A_986, %jit3A_987, %jit3A_984 : i32
        %rem3A_989 = arith.remsi %add3A_959, %select_n3A_988 : i32
        %ne3A_990 = arith.constant 0 : i32
        %ne3A_991 = arith.cmpi ne, %rem3A_989, %ne3A_990 : i32
        %lt3A_992 = arith.constant 0 : i32
        %lt3A_993 = arith.cmpi slt, %rem3A_989, %lt3A_992 : i32
        %lt3A_994 = arith.constant 0 : i32
        %lt3A_995 = arith.cmpi slt, %select_n3A_988, %lt3A_994 : i32
        %ne3A_996 = arith.xori %lt3A_993, %lt3A_995 : i1
        %and3A_997 = arith.andi %ne3A_996, %ne3A_991 : i1
        %add3A_998 = arith.addi %rem3A_989, %select_n3A_988 : i32
        %select_n3A_999 = arith.select %and3A_997, %add3A_998, %rem3A_989 : i32
        %dma_wait3A_1000 = arith.constant 0 : i32
        %dma_wait3A_1001 = arith.constant 0 : i32
        %dma_wait3A_1002 = arith.constant 0 : i32
        %dma_wait3A_1003 = tpu.memref_slice %arg11[%dma_wait3A_1001, %dma_wait3A_1002] : memref<32x128xf32, #tpu.memory_space<vmem>> -> memref<8x128xf32, #tpu.memory_space<vmem>>
        %dma_wait3A_1004 = arith.constant 0 : i32
        %dma_wait3A_1005 = arith.constant 0 : i32
        %dma_wait3A_1006 = tpu.memref_slice %arg4[%select_n3A_983, %dma_wait3A_1000, %select_n3A_999, %dma_wait3A_1004, %dma_wait3A_1005] : memref<200x4x32x8x128xf32, #tpu.memory_space<hbm>> -> memref<1x1x1x8x128xf32, #tpu.memory_space<hbm>>
        %dma_wait3A_1007 = tpu.memref_squeeze %dma_wait3A_1006 : memref<1x1x1x8x128xf32, #tpu.memory_space<hbm>> -> memref<8x128xf32, #tpu.memory_space<hbm>>
        %dma_wait3A_1008 = arith.constant 0 : i32
        %dma_wait3A_1009 = arith.constant 0 : i32
        %dma_wait3A_1010 = tpu.memref_slice %arg4[%select_n3A_983, %dma_wait3A_1000, %select_n3A_999, %dma_wait3A_1008, %dma_wait3A_1009] : memref<200x4x32x8x128xf32, #tpu.memory_space<hbm>> -> memref<1x1x1x8x128xf32, #tpu.memory_space<hbm>>
        %dma_wait3A_1011 = tpu.memref_squeeze %dma_wait3A_1010 : memref<1x1x1x8x128xf32, #tpu.memory_space<hbm>> -> memref<8x128xf32, #tpu.memory_space<hbm>>
        %dma_wait3A_1012 = arith.constant 0 : i32
        %dma_wait3A_1013 = arith.constant 0 : i32
        %dma_wait3A_1014 = tpu.memref_slice %arg11[%dma_wait3A_1012, %dma_wait3A_1013] : memref<32x128xf32, #tpu.memory_space<vmem>> -> memref<8x128xf32, #tpu.memory_space<vmem>>
        tpu.wait_dma2 semaphore(%arg19 : memref<!tpu.dma_semaphore, #tpu.memory_space<semaphore_mem>>) src(%dma_wait3A_1014 : memref<8x128xf32, #tpu.memory_space<vmem>>) dst(%dma_wait3A_1011 : memref<8x128xf32, #tpu.memory_space<hbm>>)
        %dma_wait3A_1015 = arith.constant 1 : i32
        %dma_wait3A_1016 = arith.constant 8 : i32
        %dma_wait3A_1017 = arith.constant 0 : i32
        %dma_wait3A_1018 = tpu.memref_slice %arg11[%dma_wait3A_1016, %dma_wait3A_1017] : memref<32x128xf32, #tpu.memory_space<vmem>> -> memref<8x128xf32, #tpu.memory_space<vmem>>
        %dma_wait3A_1019 = arith.constant 0 : i32
        %dma_wait3A_1020 = arith.constant 0 : i32
        %dma_wait3A_1021 = tpu.memref_slice %arg4[%select_n3A_983, %dma_wait3A_1015, %select_n3A_999, %dma_wait3A_1019, %dma_wait3A_1020] : memref<200x4x32x8x128xf32, #tpu.memory_space<hbm>> -> memref<1x1x1x8x128xf32, #tpu.memory_space<hbm>>
        %dma_wait3A_1022 = tpu.memref_squeeze %dma_wait3A_1021 : memref<1x1x1x8x128xf32, #tpu.memory_space<hbm>> -> memref<8x128xf32, #tpu.memory_space<hbm>>
        %dma_wait3A_1023 = arith.constant 0 : i32
        %dma_wait3A_1024 = arith.constant 0 : i32
        %dma_wait3A_1025 = tpu.memref_slice %arg4[%select_n3A_983, %dma_wait3A_1015, %select_n3A_999, %dma_wait3A_1023, %dma_wait3A_1024] : memref<200x4x32x8x128xf32, #tpu.memory_space<hbm>> -> memref<1x1x1x8x128xf32, #tpu.memory_space<hbm>>
        %dma_wait3A_1026 = tpu.memref_squeeze %dma_wait3A_1025 : memref<1x1x1x8x128xf32, #tpu.memory_space<hbm>> -> memref<8x128xf32, #tpu.memory_space<hbm>>
        %dma_wait3A_1027 = arith.constant 8 : i32
        %dma_wait3A_1028 = arith.constant 0 : i32
        %dma_wait3A_1029 = tpu.memref_slice %arg11[%dma_wait3A_1027, %dma_wait3A_1028] : memref<32x128xf32, #tpu.memory_space<vmem>> -> memref<8x128xf32, #tpu.memory_space<vmem>>
        tpu.wait_dma2 semaphore(%arg19 : memref<!tpu.dma_semaphore, #tpu.memory_space<semaphore_mem>>) src(%dma_wait3A_1029 : memref<8x128xf32, #tpu.memory_space<vmem>>) dst(%dma_wait3A_1026 : memref<8x128xf32, #tpu.memory_space<hbm>>)
        %dma_wait3A_1030 = arith.constant 2 : i32
        %dma_wait3A_1031 = arith.constant 16 : i32
        %dma_wait3A_1032 = arith.constant 0 : i32
        %dma_wait3A_1033 = tpu.memref_slice %arg11[%dma_wait3A_1031, %dma_wait3A_1032] : memref<32x128xf32, #tpu.memory_space<vmem>> -> memref<8x128xf32, #tpu.memory_space<vmem>>
        %dma_wait3A_1034 = arith.constant 0 : i32
        %dma_wait3A_1035 = arith.constant 0 : i32
        %dma_wait3A_1036 = tpu.memref_slice %arg4[%select_n3A_983, %dma_wait3A_1030, %select_n3A_999, %dma_wait3A_1034, %dma_wait3A_1035] : memref<200x4x32x8x128xf32, #tpu.memory_space<hbm>> -> memref<1x1x1x8x128xf32, #tpu.memory_space<hbm>>
        %dma_wait3A_1037 = tpu.memref_squeeze %dma_wait3A_1036 : memref<1x1x1x8x128xf32, #tpu.memory_space<hbm>> -> memref<8x128xf32, #tpu.memory_space<hbm>>
        %dma_wait3A_1038 = arith.constant 0 : i32
        %dma_wait3A_1039 = arith.constant 0 : i32
        %dma_wait3A_1040 = tpu.memref_slice %arg4[%select_n3A_983, %dma_wait3A_1030, %select_n3A_999, %dma_wait3A_1038, %dma_wait3A_1039] : memref<200x4x32x8x128xf32, #tpu.memory_space<hbm>> -> memref<1x1x1x8x128xf32, #tpu.memory_space<hbm>>
        %dma_wait3A_1041 = tpu.memref_squeeze %dma_wait3A_1040 : memref<1x1x1x8x128xf32, #tpu.memory_space<hbm>> -> memref<8x128xf32, #tpu.memory_space<hbm>>
        %dma_wait3A_1042 = arith.constant 16 : i32
        %dma_wait3A_1043 = arith.constant 0 : i32
        %dma_wait3A_1044 = tpu.memref_slice %arg11[%dma_wait3A_1042, %dma_wait3A_1043] : memref<32x128xf32, #tpu.memory_space<vmem>> -> memref<8x128xf32, #tpu.memory_space<vmem>>
        tpu.wait_dma2 semaphore(%arg19 : memref<!tpu.dma_semaphore, #tpu.memory_space<semaphore_mem>>) src(%dma_wait3A_1044 : memref<8x128xf32, #tpu.memory_space<vmem>>) dst(%dma_wait3A_1041 : memref<8x128xf32, #tpu.memory_space<hbm>>)
        %dma_wait3A_1045 = arith.constant 3 : i32
        %dma_wait3A_1046 = arith.constant 24 : i32
        %dma_wait3A_1047 = arith.constant 0 : i32
        %dma_wait3A_1048 = tpu.memref_slice %arg11[%dma_wait3A_1046, %dma_wait3A_1047] : memref<32x128xf32, #tpu.memory_space<vmem>> -> memref<8x128xf32, #tpu.memory_space<vmem>>
        %dma_wait3A_1049 = arith.constant 0 : i32
        %dma_wait3A_1050 = arith.constant 0 : i32
        %dma_wait3A_1051 = tpu.memref_slice %arg4[%select_n3A_983, %dma_wait3A_1045, %select_n3A_999, %dma_wait3A_1049, %dma_wait3A_1050] : memref<200x4x32x8x128xf32, #tpu.memory_space<hbm>> -> memref<1x1x1x8x128xf32, #tpu.memory_space<hbm>>
        %dma_wait3A_1052 = tpu.memref_squeeze %dma_wait3A_1051 : memref<1x1x1x8x128xf32, #tpu.memory_space<hbm>> -> memref<8x128xf32, #tpu.memory_space<hbm>>
        %dma_wait3A_1053 = arith.constant 0 : i32
        %dma_wait3A_1054 = arith.constant 0 : i32
        %dma_wait3A_1055 = tpu.memref_slice %arg4[%select_n3A_983, %dma_wait3A_1045, %select_n3A_999, %dma_wait3A_1053, %dma_wait3A_1054] : memref<200x4x32x8x128xf32, #tpu.memory_space<hbm>> -> memref<1x1x1x8x128xf32, #tpu.memory_space<hbm>>
        %dma_wait3A_1056 = tpu.memref_squeeze %dma_wait3A_1055 : memref<1x1x1x8x128xf32, #tpu.memory_space<hbm>> -> memref<8x128xf32, #tpu.memory_space<hbm>>
        %dma_wait3A_1057 = arith.constant 24 : i32
        %dma_wait3A_1058 = arith.constant 0 : i32
        %dma_wait3A_1059 = tpu.memref_slice %arg11[%dma_wait3A_1057, %dma_wait3A_1058] : memref<32x128xf32, #tpu.memory_space<vmem>> -> memref<8x128xf32, #tpu.memory_space<vmem>>
        tpu.wait_dma2 semaphore(%arg19 : memref<!tpu.dma_semaphore, #tpu.memory_space<semaphore_mem>>) src(%dma_wait3A_1059 : memref<8x128xf32, #tpu.memory_space<vmem>>) dst(%dma_wait3A_1056 : memref<8x128xf32, #tpu.memory_space<hbm>>)
      } else {
      }
      %parallel_loop3A_594 = arith.constant 0 : i32
      %parallel_loop3A_595 = arith.constant 32 : i32
      %parallel_loop3A_596 = arith.constant 1 : i32
      scf.for %parallel_loop3A_957 = %parallel_loop3A_594 to %parallel_loop3A_595 step %parallel_loop3A_596  : i32 {
        %parallel_loop3A_958 = vector.broadcast %parallel_loop3A_957 : i32 to vector<16xi32>
        %parallel_loop3A_959 = arith.addi %parallel_loop3A_958, %iota3A : vector<16xi32>
        %parallel_loop3A_960 = arith.constant 31 : i32
        %parallel_loop3A_961 = vector.broadcast %parallel_loop3A_960 : i32 to vector<16xi32>
        %parallel_loop3A_962 = arith.andi %parallel_loop3A_959, %parallel_loop3A_961 : vector<16xi32>
        %parallel_loop3A_963 = tpu.vector_load_idx %arg7[%add3A_5, %parallel_loop3A_962] : memref<128x32xf32, #tpu.memory_space<vmem>>[vector<16xi32>, vector<16xi32>], vector<16xf32>,
        tpu.vector_store_idx %arg11[%parallel_loop3A_962, %add3A_5], %parallel_loop3A_963 : memref<32x128xf32, #tpu.memory_space<vmem>>[vector<16xi32>, vector<16xi32>], vector<16xf32>,
        %parallel_loop3A_964 = tpu.vector_load_idx %arg7[%add3A_8, %parallel_loop3A_962] : memref<128x32xf32, #tpu.memory_space<vmem>>[vector<16xi32>, vector<16xi32>], vector<16xf32>,
        tpu.vector_store_idx %arg11[%parallel_loop3A_962, %add3A_8], %parallel_loop3A_964 : memref<32x128xf32, #tpu.memory_space<vmem>>[vector<16xi32>, vector<16xi32>], vector<16xf32>,
        %parallel_loop3A_965 = tpu.vector_load_idx %arg7[%add3A_11, %parallel_loop3A_962] : memref<128x32xf32, #tpu.memory_space<vmem>>[vector<16xi32>, vector<16xi32>], vector<16xf32>,
        tpu.vector_store_idx %arg11[%parallel_loop3A_962, %add3A_11], %parallel_loop3A_965 : memref<32x128xf32, #tpu.memory_space<vmem>>[vector<16xi32>, vector<16xi32>], vector<16xf32>,
        %parallel_loop3A_966 = tpu.vector_load_idx %arg7[%add3A_14, %parallel_loop3A_962] : memref<128x32xf32, #tpu.memory_space<vmem>>[vector<16xi32>, vector<16xi32>], vector<16xf32>,
        tpu.vector_store_idx %arg11[%parallel_loop3A_962, %add3A_14], %parallel_loop3A_966 : memref<32x128xf32, #tpu.memory_space<vmem>>[vector<16xi32>, vector<16xi32>], vector<16xf32>,
        %parallel_loop3A_967 = tpu.vector_load_idx %arg7[%add3A_17, %parallel_loop3A_962] : memref<128x32xf32, #tpu.memory_space<vmem>>[vector<16xi32>, vector<16xi32>], vector<16xf32>,
        tpu.vector_store_idx %arg11[%parallel_loop3A_962, %add3A_17], %parallel_loop3A_967 : memref<32x128xf32, #tpu.memory_space<vmem>>[vector<16xi32>, vector<16xi32>], vector<16xf32>,
        %parallel_loop3A_968 = tpu.vector_load_idx %arg7[%add3A_20, %parallel_loop3A_962] : memref<128x32xf32, #tpu.memory_space<vmem>>[vector<16xi32>, vector<16xi32>], vector<16xf32>,
        tpu.vector_store_idx %arg11[%parallel_loop3A_962, %add3A_20], %parallel_loop3A_968 : memref<32x128xf32, #tpu.memory_space<vmem>>[vector<16xi32>, vector<16xi32>], vector<16xf32>,
        %parallel_loop3A_969 = tpu.vector_load_idx %arg7[%add3A_23, %parallel_loop3A_962] : memref<128x32xf32, #tpu.memory_space<vmem>>[vector<16xi32>, vector<16xi32>], vector<16xf32>,
        tpu.vector_store_idx %arg11[%parallel_loop3A_962, %add3A_23], %parallel_loop3A_969 : memref<32x128xf32, #tpu.memory_space<vmem>>[vector<16xi32>, vector<16xi32>], vector<16xf32>,
        %parallel_loop3A_970 = tpu.vector_load_idx %arg7[%add3A_26, %parallel_loop3A_962] : memref<128x32xf32, #tpu.memory_space<vmem>>[vector<16xi32>, vector<16xi32>], vector<16xf32>,
        tpu.vector_store_idx %arg11[%parallel_loop3A_962, %add3A_26], %parallel_loop3A_970 : memref<32x128xf32, #tpu.memory_space<vmem>>[vector<16xi32>, vector<16xi32>], vector<16xf32>,
      } {sc.loop_unroll_factor = 4 : i64, sc.parallel_access}
      %add3A_597 = arith.addi %mul3A_2, %add3A_582 : i32
      %jit3A_598 = arith.constant 32 : i32
      %div3A_599 = arith.divsi %add3A_597, %jit3A_598 : i32
      %sign3A_600 = arith.constant 0 : i32
      %sign3A_601 = arith.cmpi sgt, %add3A_597, %sign3A_600 : i32
      %sign3A_602 = arith.extui %sign3A_601 : i1 to i32
      %sign3A_603 = arith.constant 0 : i32
      %sign3A_604 = arith.cmpi slt, %add3A_597, %sign3A_603 : i32
      %sign3A_605 = arith.extui %sign3A_604 : i1 to i32
      %sign3A_606 = arith.subi %sign3A_602, %sign3A_605 : i32
      %sign3A_607 = arith.constant 0 : i32
      %sign3A_608 = arith.cmpi sgt, %jit3A_598, %sign3A_607 : i32
      %sign3A_609 = arith.extui %sign3A_608 : i1 to i32
      %sign3A_610 = arith.constant 0 : i32
      %sign3A_611 = arith.cmpi slt, %jit3A_598, %sign3A_610 : i32
      %sign3A_612 = arith.extui %sign3A_611 : i1 to i32
      %sign3A_613 = arith.subi %sign3A_609, %sign3A_612 : i32
      %ne3A_614 = arith.cmpi ne, %sign3A_606, %sign3A_613 : i32
      %rem3A_615 = arith.remsi %add3A_597, %jit3A_598 : i32
      %ne3A_616 = arith.constant 0 : i32
      %ne3A_617 = arith.cmpi ne, %rem3A_615, %ne3A_616 : i32
      %and3A_618 = arith.andi %ne3A_614, %ne3A_617 : i1
      %sub3A_619 = arith.constant 1 : i32
      %sub3A_620 = arith.subi %div3A_599, %sub3A_619 : i32
      %select_n3A_621 = arith.select %and3A_618, %sub3A_620, %div3A_599 : i32
      %jit3A_622 = arith.constant 32 : i32
      %eq3A_623 = arith.constant 0 : i32
      %eq3A_624 = arith.cmpi eq, %jit3A_622, %eq3A_623 : i32
      %jit3A_625 = arith.constant 1 : i32
      %select_n3A_626 = arith.select %eq3A_624, %jit3A_625, %jit3A_622 : i32
      %rem3A_627 = arith.remsi %add3A_597, %select_n3A_626 : i32
      %ne3A_628 = arith.constant 0 : i32
      %ne3A_629 = arith.cmpi ne, %rem3A_627, %ne3A_628 : i32
      %lt3A_630 = arith.constant 0 : i32
      %lt3A_631 = arith.cmpi slt, %rem3A_627, %lt3A_630 : i32
      %lt3A_632 = arith.constant 0 : i32
      %lt3A_633 = arith.cmpi slt, %select_n3A_626, %lt3A_632 : i32
      %ne3A_634 = arith.xori %lt3A_631, %lt3A_633 : i1
      %and3A_635 = arith.andi %ne3A_634, %ne3A_629 : i1
      %add3A_636 = arith.addi %rem3A_627, %select_n3A_626 : i32
      %select_n3A_637 = arith.select %and3A_635, %add3A_636, %rem3A_627 : i32
      %dma_start3A_638 = arith.constant 0 : i32
      %dma_start3A_639 = arith.constant 0 : i32
      %dma_start3A_640 = arith.constant 0 : i32
      %dma_start3A_641 = tpu.memref_slice %arg11[%dma_start3A_639, %dma_start3A_640] : memref<32x128xf32, #tpu.memory_space<vmem>> -> memref<8x128xf32, #tpu.memory_space<vmem>>
      %dma_start3A_642 = arith.constant 0 : i32
      %dma_start3A_643 = arith.constant 0 : i32
      %dma_start3A_644 = tpu.memref_slice %arg4[%select_n3A_621, %dma_start3A_638, %select_n3A_637, %dma_start3A_642, %dma_start3A_643] : memref<200x4x32x8x128xf32, #tpu.memory_space<hbm>> -> memref<1x1x1x8x128xf32, #tpu.memory_space<hbm>>
      %dma_start3A_645 = tpu.memref_squeeze %dma_start3A_644 : memref<1x1x1x8x128xf32, #tpu.memory_space<hbm>> -> memref<8x128xf32, #tpu.memory_space<hbm>>
      %dma_start3A_646 = arith.constant 0 : i32
      %dma_start3A_647 = arith.constant 0 : i32
      %dma_start3A_648 = tpu.memref_slice %arg4[%select_n3A_621, %dma_start3A_638, %select_n3A_637, %dma_start3A_646, %dma_start3A_647] : memref<200x4x32x8x128xf32, #tpu.memory_space<hbm>> -> memref<1x1x1x8x128xf32, #tpu.memory_space<hbm>>
      %dma_start3A_649 = tpu.memref_squeeze %dma_start3A_648 : memref<1x1x1x8x128xf32, #tpu.memory_space<hbm>> -> memref<8x128xf32, #tpu.memory_space<hbm>>
      %dma_start3A_650 = arith.constant 0 : i32
      %dma_start3A_651 = arith.constant 0 : i32
      %dma_start3A_652 = tpu.memref_slice %arg11[%dma_start3A_650, %dma_start3A_651] : memref<32x128xf32, #tpu.memory_space<vmem>> -> memref<8x128xf32, #tpu.memory_space<vmem>>
      tpu.enqueue_dma source(%dma_start3A_652 : memref<8x128xf32, #tpu.memory_space<vmem>>) target(%dma_start3A_649 : memref<8x128xf32, #tpu.memory_space<hbm>>) target_semaphore(%arg19 : memref<!tpu.dma_semaphore, #tpu.memory_space<semaphore_mem>>)
      %dma_start3A_653 = arith.constant 1 : i32
      %dma_start3A_654 = arith.constant 8 : i32
      %dma_start3A_655 = arith.constant 0 : i32
      %dma_start3A_656 = tpu.memref_slice %arg11[%dma_start3A_654, %dma_start3A_655] : memref<32x128xf32, #tpu.memory_space<vmem>> -> memref<8x128xf32, #tpu.memory_space<vmem>>
      %dma_start3A_657 = arith.constant 0 : i32
      %dma_start3A_658 = arith.constant 0 : i32
      %dma_start3A_659 = tpu.memref_slice %arg4[%select_n3A_621, %dma_start3A_653, %select_n3A_637, %dma_start3A_657, %dma_start3A_658] : memref<200x4x32x8x128xf32, #tpu.memory_space<hbm>> -> memref<1x1x1x8x128xf32, #tpu.memory_space<hbm>>
      %dma_start3A_660 = tpu.memref_squeeze %dma_start3A_659 : memref<1x1x1x8x128xf32, #tpu.memory_space<hbm>> -> memref<8x128xf32, #tpu.memory_space<hbm>>
      %dma_start3A_661 = arith.constant 0 : i32
      %dma_start3A_662 = arith.constant 0 : i32
      %dma_start3A_663 = tpu.memref_slice %arg4[%select_n3A_621, %dma_start3A_653, %select_n3A_637, %dma_start3A_661, %dma_start3A_662] : memref<200x4x32x8x128xf32, #tpu.memory_space<hbm>> -> memref<1x1x1x8x128xf32, #tpu.memory_space<hbm>>
      %dma_start3A_664 = tpu.memref_squeeze %dma_start3A_663 : memref<1x1x1x8x128xf32, #tpu.memory_space<hbm>> -> memref<8x128xf32, #tpu.memory_space<hbm>>
      %dma_start3A_665 = arith.constant 8 : i32
      %dma_start3A_666 = arith.constant 0 : i32
      %dma_start3A_667 = tpu.memref_slice %arg11[%dma_start3A_665, %dma_start3A_666] : memref<32x128xf32, #tpu.memory_space<vmem>> -> memref<8x128xf32, #tpu.memory_space<vmem>>
      tpu.enqueue_dma source(%dma_start3A_667 : memref<8x128xf32, #tpu.memory_space<vmem>>) target(%dma_start3A_664 : memref<8x128xf32, #tpu.memory_space<hbm>>) target_semaphore(%arg19 : memref<!tpu.dma_semaphore, #tpu.memory_space<semaphore_mem>>)
      %dma_start3A_668 = arith.constant 2 : i32
      %dma_start3A_669 = arith.constant 16 : i32
      %dma_start3A_670 = arith.constant 0 : i32
      %dma_start3A_671 = tpu.memref_slice %arg11[%dma_start3A_669, %dma_start3A_670] : memref<32x128xf32, #tpu.memory_space<vmem>> -> memref<8x128xf32, #tpu.memory_space<vmem>>
      %dma_start3A_672 = arith.constant 0 : i32
      %dma_start3A_673 = arith.constant 0 : i32
      %dma_start3A_674 = tpu.memref_slice %arg4[%select_n3A_621, %dma_start3A_668, %select_n3A_637, %dma_start3A_672, %dma_start3A_673] : memref<200x4x32x8x128xf32, #tpu.memory_space<hbm>> -> memref<1x1x1x8x128xf32, #tpu.memory_space<hbm>>
      %dma_start3A_675 = tpu.memref_squeeze %dma_start3A_674 : memref<1x1x1x8x128xf32, #tpu.memory_space<hbm>> -> memref<8x128xf32, #tpu.memory_space<hbm>>
      %dma_start3A_676 = arith.constant 0 : i32
      %dma_start3A_677 = arith.constant 0 : i32
      %dma_start3A_678 = tpu.memref_slice %arg4[%select_n3A_621, %dma_start3A_668, %select_n3A_637, %dma_start3A_676, %dma_start3A_677] : memref<200x4x32x8x128xf32, #tpu.memory_space<hbm>> -> memref<1x1x1x8x128xf32, #tpu.memory_space<hbm>>
      %dma_start3A_679 = tpu.memref_squeeze %dma_start3A_678 : memref<1x1x1x8x128xf32, #tpu.memory_space<hbm>> -> memref<8x128xf32, #tpu.memory_space<hbm>>
      %dma_start3A_680 = arith.constant 16 : i32
      %dma_start3A_681 = arith.constant 0 : i32
      %dma_start3A_682 = tpu.memref_slice %arg11[%dma_start3A_680, %dma_start3A_681] : memref<32x128xf32, #tpu.memory_space<vmem>> -> memref<8x128xf32, #tpu.memory_space<vmem>>
      tpu.enqueue_dma source(%dma_start3A_682 : memref<8x128xf32, #tpu.memory_space<vmem>>) target(%dma_start3A_679 : memref<8x128xf32, #tpu.memory_space<hbm>>) target_semaphore(%arg19 : memref<!tpu.dma_semaphore, #tpu.memory_space<semaphore_mem>>)
      %dma_start3A_683 = arith.constant 3 : i32
      %dma_start3A_684 = arith.constant 24 : i32
      %dma_start3A_685 = arith.constant 0 : i32
      %dma_start3A_686 = tpu.memref_slice %arg11[%dma_start3A_684, %dma_start3A_685] : memref<32x128xf32, #tpu.memory_space<vmem>> -> memref<8x128xf32, #tpu.memory_space<vmem>>
      %dma_start3A_687 = arith.constant 0 : i32
      %dma_start3A_688 = arith.constant 0 : i32
      %dma_start3A_689 = tpu.memref_slice %arg4[%select_n3A_621, %dma_start3A_683, %select_n3A_637, %dma_start3A_687, %dma_start3A_688] : memref<200x4x32x8x128xf32, #tpu.memory_space<hbm>> -> memref<1x1x1x8x128xf32, #tpu.memory_space<hbm>>
      %dma_start3A_690 = tpu.memref_squeeze %dma_start3A_689 : memref<1x1x1x8x128xf32, #tpu.memory_space<hbm>> -> memref<8x128xf32, #tpu.memory_space<hbm>>
      %dma_start3A_691 = arith.constant 0 : i32
      %dma_start3A_692 = arith.constant 0 : i32
      %dma_start3A_693 = tpu.memref_slice %arg4[%select_n3A_621, %dma_start3A_683, %select_n3A_637, %dma_start3A_691, %dma_start3A_692] : memref<200x4x32x8x128xf32, #tpu.memory_space<hbm>> -> memref<1x1x1x8x128xf32, #tpu.memory_space<hbm>>
      %dma_start3A_694 = tpu.memref_squeeze %dma_start3A_693 : memref<1x1x1x8x128xf32, #tpu.memory_space<hbm>> -> memref<8x128xf32, #tpu.memory_space<hbm>>
      %dma_start3A_695 = arith.constant 24 : i32
      %dma_start3A_696 = arith.constant 0 : i32
      %dma_start3A_697 = tpu.memref_slice %arg11[%dma_start3A_695, %dma_start3A_696] : memref<32x128xf32, #tpu.memory_space<vmem>> -> memref<8x128xf32, #tpu.memory_space<vmem>>
      tpu.enqueue_dma source(%dma_start3A_697 : memref<8x128xf32, #tpu.memory_space<vmem>>) target(%dma_start3A_694 : memref<8x128xf32, #tpu.memory_space<hbm>>) target_semaphore(%arg19 : memref<!tpu.dma_semaphore, #tpu.memory_space<semaphore_mem>>)
      %add3A_698 = arith.constant 4 : i32
      %add3A_699 = arith.addi %add3A_582, %add3A_698 : i32
      %lt3A_700 = arith.constant 200 : i32
      %lt3A_701 = arith.cmpi slt, %add3A_699, %lt3A_700 : i32
      %convert_element_type3A_702 = arith.extui %lt3A_701 : i1 to i32
      %cond3A_703 = arith.constant 0 : i32
      %cond3A_704 = arith.cmpi ne, %convert_element_type3A_702, %cond3A_703 : i32
      scf.if %cond3A_704 {
        %dma_start3A_957 = arith.constant 0 : i32
        %dma_start3A_958 = tpu.memref_slice %arg5[%add3A_699, %dma_start3A_957] : memref<200x128xi32, #tpu.memory_space<vmem>> -> memref<1x128xi32, #tpu.memory_space<vmem>>
        %dma_start3A_959 = tpu.memref_squeeze %dma_start3A_958 : memref<1x128xi32, #tpu.memory_space<vmem>> -> memref<128xi32, #tpu.memory_space<vmem>>
        %dma_start3A_960 = arith.constant 0 : i32
        %dma_start3A_961 = arith.constant 0 : i32
        %dma_start3A_962 = tpu.memref_slice %arg3[%dma_start3A_960, %dma_start3A_961] : memref<1000000x32xf32, #tpu.memory_space<hbm>> -> memref<1000000x32xf32, #tpu.memory_space<hbm>>
        tpu.enqueue_indirect_dma source(%dma_start3A_962 : memref<1000000x32xf32, #tpu.memory_space<hbm>>) target(%arg7 : memref<128x32xf32, #tpu.memory_space<vmem>>) offsets(%dma_start3A_959 : memref<128xi32, #tpu.memory_space<vmem>>) semaphore(%arg15 : memref<!tpu.dma_semaphore, #tpu.memory_space<semaphore_mem>>)
      } else {
      }
      %mul3A_705 = arith.constant 4 : i32
      %mul3A_706 = arith.muli %scan3A_456, %mul3A_705 : i32
      %add3A_707 = arith.constant 2 : i32
      %add3A_708 = arith.addi %mul3A_706, %add3A_707 : i32
      %dma_wait3A_709 = arith.constant 0 : i32
      %dma_wait3A_710 = tpu.memref_slice %arg5[%add3A_708, %dma_wait3A_709] : memref<200x128xi32, #tpu.memory_space<vmem>> -> memref<1x128xi32, #tpu.memory_space<vmem>>
      %dma_wait3A_711 = tpu.memref_squeeze %dma_wait3A_710 : memref<1x128xi32, #tpu.memory_space<vmem>> -> memref<128xi32, #tpu.memory_space<vmem>>
      %dma_wait3A_712 = arith.constant 0 : i32
      %dma_wait3A_713 = arith.constant 0 : i32
      %dma_wait3A_714 = tpu.memref_slice %arg3[%dma_wait3A_712, %dma_wait3A_713] : memref<1000000x32xf32, #tpu.memory_space<hbm>> -> memref<1000000x32xf32, #tpu.memory_space<hbm>>
      tpu.wait_indirect_dma semaphore(%arg16 : memref<!tpu.dma_semaphore, #tpu.memory_space<semaphore_mem>>) src(%dma_wait3A_714 : memref<1000000x32xf32, #tpu.memory_space<hbm>>) dst(%arg8 : memref<128x32xf32, #tpu.memory_space<vmem>>)
      %gt3A_715 = arith.constant 0 : i32
      %gt3A_716 = arith.cmpi sgt, %scan3A_456, %gt3A_715 : i32
      %convert_element_type3A_717 = arith.extui %gt3A_716 : i1 to i32
      %cond3A_718 = arith.constant 0 : i32
      %cond3A_719 = arith.cmpi ne, %convert_element_type3A_717, %cond3A_718 : i32
      scf.if %cond3A_719 {
        %sub3A_957 = arith.constant 4 : i32
        %sub3A_958 = arith.subi %add3A_708, %sub3A_957 : i32
        %add3A_959 = arith.addi %mul3A_2, %sub3A_958 : i32
        %jit3A_960 = arith.constant 32 : i32
        %div3A_961 = arith.divsi %add3A_959, %jit3A_960 : i32
        %sign3A_962 = arith.constant 0 : i32
        %sign3A_963 = arith.cmpi sgt, %add3A_959, %sign3A_962 : i32
        %sign3A_964 = arith.extui %sign3A_963 : i1 to i32
        %sign3A_965 = arith.constant 0 : i32
        %sign3A_966 = arith.cmpi slt, %add3A_959, %sign3A_965 : i32
        %sign3A_967 = arith.extui %sign3A_966 : i1 to i32
        %sign3A_968 = arith.subi %sign3A_964, %sign3A_967 : i32
        %sign3A_969 = arith.constant 0 : i32
        %sign3A_970 = arith.cmpi sgt, %jit3A_960, %sign3A_969 : i32
        %sign3A_971 = arith.extui %sign3A_970 : i1 to i32
        %sign3A_972 = arith.constant 0 : i32
        %sign3A_973 = arith.cmpi slt, %jit3A_960, %sign3A_972 : i32
        %sign3A_974 = arith.extui %sign3A_973 : i1 to i32
        %sign3A_975 = arith.subi %sign3A_971, %sign3A_974 : i32
        %ne3A_976 = arith.cmpi ne, %sign3A_968, %sign3A_975 : i32
        %rem3A_977 = arith.remsi %add3A_959, %jit3A_960 : i32
        %ne3A_978 = arith.constant 0 : i32
        %ne3A_979 = arith.cmpi ne, %rem3A_977, %ne3A_978 : i32
        %and3A_980 = arith.andi %ne3A_976, %ne3A_979 : i1
        %sub3A_981 = arith.constant 1 : i32
        %sub3A_982 = arith.subi %div3A_961, %sub3A_981 : i32
        %select_n3A_983 = arith.select %and3A_980, %sub3A_982, %div3A_961 : i32
        %jit3A_984 = arith.constant 32 : i32
        %eq3A_985 = arith.constant 0 : i32
        %eq3A_986 = arith.cmpi eq, %jit3A_984, %eq3A_985 : i32
        %jit3A_987 = arith.constant 1 : i32
        %select_n3A_988 = arith.select %eq3A_986, %jit3A_987, %jit3A_984 : i32
        %rem3A_989 = arith.remsi %add3A_959, %select_n3A_988 : i32
        %ne3A_990 = arith.constant 0 : i32
        %ne3A_991 = arith.cmpi ne, %rem3A_989, %ne3A_990 : i32
        %lt3A_992 = arith.constant 0 : i32
        %lt3A_993 = arith.cmpi slt, %rem3A_989, %lt3A_992 : i32
        %lt3A_994 = arith.constant 0 : i32
        %lt3A_995 = arith.cmpi slt, %select_n3A_988, %lt3A_994 : i32
        %ne3A_996 = arith.xori %lt3A_993, %lt3A_995 : i1
        %and3A_997 = arith.andi %ne3A_996, %ne3A_991 : i1
        %add3A_998 = arith.addi %rem3A_989, %select_n3A_988 : i32
        %select_n3A_999 = arith.select %and3A_997, %add3A_998, %rem3A_989 : i32
        %dma_wait3A_1000 = arith.constant 0 : i32
        %dma_wait3A_1001 = arith.constant 0 : i32
        %dma_wait3A_1002 = arith.constant 0 : i32
        %dma_wait3A_1003 = tpu.memref_slice %arg12[%dma_wait3A_1001, %dma_wait3A_1002] : memref<32x128xf32, #tpu.memory_space<vmem>> -> memref<8x128xf32, #tpu.memory_space<vmem>>
        %dma_wait3A_1004 = arith.constant 0 : i32
        %dma_wait3A_1005 = arith.constant 0 : i32
        %dma_wait3A_1006 = tpu.memref_slice %arg4[%select_n3A_983, %dma_wait3A_1000, %select_n3A_999, %dma_wait3A_1004, %dma_wait3A_1005] : memref<200x4x32x8x128xf32, #tpu.memory_space<hbm>> -> memref<1x1x1x8x128xf32, #tpu.memory_space<hbm>>
        %dma_wait3A_1007 = tpu.memref_squeeze %dma_wait3A_1006 : memref<1x1x1x8x128xf32, #tpu.memory_space<hbm>> -> memref<8x128xf32, #tpu.memory_space<hbm>>
        %dma_wait3A_1008 = arith.constant 0 : i32
        %dma_wait3A_1009 = arith.constant 0 : i32
        %dma_wait3A_1010 = tpu.memref_slice %arg4[%select_n3A_983, %dma_wait3A_1000, %select_n3A_999, %dma_wait3A_1008, %dma_wait3A_1009] : memref<200x4x32x8x128xf32, #tpu.memory_space<hbm>> -> memref<1x1x1x8x128xf32, #tpu.memory_space<hbm>>
        %dma_wait3A_1011 = tpu.memref_squeeze %dma_wait3A_1010 : memref<1x1x1x8x128xf32, #tpu.memory_space<hbm>> -> memref<8x128xf32, #tpu.memory_space<hbm>>
        %dma_wait3A_1012 = arith.constant 0 : i32
        %dma_wait3A_1013 = arith.constant 0 : i32
        %dma_wait3A_1014 = tpu.memref_slice %arg12[%dma_wait3A_1012, %dma_wait3A_1013] : memref<32x128xf32, #tpu.memory_space<vmem>> -> memref<8x128xf32, #tpu.memory_space<vmem>>
        tpu.wait_dma2 semaphore(%arg20 : memref<!tpu.dma_semaphore, #tpu.memory_space<semaphore_mem>>) src(%dma_wait3A_1014 : memref<8x128xf32, #tpu.memory_space<vmem>>) dst(%dma_wait3A_1011 : memref<8x128xf32, #tpu.memory_space<hbm>>)
        %dma_wait3A_1015 = arith.constant 1 : i32
        %dma_wait3A_1016 = arith.constant 8 : i32
        %dma_wait3A_1017 = arith.constant 0 : i32
        %dma_wait3A_1018 = tpu.memref_slice %arg12[%dma_wait3A_1016, %dma_wait3A_1017] : memref<32x128xf32, #tpu.memory_space<vmem>> -> memref<8x128xf32, #tpu.memory_space<vmem>>
        %dma_wait3A_1019 = arith.constant 0 : i32
        %dma_wait3A_1020 = arith.constant 0 : i32
        %dma_wait3A_1021 = tpu.memref_slice %arg4[%select_n3A_983, %dma_wait3A_1015, %select_n3A_999, %dma_wait3A_1019, %dma_wait3A_1020] : memref<200x4x32x8x128xf32, #tpu.memory_space<hbm>> -> memref<1x1x1x8x128xf32, #tpu.memory_space<hbm>>
        %dma_wait3A_1022 = tpu.memref_squeeze %dma_wait3A_1021 : memref<1x1x1x8x128xf32, #tpu.memory_space<hbm>> -> memref<8x128xf32, #tpu.memory_space<hbm>>
        %dma_wait3A_1023 = arith.constant 0 : i32
        %dma_wait3A_1024 = arith.constant 0 : i32
        %dma_wait3A_1025 = tpu.memref_slice %arg4[%select_n3A_983, %dma_wait3A_1015, %select_n3A_999, %dma_wait3A_1023, %dma_wait3A_1024] : memref<200x4x32x8x128xf32, #tpu.memory_space<hbm>> -> memref<1x1x1x8x128xf32, #tpu.memory_space<hbm>>
        %dma_wait3A_1026 = tpu.memref_squeeze %dma_wait3A_1025 : memref<1x1x1x8x128xf32, #tpu.memory_space<hbm>> -> memref<8x128xf32, #tpu.memory_space<hbm>>
        %dma_wait3A_1027 = arith.constant 8 : i32
        %dma_wait3A_1028 = arith.constant 0 : i32
        %dma_wait3A_1029 = tpu.memref_slice %arg12[%dma_wait3A_1027, %dma_wait3A_1028] : memref<32x128xf32, #tpu.memory_space<vmem>> -> memref<8x128xf32, #tpu.memory_space<vmem>>
        tpu.wait_dma2 semaphore(%arg20 : memref<!tpu.dma_semaphore, #tpu.memory_space<semaphore_mem>>) src(%dma_wait3A_1029 : memref<8x128xf32, #tpu.memory_space<vmem>>) dst(%dma_wait3A_1026 : memref<8x128xf32, #tpu.memory_space<hbm>>)
        %dma_wait3A_1030 = arith.constant 2 : i32
        %dma_wait3A_1031 = arith.constant 16 : i32
        %dma_wait3A_1032 = arith.constant 0 : i32
        %dma_wait3A_1033 = tpu.memref_slice %arg12[%dma_wait3A_1031, %dma_wait3A_1032] : memref<32x128xf32, #tpu.memory_space<vmem>> -> memref<8x128xf32, #tpu.memory_space<vmem>>
        %dma_wait3A_1034 = arith.constant 0 : i32
        %dma_wait3A_1035 = arith.constant 0 : i32
        %dma_wait3A_1036 = tpu.memref_slice %arg4[%select_n3A_983, %dma_wait3A_1030, %select_n3A_999, %dma_wait3A_1034, %dma_wait3A_1035] : memref<200x4x32x8x128xf32, #tpu.memory_space<hbm>> -> memref<1x1x1x8x128xf32, #tpu.memory_space<hbm>>
        %dma_wait3A_1037 = tpu.memref_squeeze %dma_wait3A_1036 : memref<1x1x1x8x128xf32, #tpu.memory_space<hbm>> -> memref<8x128xf32, #tpu.memory_space<hbm>>
        %dma_wait3A_1038 = arith.constant 0 : i32
        %dma_wait3A_1039 = arith.constant 0 : i32
        %dma_wait3A_1040 = tpu.memref_slice %arg4[%select_n3A_983, %dma_wait3A_1030, %select_n3A_999, %dma_wait3A_1038, %dma_wait3A_1039] : memref<200x4x32x8x128xf32, #tpu.memory_space<hbm>> -> memref<1x1x1x8x128xf32, #tpu.memory_space<hbm>>
        %dma_wait3A_1041 = tpu.memref_squeeze %dma_wait3A_1040 : memref<1x1x1x8x128xf32, #tpu.memory_space<hbm>> -> memref<8x128xf32, #tpu.memory_space<hbm>>
        %dma_wait3A_1042 = arith.constant 16 : i32
        %dma_wait3A_1043 = arith.constant 0 : i32
        %dma_wait3A_1044 = tpu.memref_slice %arg12[%dma_wait3A_1042, %dma_wait3A_1043] : memref<32x128xf32, #tpu.memory_space<vmem>> -> memref<8x128xf32, #tpu.memory_space<vmem>>
        tpu.wait_dma2 semaphore(%arg20 : memref<!tpu.dma_semaphore, #tpu.memory_space<semaphore_mem>>) src(%dma_wait3A_1044 : memref<8x128xf32, #tpu.memory_space<vmem>>) dst(%dma_wait3A_1041 : memref<8x128xf32, #tpu.memory_space<hbm>>)
        %dma_wait3A_1045 = arith.constant 3 : i32
        %dma_wait3A_1046 = arith.constant 24 : i32
        %dma_wait3A_1047 = arith.constant 0 : i32
        %dma_wait3A_1048 = tpu.memref_slice %arg12[%dma_wait3A_1046, %dma_wait3A_1047] : memref<32x128xf32, #tpu.memory_space<vmem>> -> memref<8x128xf32, #tpu.memory_space<vmem>>
        %dma_wait3A_1049 = arith.constant 0 : i32
        %dma_wait3A_1050 = arith.constant 0 : i32
        %dma_wait3A_1051 = tpu.memref_slice %arg4[%select_n3A_983, %dma_wait3A_1045, %select_n3A_999, %dma_wait3A_1049, %dma_wait3A_1050] : memref<200x4x32x8x128xf32, #tpu.memory_space<hbm>> -> memref<1x1x1x8x128xf32, #tpu.memory_space<hbm>>
        %dma_wait3A_1052 = tpu.memref_squeeze %dma_wait3A_1051 : memref<1x1x1x8x128xf32, #tpu.memory_space<hbm>> -> memref<8x128xf32, #tpu.memory_space<hbm>>
        %dma_wait3A_1053 = arith.constant 0 : i32
        %dma_wait3A_1054 = arith.constant 0 : i32
        %dma_wait3A_1055 = tpu.memref_slice %arg4[%select_n3A_983, %dma_wait3A_1045, %select_n3A_999, %dma_wait3A_1053, %dma_wait3A_1054] : memref<200x4x32x8x128xf32, #tpu.memory_space<hbm>> -> memref<1x1x1x8x128xf32, #tpu.memory_space<hbm>>
        %dma_wait3A_1056 = tpu.memref_squeeze %dma_wait3A_1055 : memref<1x1x1x8x128xf32, #tpu.memory_space<hbm>> -> memref<8x128xf32, #tpu.memory_space<hbm>>
        %dma_wait3A_1057 = arith.constant 24 : i32
        %dma_wait3A_1058 = arith.constant 0 : i32
        %dma_wait3A_1059 = tpu.memref_slice %arg12[%dma_wait3A_1057, %dma_wait3A_1058] : memref<32x128xf32, #tpu.memory_space<vmem>> -> memref<8x128xf32, #tpu.memory_space<vmem>>
        tpu.wait_dma2 semaphore(%arg20 : memref<!tpu.dma_semaphore, #tpu.memory_space<semaphore_mem>>) src(%dma_wait3A_1059 : memref<8x128xf32, #tpu.memory_space<vmem>>) dst(%dma_wait3A_1056 : memref<8x128xf32, #tpu.memory_space<hbm>>)
      } else {
      }
      %parallel_loop3A_720 = arith.constant 0 : i32
      %parallel_loop3A_721 = arith.constant 32 : i32
      %parallel_loop3A_722 = arith.constant 1 : i32
      scf.for %parallel_loop3A_957 = %parallel_loop3A_720 to %parallel_loop3A_721 step %parallel_loop3A_722  : i32 {
        %parallel_loop3A_958 = vector.broadcast %parallel_loop3A_957 : i32 to vector<16xi32>
        %parallel_loop3A_959 = arith.addi %parallel_loop3A_958, %iota3A : vector<16xi32>
        %parallel_loop3A_960 = arith.constant 31 : i32
        %parallel_loop3A_961 = vector.broadcast %parallel_loop3A_960 : i32 to vector<16xi32>
        %parallel_loop3A_962 = arith.andi %parallel_loop3A_959, %parallel_loop3A_961 : vector<16xi32>
        %parallel_loop3A_963 = tpu.vector_load_idx %arg8[%add3A_5, %parallel_loop3A_962] : memref<128x32xf32, #tpu.memory_space<vmem>>[vector<16xi32>, vector<16xi32>], vector<16xf32>,
        tpu.vector_store_idx %arg12[%parallel_loop3A_962, %add3A_5], %parallel_loop3A_963 : memref<32x128xf32, #tpu.memory_space<vmem>>[vector<16xi32>, vector<16xi32>], vector<16xf32>,
        %parallel_loop3A_964 = tpu.vector_load_idx %arg8[%add3A_8, %parallel_loop3A_962] : memref<128x32xf32, #tpu.memory_space<vmem>>[vector<16xi32>, vector<16xi32>], vector<16xf32>,
        tpu.vector_store_idx %arg12[%parallel_loop3A_962, %add3A_8], %parallel_loop3A_964 : memref<32x128xf32, #tpu.memory_space<vmem>>[vector<16xi32>, vector<16xi32>], vector<16xf32>,
        %parallel_loop3A_965 = tpu.vector_load_idx %arg8[%add3A_11, %parallel_loop3A_962] : memref<128x32xf32, #tpu.memory_space<vmem>>[vector<16xi32>, vector<16xi32>], vector<16xf32>,
        tpu.vector_store_idx %arg12[%parallel_loop3A_962, %add3A_11], %parallel_loop3A_965 : memref<32x128xf32, #tpu.memory_space<vmem>>[vector<16xi32>, vector<16xi32>], vector<16xf32>,
        %parallel_loop3A_966 = tpu.vector_load_idx %arg8[%add3A_14, %parallel_loop3A_962] : memref<128x32xf32, #tpu.memory_space<vmem>>[vector<16xi32>, vector<16xi32>], vector<16xf32>,
        tpu.vector_store_idx %arg12[%parallel_loop3A_962, %add3A_14], %parallel_loop3A_966 : memref<32x128xf32, #tpu.memory_space<vmem>>[vector<16xi32>, vector<16xi32>], vector<16xf32>,
        %parallel_loop3A_967 = tpu.vector_load_idx %arg8[%add3A_17, %parallel_loop3A_962] : memref<128x32xf32, #tpu.memory_space<vmem>>[vector<16xi32>, vector<16xi32>], vector<16xf32>,
        tpu.vector_store_idx %arg12[%parallel_loop3A_962, %add3A_17], %parallel_loop3A_967 : memref<32x128xf32, #tpu.memory_space<vmem>>[vector<16xi32>, vector<16xi32>], vector<16xf32>,
        %parallel_loop3A_968 = tpu.vector_load_idx %arg8[%add3A_20, %parallel_loop3A_962] : memref<128x32xf32, #tpu.memory_space<vmem>>[vector<16xi32>, vector<16xi32>], vector<16xf32>,
        tpu.vector_store_idx %arg12[%parallel_loop3A_962, %add3A_20], %parallel_loop3A_968 : memref<32x128xf32, #tpu.memory_space<vmem>>[vector<16xi32>, vector<16xi32>], vector<16xf32>,
        %parallel_loop3A_969 = tpu.vector_load_idx %arg8[%add3A_23, %parallel_loop3A_962] : memref<128x32xf32, #tpu.memory_space<vmem>>[vector<16xi32>, vector<16xi32>], vector<16xf32>,
        tpu.vector_store_idx %arg12[%parallel_loop3A_962, %add3A_23], %parallel_loop3A_969 : memref<32x128xf32, #tpu.memory_space<vmem>>[vector<16xi32>, vector<16xi32>], vector<16xf32>,
        %parallel_loop3A_970 = tpu.vector_load_idx %arg8[%add3A_26, %parallel_loop3A_962] : memref<128x32xf32, #tpu.memory_space<vmem>>[vector<16xi32>, vector<16xi32>], vector<16xf32>,
        tpu.vector_store_idx %arg12[%parallel_loop3A_962, %add3A_26], %parallel_loop3A_970 : memref<32x128xf32, #tpu.memory_space<vmem>>[vector<16xi32>, vector<16xi32>], vector<16xf32>,
      } {sc.loop_unroll_factor = 4 : i64, sc.parallel_access}
      %add3A_723 = arith.addi %mul3A_2, %add3A_708 : i32
      %jit3A_724 = arith.constant 32 : i32
      %div3A_725 = arith.divsi %add3A_723, %jit3A_724 : i32
      %sign3A_726 = arith.constant 0 : i32
      %sign3A_727 = arith.cmpi sgt, %add3A_723, %sign3A_726 : i32
      %sign3A_728 = arith.extui %sign3A_727 : i1 to i32
      %sign3A_729 = arith.constant 0 : i32
      %sign3A_730 = arith.cmpi slt, %add3A_723, %sign3A_729 : i32
      %sign3A_731 = arith.extui %sign3A_730 : i1 to i32
      %sign3A_732 = arith.subi %sign3A_728, %sign3A_731 : i32
      %sign3A_733 = arith.constant 0 : i32
      %sign3A_734 = arith.cmpi sgt, %jit3A_724, %sign3A_733 : i32
      %sign3A_735 = arith.extui %sign3A_734 : i1 to i32
      %sign3A_736 = arith.constant 0 : i32
      %sign3A_737 = arith.cmpi slt, %jit3A_724, %sign3A_736 : i32
      %sign3A_738 = arith.extui %sign3A_737 : i1 to i32
      %sign3A_739 = arith.subi %sign3A_735, %sign3A_738 : i32
      %ne3A_740 = arith.cmpi ne, %sign3A_732, %sign3A_739 : i32
      %rem3A_741 = arith.remsi %add3A_723, %jit3A_724 : i32
      %ne3A_742 = arith.constant 0 : i32
      %ne3A_743 = arith.cmpi ne, %rem3A_741, %ne3A_742 : i32
      %and3A_744 = arith.andi %ne3A_740, %ne3A_743 : i1
      %sub3A_745 = arith.constant 1 : i32
      %sub3A_746 = arith.subi %div3A_725, %sub3A_745 : i32
      %select_n3A_747 = arith.select %and3A_744, %sub3A_746, %div3A_725 : i32
      %jit3A_748 = arith.constant 32 : i32
      %eq3A_749 = arith.constant 0 : i32
      %eq3A_750 = arith.cmpi eq, %jit3A_748, %eq3A_749 : i32
      %jit3A_751 = arith.constant 1 : i32
      %select_n3A_752 = arith.select %eq3A_750, %jit3A_751, %jit3A_748 : i32
      %rem3A_753 = arith.remsi %add3A_723, %select_n3A_752 : i32
      %ne3A_754 = arith.constant 0 : i32
      %ne3A_755 = arith.cmpi ne, %rem3A_753, %ne3A_754 : i32
      %lt3A_756 = arith.constant 0 : i32
      %lt3A_757 = arith.cmpi slt, %rem3A_753, %lt3A_756 : i32
      %lt3A_758 = arith.constant 0 : i32
      %lt3A_759 = arith.cmpi slt, %select_n3A_752, %lt3A_758 : i32
      %ne3A_760 = arith.xori %lt3A_757, %lt3A_759 : i1
      %and3A_761 = arith.andi %ne3A_760, %ne3A_755 : i1
      %add3A_762 = arith.addi %rem3A_753, %select_n3A_752 : i32
      %select_n3A_763 = arith.select %and3A_761, %add3A_762, %rem3A_753 : i32
      %dma_start3A_764 = arith.constant 0 : i32
      %dma_start3A_765 = arith.constant 0 : i32
      %dma_start3A_766 = arith.constant 0 : i32
      %dma_start3A_767 = tpu.memref_slice %arg12[%dma_start3A_765, %dma_start3A_766] : memref<32x128xf32, #tpu.memory_space<vmem>> -> memref<8x128xf32, #tpu.memory_space<vmem>>
      %dma_start3A_768 = arith.constant 0 : i32
      %dma_start3A_769 = arith.constant 0 : i32
      %dma_start3A_770 = tpu.memref_slice %arg4[%select_n3A_747, %dma_start3A_764, %select_n3A_763, %dma_start3A_768, %dma_start3A_769] : memref<200x4x32x8x128xf32, #tpu.memory_space<hbm>> -> memref<1x1x1x8x128xf32, #tpu.memory_space<hbm>>
      %dma_start3A_771 = tpu.memref_squeeze %dma_start3A_770 : memref<1x1x1x8x128xf32, #tpu.memory_space<hbm>> -> memref<8x128xf32, #tpu.memory_space<hbm>>
      %dma_start3A_772 = arith.constant 0 : i32
      %dma_start3A_773 = arith.constant 0 : i32
      %dma_start3A_774 = tpu.memref_slice %arg4[%select_n3A_747, %dma_start3A_764, %select_n3A_763, %dma_start3A_772, %dma_start3A_773] : memref<200x4x32x8x128xf32, #tpu.memory_space<hbm>> -> memref<1x1x1x8x128xf32, #tpu.memory_space<hbm>>
      %dma_start3A_775 = tpu.memref_squeeze %dma_start3A_774 : memref<1x1x1x8x128xf32, #tpu.memory_space<hbm>> -> memref<8x128xf32, #tpu.memory_space<hbm>>
      %dma_start3A_776 = arith.constant 0 : i32
      %dma_start3A_777 = arith.constant 0 : i32
      %dma_start3A_778 = tpu.memref_slice %arg12[%dma_start3A_776, %dma_start3A_777] : memref<32x128xf32, #tpu.memory_space<vmem>> -> memref<8x128xf32, #tpu.memory_space<vmem>>
      tpu.enqueue_dma source(%dma_start3A_778 : memref<8x128xf32, #tpu.memory_space<vmem>>) target(%dma_start3A_775 : memref<8x128xf32, #tpu.memory_space<hbm>>) target_semaphore(%arg20 : memref<!tpu.dma_semaphore, #tpu.memory_space<semaphore_mem>>)
      %dma_start3A_779 = arith.constant 1 : i32
      %dma_start3A_780 = arith.constant 8 : i32
      %dma_start3A_781 = arith.constant 0 : i32
      %dma_start3A_782 = tpu.memref_slice %arg12[%dma_start3A_780, %dma_start3A_781] : memref<32x128xf32, #tpu.memory_space<vmem>> -> memref<8x128xf32, #tpu.memory_space<vmem>>
      %dma_start3A_783 = arith.constant 0 : i32
      %dma_start3A_784 = arith.constant 0 : i32
      %dma_start3A_785 = tpu.memref_slice %arg4[%select_n3A_747, %dma_start3A_779, %select_n3A_763, %dma_start3A_783, %dma_start3A_784] : memref<200x4x32x8x128xf32, #tpu.memory_space<hbm>> -> memref<1x1x1x8x128xf32, #tpu.memory_space<hbm>>
      %dma_start3A_786 = tpu.memref_squeeze %dma_start3A_785 : memref<1x1x1x8x128xf32, #tpu.memory_space<hbm>> -> memref<8x128xf32, #tpu.memory_space<hbm>>
      %dma_start3A_787 = arith.constant 0 : i32
      %dma_start3A_788 = arith.constant 0 : i32
      %dma_start3A_789 = tpu.memref_slice %arg4[%select_n3A_747, %dma_start3A_779, %select_n3A_763, %dma_start3A_787, %dma_start3A_788] : memref<200x4x32x8x128xf32, #tpu.memory_space<hbm>> -> memref<1x1x1x8x128xf32, #tpu.memory_space<hbm>>
      %dma_start3A_790 = tpu.memref_squeeze %dma_start3A_789 : memref<1x1x1x8x128xf32, #tpu.memory_space<hbm>> -> memref<8x128xf32, #tpu.memory_space<hbm>>
      %dma_start3A_791 = arith.constant 8 : i32
      %dma_start3A_792 = arith.constant 0 : i32
      %dma_start3A_793 = tpu.memref_slice %arg12[%dma_start3A_791, %dma_start3A_792] : memref<32x128xf32, #tpu.memory_space<vmem>> -> memref<8x128xf32, #tpu.memory_space<vmem>>
      tpu.enqueue_dma source(%dma_start3A_793 : memref<8x128xf32, #tpu.memory_space<vmem>>) target(%dma_start3A_790 : memref<8x128xf32, #tpu.memory_space<hbm>>) target_semaphore(%arg20 : memref<!tpu.dma_semaphore, #tpu.memory_space<semaphore_mem>>)
      %dma_start3A_794 = arith.constant 2 : i32
      %dma_start3A_795 = arith.constant 16 : i32
      %dma_start3A_796 = arith.constant 0 : i32
      %dma_start3A_797 = tpu.memref_slice %arg12[%dma_start3A_795, %dma_start3A_796] : memref<32x128xf32, #tpu.memory_space<vmem>> -> memref<8x128xf32, #tpu.memory_space<vmem>>
      %dma_start3A_798 = arith.constant 0 : i32
      %dma_start3A_799 = arith.constant 0 : i32
      %dma_start3A_800 = tpu.memref_slice %arg4[%select_n3A_747, %dma_start3A_794, %select_n3A_763, %dma_start3A_798, %dma_start3A_799] : memref<200x4x32x8x128xf32, #tpu.memory_space<hbm>> -> memref<1x1x1x8x128xf32, #tpu.memory_space<hbm>>
      %dma_start3A_801 = tpu.memref_squeeze %dma_start3A_800 : memref<1x1x1x8x128xf32, #tpu.memory_space<hbm>> -> memref<8x128xf32, #tpu.memory_space<hbm>>
      %dma_start3A_802 = arith.constant 0 : i32
      %dma_start3A_803 = arith.constant 0 : i32
      %dma_start3A_804 = tpu.memref_slice %arg4[%select_n3A_747, %dma_start3A_794, %select_n3A_763, %dma_start3A_802, %dma_start3A_803] : memref<200x4x32x8x128xf32, #tpu.memory_space<hbm>> -> memref<1x1x1x8x128xf32, #tpu.memory_space<hbm>>
      %dma_start3A_805 = tpu.memref_squeeze %dma_start3A_804 : memref<1x1x1x8x128xf32, #tpu.memory_space<hbm>> -> memref<8x128xf32, #tpu.memory_space<hbm>>
      %dma_start3A_806 = arith.constant 16 : i32
      %dma_start3A_807 = arith.constant 0 : i32
      %dma_start3A_808 = tpu.memref_slice %arg12[%dma_start3A_806, %dma_start3A_807] : memref<32x128xf32, #tpu.memory_space<vmem>> -> memref<8x128xf32, #tpu.memory_space<vmem>>
      tpu.enqueue_dma source(%dma_start3A_808 : memref<8x128xf32, #tpu.memory_space<vmem>>) target(%dma_start3A_805 : memref<8x128xf32, #tpu.memory_space<hbm>>) target_semaphore(%arg20 : memref<!tpu.dma_semaphore, #tpu.memory_space<semaphore_mem>>)
      %dma_start3A_809 = arith.constant 3 : i32
      %dma_start3A_810 = arith.constant 24 : i32
      %dma_start3A_811 = arith.constant 0 : i32
      %dma_start3A_812 = tpu.memref_slice %arg12[%dma_start3A_810, %dma_start3A_811] : memref<32x128xf32, #tpu.memory_space<vmem>> -> memref<8x128xf32, #tpu.memory_space<vmem>>
      %dma_start3A_813 = arith.constant 0 : i32
      %dma_start3A_814 = arith.constant 0 : i32
      %dma_start3A_815 = tpu.memref_slice %arg4[%select_n3A_747, %dma_start3A_809, %select_n3A_763, %dma_start3A_813, %dma_start3A_814] : memref<200x4x32x8x128xf32, #tpu.memory_space<hbm>> -> memref<1x1x1x8x128xf32, #tpu.memory_space<hbm>>
      %dma_start3A_816 = tpu.memref_squeeze %dma_start3A_815 : memref<1x1x1x8x128xf32, #tpu.memory_space<hbm>> -> memref<8x128xf32, #tpu.memory_space<hbm>>
      %dma_start3A_817 = arith.constant 0 : i32
      %dma_start3A_818 = arith.constant 0 : i32
      %dma_start3A_819 = tpu.memref_slice %arg4[%select_n3A_747, %dma_start3A_809, %select_n3A_763, %dma_start3A_817, %dma_start3A_818] : memref<200x4x32x8x128xf32, #tpu.memory_space<hbm>> -> memref<1x1x1x8x128xf32, #tpu.memory_space<hbm>>
      %dma_start3A_820 = tpu.memref_squeeze %dma_start3A_819 : memref<1x1x1x8x128xf32, #tpu.memory_space<hbm>> -> memref<8x128xf32, #tpu.memory_space<hbm>>
      %dma_start3A_821 = arith.constant 24 : i32
      %dma_start3A_822 = arith.constant 0 : i32
      %dma_start3A_823 = tpu.memref_slice %arg12[%dma_start3A_821, %dma_start3A_822] : memref<32x128xf32, #tpu.memory_space<vmem>> -> memref<8x128xf32, #tpu.memory_space<vmem>>
      tpu.enqueue_dma source(%dma_start3A_823 : memref<8x128xf32, #tpu.memory_space<vmem>>) target(%dma_start3A_820 : memref<8x128xf32, #tpu.memory_space<hbm>>) target_semaphore(%arg20 : memref<!tpu.dma_semaphore, #tpu.memory_space<semaphore_mem>>)
      %add3A_824 = arith.constant 4 : i32
      %add3A_825 = arith.addi %add3A_708, %add3A_824 : i32
      %lt3A_826 = arith.constant 200 : i32
      %lt3A_827 = arith.cmpi slt, %add3A_825, %lt3A_826 : i32
      %convert_element_type3A_828 = arith.extui %lt3A_827 : i1 to i32
      %cond3A_829 = arith.constant 0 : i32
      %cond3A_830 = arith.cmpi ne, %convert_element_type3A_828, %cond3A_829 : i32
      scf.if %cond3A_830 {
        %dma_start3A_957 = arith.constant 0 : i32
        %dma_start3A_958 = tpu.memref_slice %arg5[%add3A_825, %dma_start3A_957] : memref<200x128xi32, #tpu.memory_space<vmem>> -> memref<1x128xi32, #tpu.memory_space<vmem>>
        %dma_start3A_959 = tpu.memref_squeeze %dma_start3A_958 : memref<1x128xi32, #tpu.memory_space<vmem>> -> memref<128xi32, #tpu.memory_space<vmem>>
        %dma_start3A_960 = arith.constant 0 : i32
        %dma_start3A_961 = arith.constant 0 : i32
        %dma_start3A_962 = tpu.memref_slice %arg3[%dma_start3A_960, %dma_start3A_961] : memref<1000000x32xf32, #tpu.memory_space<hbm>> -> memref<1000000x32xf32, #tpu.memory_space<hbm>>
        tpu.enqueue_indirect_dma source(%dma_start3A_962 : memref<1000000x32xf32, #tpu.memory_space<hbm>>) target(%arg8 : memref<128x32xf32, #tpu.memory_space<vmem>>) offsets(%dma_start3A_959 : memref<128xi32, #tpu.memory_space<vmem>>) semaphore(%arg16 : memref<!tpu.dma_semaphore, #tpu.memory_space<semaphore_mem>>)
      } else {
      }
      %mul3A_831 = arith.constant 4 : i32
      %mul3A_832 = arith.muli %scan3A_456, %mul3A_831 : i32
      %add3A_833 = arith.constant 3 : i32
      %add3A_834 = arith.addi %mul3A_832, %add3A_833 : i32
      %dma_wait3A_835 = arith.constant 0 : i32
      %dma_wait3A_836 = tpu.memref_slice %arg5[%add3A_834, %dma_wait3A_835] : memref<200x128xi32, #tpu.memory_space<vmem>> -> memref<1x128xi32, #tpu.memory_space<vmem>>
      %dma_wait3A_837 = tpu.memref_squeeze %dma_wait3A_836 : memref<1x128xi32, #tpu.memory_space<vmem>> -> memref<128xi32, #tpu.memory_space<vmem>>
      %dma_wait3A_838 = arith.constant 0 : i32
      %dma_wait3A_839 = arith.constant 0 : i32
      %dma_wait3A_840 = tpu.memref_slice %arg3[%dma_wait3A_838, %dma_wait3A_839] : memref<1000000x32xf32, #tpu.memory_space<hbm>> -> memref<1000000x32xf32, #tpu.memory_space<hbm>>
      tpu.wait_indirect_dma semaphore(%arg17 : memref<!tpu.dma_semaphore, #tpu.memory_space<semaphore_mem>>) src(%dma_wait3A_840 : memref<1000000x32xf32, #tpu.memory_space<hbm>>) dst(%arg9 : memref<128x32xf32, #tpu.memory_space<vmem>>)
      %gt3A_841 = arith.constant 0 : i32
      %gt3A_842 = arith.cmpi sgt, %scan3A_456, %gt3A_841 : i32
      %convert_element_type3A_843 = arith.extui %gt3A_842 : i1 to i32
      %cond3A_844 = arith.constant 0 : i32
      %cond3A_845 = arith.cmpi ne, %convert_element_type3A_843, %cond3A_844 : i32
      scf.if %cond3A_845 {
        %sub3A_957 = arith.constant 4 : i32
        %sub3A_958 = arith.subi %add3A_834, %sub3A_957 : i32
        %add3A_959 = arith.addi %mul3A_2, %sub3A_958 : i32
        %jit3A_960 = arith.constant 32 : i32
        %div3A_961 = arith.divsi %add3A_959, %jit3A_960 : i32
        %sign3A_962 = arith.constant 0 : i32
        %sign3A_963 = arith.cmpi sgt, %add3A_959, %sign3A_962 : i32
        %sign3A_964 = arith.extui %sign3A_963 : i1 to i32
        %sign3A_965 = arith.constant 0 : i32
        %sign3A_966 = arith.cmpi slt, %add3A_959, %sign3A_965 : i32
        %sign3A_967 = arith.extui %sign3A_966 : i1 to i32
        %sign3A_968 = arith.subi %sign3A_964, %sign3A_967 : i32
        %sign3A_969 = arith.constant 0 : i32
        %sign3A_970 = arith.cmpi sgt, %jit3A_960, %sign3A_969 : i32
        %sign3A_971 = arith.extui %sign3A_970 : i1 to i32
        %sign3A_972 = arith.constant 0 : i32
        %sign3A_973 = arith.cmpi slt, %jit3A_960, %sign3A_972 : i32
        %sign3A_974 = arith.extui %sign3A_973 : i1 to i32
        %sign3A_975 = arith.subi %sign3A_971, %sign3A_974 : i32
        %ne3A_976 = arith.cmpi ne, %sign3A_968, %sign3A_975 : i32
        %rem3A_977 = arith.remsi %add3A_959, %jit3A_960 : i32
        %ne3A_978 = arith.constant 0 : i32
        %ne3A_979 = arith.cmpi ne, %rem3A_977, %ne3A_978 : i32
        %and3A_980 = arith.andi %ne3A_976, %ne3A_979 : i1
        %sub3A_981 = arith.constant 1 : i32
        %sub3A_982 = arith.subi %div3A_961, %sub3A_981 : i32
        %select_n3A_983 = arith.select %and3A_980, %sub3A_982, %div3A_961 : i32
        %jit3A_984 = arith.constant 32 : i32
        %eq3A_985 = arith.constant 0 : i32
        %eq3A_986 = arith.cmpi eq, %jit3A_984, %eq3A_985 : i32
        %jit3A_987 = arith.constant 1 : i32
        %select_n3A_988 = arith.select %eq3A_986, %jit3A_987, %jit3A_984 : i32
        %rem3A_989 = arith.remsi %add3A_959, %select_n3A_988 : i32
        %ne3A_990 = arith.constant 0 : i32
        %ne3A_991 = arith.cmpi ne, %rem3A_989, %ne3A_990 : i32
        %lt3A_992 = arith.constant 0 : i32
        %lt3A_993 = arith.cmpi slt, %rem3A_989, %lt3A_992 : i32
        %lt3A_994 = arith.constant 0 : i32
        %lt3A_995 = arith.cmpi slt, %select_n3A_988, %lt3A_994 : i32
        %ne3A_996 = arith.xori %lt3A_993, %lt3A_995 : i1
        %and3A_997 = arith.andi %ne3A_996, %ne3A_991 : i1
        %add3A_998 = arith.addi %rem3A_989, %select_n3A_988 : i32
        %select_n3A_999 = arith.select %and3A_997, %add3A_998, %rem3A_989 : i32
        %dma_wait3A_1000 = arith.constant 0 : i32
        %dma_wait3A_1001 = arith.constant 0 : i32
        %dma_wait3A_1002 = arith.constant 0 : i32
        %dma_wait3A_1003 = tpu.memref_slice %arg13[%dma_wait3A_1001, %dma_wait3A_1002] : memref<32x128xf32, #tpu.memory_space<vmem>> -> memref<8x128xf32, #tpu.memory_space<vmem>>
        %dma_wait3A_1004 = arith.constant 0 : i32
        %dma_wait3A_1005 = arith.constant 0 : i32
        %dma_wait3A_1006 = tpu.memref_slice %arg4[%select_n3A_983, %dma_wait3A_1000, %select_n3A_999, %dma_wait3A_1004, %dma_wait3A_1005] : memref<200x4x32x8x128xf32, #tpu.memory_space<hbm>> -> memref<1x1x1x8x128xf32, #tpu.memory_space<hbm>>
        %dma_wait3A_1007 = tpu.memref_squeeze %dma_wait3A_1006 : memref<1x1x1x8x128xf32, #tpu.memory_space<hbm>> -> memref<8x128xf32, #tpu.memory_space<hbm>>
        %dma_wait3A_1008 = arith.constant 0 : i32
        %dma_wait3A_1009 = arith.constant 0 : i32
        %dma_wait3A_1010 = tpu.memref_slice %arg4[%select_n3A_983, %dma_wait3A_1000, %select_n3A_999, %dma_wait3A_1008, %dma_wait3A_1009] : memref<200x4x32x8x128xf32, #tpu.memory_space<hbm>> -> memref<1x1x1x8x128xf32, #tpu.memory_space<hbm>>
        %dma_wait3A_1011 = tpu.memref_squeeze %dma_wait3A_1010 : memref<1x1x1x8x128xf32, #tpu.memory_space<hbm>> -> memref<8x128xf32, #tpu.memory_space<hbm>>
        %dma_wait3A_1012 = arith.constant 0 : i32
        %dma_wait3A_1013 = arith.constant 0 : i32
        %dma_wait3A_1014 = tpu.memref_slice %arg13[%dma_wait3A_1012, %dma_wait3A_1013] : memref<32x128xf32, #tpu.memory_space<vmem>> -> memref<8x128xf32, #tpu.memory_space<vmem>>
        tpu.wait_dma2 semaphore(%arg21 : memref<!tpu.dma_semaphore, #tpu.memory_space<semaphore_mem>>) src(%dma_wait3A_1014 : memref<8x128xf32, #tpu.memory_space<vmem>>) dst(%dma_wait3A_1011 : memref<8x128xf32, #tpu.memory_space<hbm>>)
        %dma_wait3A_1015 = arith.constant 1 : i32
        %dma_wait3A_1016 = arith.constant 8 : i32
        %dma_wait3A_1017 = arith.constant 0 : i32
        %dma_wait3A_1018 = tpu.memref_slice %arg13[%dma_wait3A_1016, %dma_wait3A_1017] : memref<32x128xf32, #tpu.memory_space<vmem>> -> memref<8x128xf32, #tpu.memory_space<vmem>>
        %dma_wait3A_1019 = arith.constant 0 : i32
        %dma_wait3A_1020 = arith.constant 0 : i32
        %dma_wait3A_1021 = tpu.memref_slice %arg4[%select_n3A_983, %dma_wait3A_1015, %select_n3A_999, %dma_wait3A_1019, %dma_wait3A_1020] : memref<200x4x32x8x128xf32, #tpu.memory_space<hbm>> -> memref<1x1x1x8x128xf32, #tpu.memory_space<hbm>>
        %dma_wait3A_1022 = tpu.memref_squeeze %dma_wait3A_1021 : memref<1x1x1x8x128xf32, #tpu.memory_space<hbm>> -> memref<8x128xf32, #tpu.memory_space<hbm>>
        %dma_wait3A_1023 = arith.constant 0 : i32
        %dma_wait3A_1024 = arith.constant 0 : i32
        %dma_wait3A_1025 = tpu.memref_slice %arg4[%select_n3A_983, %dma_wait3A_1015, %select_n3A_999, %dma_wait3A_1023, %dma_wait3A_1024] : memref<200x4x32x8x128xf32, #tpu.memory_space<hbm>> -> memref<1x1x1x8x128xf32, #tpu.memory_space<hbm>>
        %dma_wait3A_1026 = tpu.memref_squeeze %dma_wait3A_1025 : memref<1x1x1x8x128xf32, #tpu.memory_space<hbm>> -> memref<8x128xf32, #tpu.memory_space<hbm>>
        %dma_wait3A_1027 = arith.constant 8 : i32
        %dma_wait3A_1028 = arith.constant 0 : i32
        %dma_wait3A_1029 = tpu.memref_slice %arg13[%dma_wait3A_1027, %dma_wait3A_1028] : memref<32x128xf32, #tpu.memory_space<vmem>> -> memref<8x128xf32, #tpu.memory_space<vmem>>
        tpu.wait_dma2 semaphore(%arg21 : memref<!tpu.dma_semaphore, #tpu.memory_space<semaphore_mem>>) src(%dma_wait3A_1029 : memref<8x128xf32, #tpu.memory_space<vmem>>) dst(%dma_wait3A_1026 : memref<8x128xf32, #tpu.memory_space<hbm>>)
        %dma_wait3A_1030 = arith.constant 2 : i32
        %dma_wait3A_1031 = arith.constant 16 : i32
        %dma_wait3A_1032 = arith.constant 0 : i32
        %dma_wait3A_1033 = tpu.memref_slice %arg13[%dma_wait3A_1031, %dma_wait3A_1032] : memref<32x128xf32, #tpu.memory_space<vmem>> -> memref<8x128xf32, #tpu.memory_space<vmem>>
        %dma_wait3A_1034 = arith.constant 0 : i32
        %dma_wait3A_1035 = arith.constant 0 : i32
        %dma_wait3A_1036 = tpu.memref_slice %arg4[%select_n3A_983, %dma_wait3A_1030, %select_n3A_999, %dma_wait3A_1034, %dma_wait3A_1035] : memref<200x4x32x8x128xf32, #tpu.memory_space<hbm>> -> memref<1x1x1x8x128xf32, #tpu.memory_space<hbm>>
        %dma_wait3A_1037 = tpu.memref_squeeze %dma_wait3A_1036 : memref<1x1x1x8x128xf32, #tpu.memory_space<hbm>> -> memref<8x128xf32, #tpu.memory_space<hbm>>
        %dma_wait3A_1038 = arith.constant 0 : i32
        %dma_wait3A_1039 = arith.constant 0 : i32
        %dma_wait3A_1040 = tpu.memref_slice %arg4[%select_n3A_983, %dma_wait3A_1030, %select_n3A_999, %dma_wait3A_1038, %dma_wait3A_1039] : memref<200x4x32x8x128xf32, #tpu.memory_space<hbm>> -> memref<1x1x1x8x128xf32, #tpu.memory_space<hbm>>
        %dma_wait3A_1041 = tpu.memref_squeeze %dma_wait3A_1040 : memref<1x1x1x8x128xf32, #tpu.memory_space<hbm>> -> memref<8x128xf32, #tpu.memory_space<hbm>>
        %dma_wait3A_1042 = arith.constant 16 : i32
        %dma_wait3A_1043 = arith.constant 0 : i32
        %dma_wait3A_1044 = tpu.memref_slice %arg13[%dma_wait3A_1042, %dma_wait3A_1043] : memref<32x128xf32, #tpu.memory_space<vmem>> -> memref<8x128xf32, #tpu.memory_space<vmem>>
        tpu.wait_dma2 semaphore(%arg21 : memref<!tpu.dma_semaphore, #tpu.memory_space<semaphore_mem>>) src(%dma_wait3A_1044 : memref<8x128xf32, #tpu.memory_space<vmem>>) dst(%dma_wait3A_1041 : memref<8x128xf32, #tpu.memory_space<hbm>>)
        %dma_wait3A_1045 = arith.constant 3 : i32
        %dma_wait3A_1046 = arith.constant 24 : i32
        %dma_wait3A_1047 = arith.constant 0 : i32
        %dma_wait3A_1048 = tpu.memref_slice %arg13[%dma_wait3A_1046, %dma_wait3A_1047] : memref<32x128xf32, #tpu.memory_space<vmem>> -> memref<8x128xf32, #tpu.memory_space<vmem>>
        %dma_wait3A_1049 = arith.constant 0 : i32
        %dma_wait3A_1050 = arith.constant 0 : i32
        %dma_wait3A_1051 = tpu.memref_slice %arg4[%select_n3A_983, %dma_wait3A_1045, %select_n3A_999, %dma_wait3A_1049, %dma_wait3A_1050] : memref<200x4x32x8x128xf32, #tpu.memory_space<hbm>> -> memref<1x1x1x8x128xf32, #tpu.memory_space<hbm>>
        %dma_wait3A_1052 = tpu.memref_squeeze %dma_wait3A_1051 : memref<1x1x1x8x128xf32, #tpu.memory_space<hbm>> -> memref<8x128xf32, #tpu.memory_space<hbm>>
        %dma_wait3A_1053 = arith.constant 0 : i32
        %dma_wait3A_1054 = arith.constant 0 : i32
        %dma_wait3A_1055 = tpu.memref_slice %arg4[%select_n3A_983, %dma_wait3A_1045, %select_n3A_999, %dma_wait3A_1053, %dma_wait3A_1054] : memref<200x4x32x8x128xf32, #tpu.memory_space<hbm>> -> memref<1x1x1x8x128xf32, #tpu.memory_space<hbm>>
        %dma_wait3A_1056 = tpu.memref_squeeze %dma_wait3A_1055 : memref<1x1x1x8x128xf32, #tpu.memory_space<hbm>> -> memref<8x128xf32, #tpu.memory_space<hbm>>
        %dma_wait3A_1057 = arith.constant 24 : i32
        %dma_wait3A_1058 = arith.constant 0 : i32
        %dma_wait3A_1059 = tpu.memref_slice %arg13[%dma_wait3A_1057, %dma_wait3A_1058] : memref<32x128xf32, #tpu.memory_space<vmem>> -> memref<8x128xf32, #tpu.memory_space<vmem>>
        tpu.wait_dma2 semaphore(%arg21 : memref<!tpu.dma_semaphore, #tpu.memory_space<semaphore_mem>>) src(%dma_wait3A_1059 : memref<8x128xf32, #tpu.memory_space<vmem>>) dst(%dma_wait3A_1056 : memref<8x128xf32, #tpu.memory_space<hbm>>)
      } else {
      }
      %parallel_loop3A_846 = arith.constant 0 : i32
      %parallel_loop3A_847 = arith.constant 32 : i32
      %parallel_loop3A_848 = arith.constant 1 : i32
      scf.for %parallel_loop3A_957 = %parallel_loop3A_846 to %parallel_loop3A_847 step %parallel_loop3A_848  : i32 {
        %parallel_loop3A_958 = vector.broadcast %parallel_loop3A_957 : i32 to vector<16xi32>
        %parallel_loop3A_959 = arith.addi %parallel_loop3A_958, %iota3A : vector<16xi32>
        %parallel_loop3A_960 = arith.constant 31 : i32
        %parallel_loop3A_961 = vector.broadcast %parallel_loop3A_960 : i32 to vector<16xi32>
        %parallel_loop3A_962 = arith.andi %parallel_loop3A_959, %parallel_loop3A_961 : vector<16xi32>
        %parallel_loop3A_963 = tpu.vector_load_idx %arg9[%add3A_5, %parallel_loop3A_962] : memref<128x32xf32, #tpu.memory_space<vmem>>[vector<16xi32>, vector<16xi32>], vector<16xf32>,
        tpu.vector_store_idx %arg13[%parallel_loop3A_962, %add3A_5], %parallel_loop3A_963 : memref<32x128xf32, #tpu.memory_space<vmem>>[vector<16xi32>, vector<16xi32>], vector<16xf32>,
        %parallel_loop3A_964 = tpu.vector_load_idx %arg9[%add3A_8, %parallel_loop3A_962] : memref<128x32xf32, #tpu.memory_space<vmem>>[vector<16xi32>, vector<16xi32>], vector<16xf32>,
        tpu.vector_store_idx %arg13[%parallel_loop3A_962, %add3A_8], %parallel_loop3A_964 : memref<32x128xf32, #tpu.memory_space<vmem>>[vector<16xi32>, vector<16xi32>], vector<16xf32>,
        %parallel_loop3A_965 = tpu.vector_load_idx %arg9[%add3A_11, %parallel_loop3A_962] : memref<128x32xf32, #tpu.memory_space<vmem>>[vector<16xi32>, vector<16xi32>], vector<16xf32>,
        tpu.vector_store_idx %arg13[%parallel_loop3A_962, %add3A_11], %parallel_loop3A_965 : memref<32x128xf32, #tpu.memory_space<vmem>>[vector<16xi32>, vector<16xi32>], vector<16xf32>,
        %parallel_loop3A_966 = tpu.vector_load_idx %arg9[%add3A_14, %parallel_loop3A_962] : memref<128x32xf32, #tpu.memory_space<vmem>>[vector<16xi32>, vector<16xi32>], vector<16xf32>,
        tpu.vector_store_idx %arg13[%parallel_loop3A_962, %add3A_14], %parallel_loop3A_966 : memref<32x128xf32, #tpu.memory_space<vmem>>[vector<16xi32>, vector<16xi32>], vector<16xf32>,
        %parallel_loop3A_967 = tpu.vector_load_idx %arg9[%add3A_17, %parallel_loop3A_962] : memref<128x32xf32, #tpu.memory_space<vmem>>[vector<16xi32>, vector<16xi32>], vector<16xf32>,
        tpu.vector_store_idx %arg13[%parallel_loop3A_962, %add3A_17], %parallel_loop3A_967 : memref<32x128xf32, #tpu.memory_space<vmem>>[vector<16xi32>, vector<16xi32>], vector<16xf32>,
        %parallel_loop3A_968 = tpu.vector_load_idx %arg9[%add3A_20, %parallel_loop3A_962] : memref<128x32xf32, #tpu.memory_space<vmem>>[vector<16xi32>, vector<16xi32>], vector<16xf32>,
        tpu.vector_store_idx %arg13[%parallel_loop3A_962, %add3A_20], %parallel_loop3A_968 : memref<32x128xf32, #tpu.memory_space<vmem>>[vector<16xi32>, vector<16xi32>], vector<16xf32>,
        %parallel_loop3A_969 = tpu.vector_load_idx %arg9[%add3A_23, %parallel_loop3A_962] : memref<128x32xf32, #tpu.memory_space<vmem>>[vector<16xi32>, vector<16xi32>], vector<16xf32>,
        tpu.vector_store_idx %arg13[%parallel_loop3A_962, %add3A_23], %parallel_loop3A_969 : memref<32x128xf32, #tpu.memory_space<vmem>>[vector<16xi32>, vector<16xi32>], vector<16xf32>,
        %parallel_loop3A_970 = tpu.vector_load_idx %arg9[%add3A_26, %parallel_loop3A_962] : memref<128x32xf32, #tpu.memory_space<vmem>>[vector<16xi32>, vector<16xi32>], vector<16xf32>,
        tpu.vector_store_idx %arg13[%parallel_loop3A_962, %add3A_26], %parallel_loop3A_970 : memref<32x128xf32, #tpu.memory_space<vmem>>[vector<16xi32>, vector<16xi32>], vector<16xf32>,
      } {sc.loop_unroll_factor = 4 : i64, sc.parallel_access}
      %add3A_849 = arith.addi %mul3A_2, %add3A_834 : i32
      %jit3A_850 = arith.constant 32 : i32
      %div3A_851 = arith.divsi %add3A_849, %jit3A_850 : i32
      %sign3A_852 = arith.constant 0 : i32
      %sign3A_853 = arith.cmpi sgt, %add3A_849, %sign3A_852 : i32
      %sign3A_854 = arith.extui %sign3A_853 : i1 to i32
      %sign3A_855 = arith.constant 0 : i32
      %sign3A_856 = arith.cmpi slt, %add3A_849, %sign3A_855 : i32
      %sign3A_857 = arith.extui %sign3A_856 : i1 to i32
      %sign3A_858 = arith.subi %sign3A_854, %sign3A_857 : i32
      %sign3A_859 = arith.constant 0 : i32
      %sign3A_860 = arith.cmpi sgt, %jit3A_850, %sign3A_859 : i32
      %sign3A_861 = arith.extui %sign3A_860 : i1 to i32
      %sign3A_862 = arith.constant 0 : i32
      %sign3A_863 = arith.cmpi slt, %jit3A_850, %sign3A_862 : i32
      %sign3A_864 = arith.extui %sign3A_863 : i1 to i32
      %sign3A_865 = arith.subi %sign3A_861, %sign3A_864 : i32
      %ne3A_866 = arith.cmpi ne, %sign3A_858, %sign3A_865 : i32
      %rem3A_867 = arith.remsi %add3A_849, %jit3A_850 : i32
      %ne3A_868 = arith.constant 0 : i32
      %ne3A_869 = arith.cmpi ne, %rem3A_867, %ne3A_868 : i32
      %and3A_870 = arith.andi %ne3A_866, %ne3A_869 : i1
      %sub3A_871 = arith.constant 1 : i32
      %sub3A_872 = arith.subi %div3A_851, %sub3A_871 : i32
      %select_n3A_873 = arith.select %and3A_870, %sub3A_872, %div3A_851 : i32
      %jit3A_874 = arith.constant 32 : i32
      %eq3A_875 = arith.constant 0 : i32
      %eq3A_876 = arith.cmpi eq, %jit3A_874, %eq3A_875 : i32
      %jit3A_877 = arith.constant 1 : i32
      %select_n3A_878 = arith.select %eq3A_876, %jit3A_877, %jit3A_874 : i32
      %rem3A_879 = arith.remsi %add3A_849, %select_n3A_878 : i32
      %ne3A_880 = arith.constant 0 : i32
      %ne3A_881 = arith.cmpi ne, %rem3A_879, %ne3A_880 : i32
      %lt3A_882 = arith.constant 0 : i32
      %lt3A_883 = arith.cmpi slt, %rem3A_879, %lt3A_882 : i32
      %lt3A_884 = arith.constant 0 : i32
      %lt3A_885 = arith.cmpi slt, %select_n3A_878, %lt3A_884 : i32
      %ne3A_886 = arith.xori %lt3A_883, %lt3A_885 : i1
      %and3A_887 = arith.andi %ne3A_886, %ne3A_881 : i1
      %add3A_888 = arith.addi %rem3A_879, %select_n3A_878 : i32
      %select_n3A_889 = arith.select %and3A_887, %add3A_888, %rem3A_879 : i32
      %dma_start3A_890 = arith.constant 0 : i32
      %dma_start3A_891 = arith.constant 0 : i32
      %dma_start3A_892 = arith.constant 0 : i32
      %dma_start3A_893 = tpu.memref_slice %arg13[%dma_start3A_891, %dma_start3A_892] : memref<32x128xf32, #tpu.memory_space<vmem>> -> memref<8x128xf32, #tpu.memory_space<vmem>>
      %dma_start3A_894 = arith.constant 0 : i32
      %dma_start3A_895 = arith.constant 0 : i32
      %dma_start3A_896 = tpu.memref_slice %arg4[%select_n3A_873, %dma_start3A_890, %select_n3A_889, %dma_start3A_894, %dma_start3A_895] : memref<200x4x32x8x128xf32, #tpu.memory_space<hbm>> -> memref<1x1x1x8x128xf32, #tpu.memory_space<hbm>>
      %dma_start3A_897 = tpu.memref_squeeze %dma_start3A_896 : memref<1x1x1x8x128xf32, #tpu.memory_space<hbm>> -> memref<8x128xf32, #tpu.memory_space<hbm>>
      %dma_start3A_898 = arith.constant 0 : i32
      %dma_start3A_899 = arith.constant 0 : i32
      %dma_start3A_900 = tpu.memref_slice %arg4[%select_n3A_873, %dma_start3A_890, %select_n3A_889, %dma_start3A_898, %dma_start3A_899] : memref<200x4x32x8x128xf32, #tpu.memory_space<hbm>> -> memref<1x1x1x8x128xf32, #tpu.memory_space<hbm>>
      %dma_start3A_901 = tpu.memref_squeeze %dma_start3A_900 : memref<1x1x1x8x128xf32, #tpu.memory_space<hbm>> -> memref<8x128xf32, #tpu.memory_space<hbm>>
      %dma_start3A_902 = arith.constant 0 : i32
      %dma_start3A_903 = arith.constant 0 : i32
      %dma_start3A_904 = tpu.memref_slice %arg13[%dma_start3A_902, %dma_start3A_903] : memref<32x128xf32, #tpu.memory_space<vmem>> -> memref<8x128xf32, #tpu.memory_space<vmem>>
      tpu.enqueue_dma source(%dma_start3A_904 : memref<8x128xf32, #tpu.memory_space<vmem>>) target(%dma_start3A_901 : memref<8x128xf32, #tpu.memory_space<hbm>>) target_semaphore(%arg21 : memref<!tpu.dma_semaphore, #tpu.memory_space<semaphore_mem>>)
      %dma_start3A_905 = arith.constant 1 : i32
      %dma_start3A_906 = arith.constant 8 : i32
      %dma_start3A_907 = arith.constant 0 : i32
      %dma_start3A_908 = tpu.memref_slice %arg13[%dma_start3A_906, %dma_start3A_907] : memref<32x128xf32, #tpu.memory_space<vmem>> -> memref<8x128xf32, #tpu.memory_space<vmem>>
      %dma_start3A_909 = arith.constant 0 : i32
      %dma_start3A_910 = arith.constant 0 : i32
      %dma_start3A_911 = tpu.memref_slice %arg4[%select_n3A_873, %dma_start3A_905, %select_n3A_889, %dma_start3A_909, %dma_start3A_910] : memref<200x4x32x8x128xf32, #tpu.memory_space<hbm>> -> memref<1x1x1x8x128xf32, #tpu.memory_space<hbm>>
      %dma_start3A_912 = tpu.memref_squeeze %dma_start3A_911 : memref<1x1x1x8x128xf32, #tpu.memory_space<hbm>> -> memref<8x128xf32, #tpu.memory_space<hbm>>
      %dma_start3A_913 = arith.constant 0 : i32
      %dma_start3A_914 = arith.constant 0 : i32
      %dma_start3A_915 = tpu.memref_slice %arg4[%select_n3A_873, %dma_start3A_905, %select_n3A_889, %dma_start3A_913, %dma_start3A_914] : memref<200x4x32x8x128xf32, #tpu.memory_space<hbm>> -> memref<1x1x1x8x128xf32, #tpu.memory_space<hbm>>
      %dma_start3A_916 = tpu.memref_squeeze %dma_start3A_915 : memref<1x1x1x8x128xf32, #tpu.memory_space<hbm>> -> memref<8x128xf32, #tpu.memory_space<hbm>>
      %dma_start3A_917 = arith.constant 8 : i32
      %dma_start3A_918 = arith.constant 0 : i32
      %dma_start3A_919 = tpu.memref_slice %arg13[%dma_start3A_917, %dma_start3A_918] : memref<32x128xf32, #tpu.memory_space<vmem>> -> memref<8x128xf32, #tpu.memory_space<vmem>>
      tpu.enqueue_dma source(%dma_start3A_919 : memref<8x128xf32, #tpu.memory_space<vmem>>) target(%dma_start3A_916 : memref<8x128xf32, #tpu.memory_space<hbm>>) target_semaphore(%arg21 : memref<!tpu.dma_semaphore, #tpu.memory_space<semaphore_mem>>)
      %dma_start3A_920 = arith.constant 2 : i32
      %dma_start3A_921 = arith.constant 16 : i32
      %dma_start3A_922 = arith.constant 0 : i32
      %dma_start3A_923 = tpu.memref_slice %arg13[%dma_start3A_921, %dma_start3A_922] : memref<32x128xf32, #tpu.memory_space<vmem>> -> memref<8x128xf32, #tpu.memory_space<vmem>>
      %dma_start3A_924 = arith.constant 0 : i32
      %dma_start3A_925 = arith.constant 0 : i32
      %dma_start3A_926 = tpu.memref_slice %arg4[%select_n3A_873, %dma_start3A_920, %select_n3A_889, %dma_start3A_924, %dma_start3A_925] : memref<200x4x32x8x128xf32, #tpu.memory_space<hbm>> -> memref<1x1x1x8x128xf32, #tpu.memory_space<hbm>>
      %dma_start3A_927 = tpu.memref_squeeze %dma_start3A_926 : memref<1x1x1x8x128xf32, #tpu.memory_space<hbm>> -> memref<8x128xf32, #tpu.memory_space<hbm>>
      %dma_start3A_928 = arith.constant 0 : i32
      %dma_start3A_929 = arith.constant 0 : i32
      %dma_start3A_930 = tpu.memref_slice %arg4[%select_n3A_873, %dma_start3A_920, %select_n3A_889, %dma_start3A_928, %dma_start3A_929] : memref<200x4x32x8x128xf32, #tpu.memory_space<hbm>> -> memref<1x1x1x8x128xf32, #tpu.memory_space<hbm>>
      %dma_start3A_931 = tpu.memref_squeeze %dma_start3A_930 : memref<1x1x1x8x128xf32, #tpu.memory_space<hbm>> -> memref<8x128xf32, #tpu.memory_space<hbm>>
      %dma_start3A_932 = arith.constant 16 : i32
      %dma_start3A_933 = arith.constant 0 : i32
      %dma_start3A_934 = tpu.memref_slice %arg13[%dma_start3A_932, %dma_start3A_933] : memref<32x128xf32, #tpu.memory_space<vmem>> -> memref<8x128xf32, #tpu.memory_space<vmem>>
      tpu.enqueue_dma source(%dma_start3A_934 : memref<8x128xf32, #tpu.memory_space<vmem>>) target(%dma_start3A_931 : memref<8x128xf32, #tpu.memory_space<hbm>>) target_semaphore(%arg21 : memref<!tpu.dma_semaphore, #tpu.memory_space<semaphore_mem>>)
      %dma_start3A_935 = arith.constant 3 : i32
      %dma_start3A_936 = arith.constant 24 : i32
      %dma_start3A_937 = arith.constant 0 : i32
      %dma_start3A_938 = tpu.memref_slice %arg13[%dma_start3A_936, %dma_start3A_937] : memref<32x128xf32, #tpu.memory_space<vmem>> -> memref<8x128xf32, #tpu.memory_space<vmem>>
      %dma_start3A_939 = arith.constant 0 : i32
      %dma_start3A_940 = arith.constant 0 : i32
      %dma_start3A_941 = tpu.memref_slice %arg4[%select_n3A_873, %dma_start3A_935, %select_n3A_889, %dma_start3A_939, %dma_start3A_940] : memref<200x4x32x8x128xf32, #tpu.memory_space<hbm>> -> memref<1x1x1x8x128xf32, #tpu.memory_space<hbm>>
      %dma_start3A_942 = tpu.memref_squeeze %dma_start3A_941 : memref<1x1x1x8x128xf32, #tpu.memory_space<hbm>> -> memref<8x128xf32, #tpu.memory_space<hbm>>
      %dma_start3A_943 = arith.constant 0 : i32
      %dma_start3A_944 = arith.constant 0 : i32
      %dma_start3A_945 = tpu.memref_slice %arg4[%select_n3A_873, %dma_start3A_935, %select_n3A_889, %dma_start3A_943, %dma_start3A_944] : memref<200x4x32x8x128xf32, #tpu.memory_space<hbm>> -> memref<1x1x1x8x128xf32, #tpu.memory_space<hbm>>
      %dma_start3A_946 = tpu.memref_squeeze %dma_start3A_945 : memref<1x1x1x8x128xf32, #tpu.memory_space<hbm>> -> memref<8x128xf32, #tpu.memory_space<hbm>>
      %dma_start3A_947 = arith.constant 24 : i32
      %dma_start3A_948 = arith.constant 0 : i32
      %dma_start3A_949 = tpu.memref_slice %arg13[%dma_start3A_947, %dma_start3A_948] : memref<32x128xf32, #tpu.memory_space<vmem>> -> memref<8x128xf32, #tpu.memory_space<vmem>>
      tpu.enqueue_dma source(%dma_start3A_949 : memref<8x128xf32, #tpu.memory_space<vmem>>) target(%dma_start3A_946 : memref<8x128xf32, #tpu.memory_space<hbm>>) target_semaphore(%arg21 : memref<!tpu.dma_semaphore, #tpu.memory_space<semaphore_mem>>)
      %add3A_950 = arith.constant 4 : i32
      %add3A_951 = arith.addi %add3A_834, %add3A_950 : i32
      %lt3A_952 = arith.constant 200 : i32
      %lt3A_953 = arith.cmpi slt, %add3A_951, %lt3A_952 : i32
      %convert_element_type3A_954 = arith.extui %lt3A_953 : i1 to i32
      %cond3A_955 = arith.constant 0 : i32
      %cond3A_956 = arith.cmpi ne, %convert_element_type3A_954, %cond3A_955 : i32
      scf.if %cond3A_956 {
        %dma_start3A_957 = arith.constant 0 : i32
        %dma_start3A_958 = tpu.memref_slice %arg5[%add3A_951, %dma_start3A_957] : memref<200x128xi32, #tpu.memory_space<vmem>> -> memref<1x128xi32, #tpu.memory_space<vmem>>
        %dma_start3A_959 = tpu.memref_squeeze %dma_start3A_958 : memref<1x128xi32, #tpu.memory_space<vmem>> -> memref<128xi32, #tpu.memory_space<vmem>>
        %dma_start3A_960 = arith.constant 0 : i32
        %dma_start3A_961 = arith.constant 0 : i32
        %dma_start3A_962 = tpu.memref_slice %arg3[%dma_start3A_960, %dma_start3A_961] : memref<1000000x32xf32, #tpu.memory_space<hbm>> -> memref<1000000x32xf32, #tpu.memory_space<hbm>>
        tpu.enqueue_indirect_dma source(%dma_start3A_962 : memref<1000000x32xf32, #tpu.memory_space<hbm>>) target(%arg9 : memref<128x32xf32, #tpu.memory_space<vmem>>) offsets(%dma_start3A_959 : memref<128xi32, #tpu.memory_space<vmem>>) semaphore(%arg17 : memref<!tpu.dma_semaphore, #tpu.memory_space<semaphore_mem>>)
      } else {
      }
    }
    %scan3A_58 = arith.constant 50 : i32
    %add3A_59 = arith.constant 196 : i32
    %add3A_60 = arith.addi %mul3A_2, %add3A_59 : i32
    %jit3A = arith.constant 32 : i32
    %div3A = arith.divsi %add3A_60, %jit3A : i32
    %sign3A = arith.constant 0 : i32
    %sign3A_61 = arith.cmpi sgt, %add3A_60, %sign3A : i32
    %sign3A_62 = arith.extui %sign3A_61 : i1 to i32
    %sign3A_63 = arith.constant 0 : i32
    %sign3A_64 = arith.cmpi slt, %add3A_60, %sign3A_63 : i32
    %sign3A_65 = arith.extui %sign3A_64 : i1 to i32
    %sign3A_66 = arith.subi %sign3A_62, %sign3A_65 : i32
    %sign3A_67 = arith.constant 0 : i32
    %sign3A_68 = arith.cmpi sgt, %jit3A, %sign3A_67 : i32
    %sign3A_69 = arith.extui %sign3A_68 : i1 to i32
    %sign3A_70 = arith.constant 0 : i32
    %sign3A_71 = arith.cmpi slt, %jit3A, %sign3A_70 : i32
    %sign3A_72 = arith.extui %sign3A_71 : i1 to i32
    %sign3A_73 = arith.subi %sign3A_69, %sign3A_72 : i32
    %ne3A = arith.cmpi ne, %sign3A_66, %sign3A_73 : i32
    %rem3A = arith.remsi %add3A_60, %jit3A : i32
    %ne3A_74 = arith.constant 0 : i32
    %ne3A_75 = arith.cmpi ne, %rem3A, %ne3A_74 : i32
    %and3A = arith.andi %ne3A, %ne3A_75 : i1
    %sub3A = arith.constant 1 : i32
    %sub3A_76 = arith.subi %div3A, %sub3A : i32
    %select_n3A = arith.select %and3A, %sub3A_76, %div3A : i32
    %jit3A_77 = arith.constant 32 : i32
    %eq3A = arith.constant 0 : i32
    %eq3A_78 = arith.cmpi eq, %jit3A_77, %eq3A : i32
    %jit3A_79 = arith.constant 1 : i32
    %select_n3A_80 = arith.select %eq3A_78, %jit3A_79, %jit3A_77 : i32
    %rem3A_81 = arith.remsi %add3A_60, %select_n3A_80 : i32
    %ne3A_82 = arith.constant 0 : i32
    %ne3A_83 = arith.cmpi ne, %rem3A_81, %ne3A_82 : i32
    %lt3A = arith.constant 0 : i32
    %lt3A_84 = arith.cmpi slt, %rem3A_81, %lt3A : i32
    %lt3A_85 = arith.constant 0 : i32
    %lt3A_86 = arith.cmpi slt, %select_n3A_80, %lt3A_85 : i32
    %ne3A_87 = arith.xori %lt3A_84, %lt3A_86 : i1
    %and3A_88 = arith.andi %ne3A_87, %ne3A_83 : i1
    %add3A_89 = arith.addi %rem3A_81, %select_n3A_80 : i32
    %select_n3A_90 = arith.select %and3A_88, %add3A_89, %rem3A_81 : i32
    %dma_wait3A = arith.constant 0 : i32
    %dma_wait3A_91 = arith.constant 0 : i32
    %dma_wait3A_92 = arith.constant 0 : i32
    %dma_wait3A_93 = tpu.memref_slice %arg10[%dma_wait3A_91, %dma_wait3A_92] : memref<32x128xf32, #tpu.memory_space<vmem>> -> memref<8x128xf32, #tpu.memory_space<vmem>>
    %dma_wait3A_94 = arith.constant 0 : i32
    %dma_wait3A_95 = arith.constant 0 : i32
    %dma_wait3A_96 = tpu.memref_slice %arg4[%select_n3A, %dma_wait3A, %select_n3A_90, %dma_wait3A_94, %dma_wait3A_95] : memref<200x4x32x8x128xf32, #tpu.memory_space<hbm>> -> memref<1x1x1x8x128xf32, #tpu.memory_space<hbm>>
    %dma_wait3A_97 = tpu.memref_squeeze %dma_wait3A_96 : memref<1x1x1x8x128xf32, #tpu.memory_space<hbm>> -> memref<8x128xf32, #tpu.memory_space<hbm>>
    %dma_wait3A_98 = arith.constant 0 : i32
    %dma_wait3A_99 = arith.constant 0 : i32
    %dma_wait3A_100 = tpu.memref_slice %arg4[%select_n3A, %dma_wait3A, %select_n3A_90, %dma_wait3A_98, %dma_wait3A_99] : memref<200x4x32x8x128xf32, #tpu.memory_space<hbm>> -> memref<1x1x1x8x128xf32, #tpu.memory_space<hbm>>
    %dma_wait3A_101 = tpu.memref_squeeze %dma_wait3A_100 : memref<1x1x1x8x128xf32, #tpu.memory_space<hbm>> -> memref<8x128xf32, #tpu.memory_space<hbm>>
    %dma_wait3A_102 = arith.constant 0 : i32
    %dma_wait3A_103 = arith.constant 0 : i32
    %dma_wait3A_104 = tpu.memref_slice %arg10[%dma_wait3A_102, %dma_wait3A_103] : memref<32x128xf32, #tpu.memory_space<vmem>> -> memref<8x128xf32, #tpu.memory_space<vmem>>
    tpu.wait_dma2 semaphore(%arg18 : memref<!tpu.dma_semaphore, #tpu.memory_space<semaphore_mem>>) src(%dma_wait3A_104 : memref<8x128xf32, #tpu.memory_space<vmem>>) dst(%dma_wait3A_101 : memref<8x128xf32, #tpu.memory_space<hbm>>)
    %dma_wait3A_105 = arith.constant 1 : i32
    %dma_wait3A_106 = arith.constant 8 : i32
    %dma_wait3A_107 = arith.constant 0 : i32
    %dma_wait3A_108 = tpu.memref_slice %arg10[%dma_wait3A_106, %dma_wait3A_107] : memref<32x128xf32, #tpu.memory_space<vmem>> -> memref<8x128xf32, #tpu.memory_space<vmem>>
    %dma_wait3A_109 = arith.constant 0 : i32
    %dma_wait3A_110 = arith.constant 0 : i32
    %dma_wait3A_111 = tpu.memref_slice %arg4[%select_n3A, %dma_wait3A_105, %select_n3A_90, %dma_wait3A_109, %dma_wait3A_110] : memref<200x4x32x8x128xf32, #tpu.memory_space<hbm>> -> memref<1x1x1x8x128xf32, #tpu.memory_space<hbm>>
    %dma_wait3A_112 = tpu.memref_squeeze %dma_wait3A_111 : memref<1x1x1x8x128xf32, #tpu.memory_space<hbm>> -> memref<8x128xf32, #tpu.memory_space<hbm>>
    %dma_wait3A_113 = arith.constant 0 : i32
    %dma_wait3A_114 = arith.constant 0 : i32
    %dma_wait3A_115 = tpu.memref_slice %arg4[%select_n3A, %dma_wait3A_105, %select_n3A_90, %dma_wait3A_113, %dma_wait3A_114] : memref<200x4x32x8x128xf32, #tpu.memory_space<hbm>> -> memref<1x1x1x8x128xf32, #tpu.memory_space<hbm>>
    %dma_wait3A_116 = tpu.memref_squeeze %dma_wait3A_115 : memref<1x1x1x8x128xf32, #tpu.memory_space<hbm>> -> memref<8x128xf32, #tpu.memory_space<hbm>>
    %dma_wait3A_117 = arith.constant 8 : i32
    %dma_wait3A_118 = arith.constant 0 : i32
    %dma_wait3A_119 = tpu.memref_slice %arg10[%dma_wait3A_117, %dma_wait3A_118] : memref<32x128xf32, #tpu.memory_space<vmem>> -> memref<8x128xf32, #tpu.memory_space<vmem>>
    tpu.wait_dma2 semaphore(%arg18 : memref<!tpu.dma_semaphore, #tpu.memory_space<semaphore_mem>>) src(%dma_wait3A_119 : memref<8x128xf32, #tpu.memory_space<vmem>>) dst(%dma_wait3A_116 : memref<8x128xf32, #tpu.memory_space<hbm>>)
    %dma_wait3A_120 = arith.constant 2 : i32
    %dma_wait3A_121 = arith.constant 16 : i32
    %dma_wait3A_122 = arith.constant 0 : i32
    %dma_wait3A_123 = tpu.memref_slice %arg10[%dma_wait3A_121, %dma_wait3A_122] : memref<32x128xf32, #tpu.memory_space<vmem>> -> memref<8x128xf32, #tpu.memory_space<vmem>>
    %dma_wait3A_124 = arith.constant 0 : i32
    %dma_wait3A_125 = arith.constant 0 : i32
    %dma_wait3A_126 = tpu.memref_slice %arg4[%select_n3A, %dma_wait3A_120, %select_n3A_90, %dma_wait3A_124, %dma_wait3A_125] : memref<200x4x32x8x128xf32, #tpu.memory_space<hbm>> -> memref<1x1x1x8x128xf32, #tpu.memory_space<hbm>>
    %dma_wait3A_127 = tpu.memref_squeeze %dma_wait3A_126 : memref<1x1x1x8x128xf32, #tpu.memory_space<hbm>> -> memref<8x128xf32, #tpu.memory_space<hbm>>
    %dma_wait3A_128 = arith.constant 0 : i32
    %dma_wait3A_129 = arith.constant 0 : i32
    %dma_wait3A_130 = tpu.memref_slice %arg4[%select_n3A, %dma_wait3A_120, %select_n3A_90, %dma_wait3A_128, %dma_wait3A_129] : memref<200x4x32x8x128xf32, #tpu.memory_space<hbm>> -> memref<1x1x1x8x128xf32, #tpu.memory_space<hbm>>
    %dma_wait3A_131 = tpu.memref_squeeze %dma_wait3A_130 : memref<1x1x1x8x128xf32, #tpu.memory_space<hbm>> -> memref<8x128xf32, #tpu.memory_space<hbm>>
    %dma_wait3A_132 = arith.constant 16 : i32
    %dma_wait3A_133 = arith.constant 0 : i32
    %dma_wait3A_134 = tpu.memref_slice %arg10[%dma_wait3A_132, %dma_wait3A_133] : memref<32x128xf32, #tpu.memory_space<vmem>> -> memref<8x128xf32, #tpu.memory_space<vmem>>
    tpu.wait_dma2 semaphore(%arg18 : memref<!tpu.dma_semaphore, #tpu.memory_space<semaphore_mem>>) src(%dma_wait3A_134 : memref<8x128xf32, #tpu.memory_space<vmem>>) dst(%dma_wait3A_131 : memref<8x128xf32, #tpu.memory_space<hbm>>)
    %dma_wait3A_135 = arith.constant 3 : i32
    %dma_wait3A_136 = arith.constant 24 : i32
    %dma_wait3A_137 = arith.constant 0 : i32
    %dma_wait3A_138 = tpu.memref_slice %arg10[%dma_wait3A_136, %dma_wait3A_137] : memref<32x128xf32, #tpu.memory_space<vmem>> -> memref<8x128xf32, #tpu.memory_space<vmem>>
    %dma_wait3A_139 = arith.constant 0 : i32
    %dma_wait3A_140 = arith.constant 0 : i32
    %dma_wait3A_141 = tpu.memref_slice %arg4[%select_n3A, %dma_wait3A_135, %select_n3A_90, %dma_wait3A_139, %dma_wait3A_140] : memref<200x4x32x8x128xf32, #tpu.memory_space<hbm>> -> memref<1x1x1x8x128xf32, #tpu.memory_space<hbm>>
    %dma_wait3A_142 = tpu.memref_squeeze %dma_wait3A_141 : memref<1x1x1x8x128xf32, #tpu.memory_space<hbm>> -> memref<8x128xf32, #tpu.memory_space<hbm>>
    %dma_wait3A_143 = arith.constant 0 : i32
    %dma_wait3A_144 = arith.constant 0 : i32
    %dma_wait3A_145 = tpu.memref_slice %arg4[%select_n3A, %dma_wait3A_135, %select_n3A_90, %dma_wait3A_143, %dma_wait3A_144] : memref<200x4x32x8x128xf32, #tpu.memory_space<hbm>> -> memref<1x1x1x8x128xf32, #tpu.memory_space<hbm>>
    %dma_wait3A_146 = tpu.memref_squeeze %dma_wait3A_145 : memref<1x1x1x8x128xf32, #tpu.memory_space<hbm>> -> memref<8x128xf32, #tpu.memory_space<hbm>>
    %dma_wait3A_147 = arith.constant 24 : i32
    %dma_wait3A_148 = arith.constant 0 : i32
    %dma_wait3A_149 = tpu.memref_slice %arg10[%dma_wait3A_147, %dma_wait3A_148] : memref<32x128xf32, #tpu.memory_space<vmem>> -> memref<8x128xf32, #tpu.memory_space<vmem>>
    tpu.wait_dma2 semaphore(%arg18 : memref<!tpu.dma_semaphore, #tpu.memory_space<semaphore_mem>>) src(%dma_wait3A_149 : memref<8x128xf32, #tpu.memory_space<vmem>>) dst(%dma_wait3A_146 : memref<8x128xf32, #tpu.memory_space<hbm>>)
    %add3A_150 = arith.constant 197 : i32
    %add3A_151 = arith.addi %mul3A_2, %add3A_150 : i32
    %jit3A_152 = arith.constant 32 : i32
    %div3A_153 = arith.divsi %add3A_151, %jit3A_152 : i32
    %sign3A_154 = arith.constant 0 : i32
    %sign3A_155 = arith.cmpi sgt, %add3A_151, %sign3A_154 : i32
    %sign3A_156 = arith.extui %sign3A_155 : i1 to i32
    %sign3A_157 = arith.constant 0 : i32
    %sign3A_158 = arith.cmpi slt, %add3A_151, %sign3A_157 : i32
    %sign3A_159 = arith.extui %sign3A_158 : i1 to i32
    %sign3A_160 = arith.subi %sign3A_156, %sign3A_159 : i32
    %sign3A_161 = arith.constant 0 : i32
    %sign3A_162 = arith.cmpi sgt, %jit3A_152, %sign3A_161 : i32
    %sign3A_163 = arith.extui %sign3A_162 : i1 to i32
    %sign3A_164 = arith.constant 0 : i32
    %sign3A_165 = arith.cmpi slt, %jit3A_152, %sign3A_164 : i32
    %sign3A_166 = arith.extui %sign3A_165 : i1 to i32
    %sign3A_167 = arith.subi %sign3A_163, %sign3A_166 : i32
    %ne3A_168 = arith.cmpi ne, %sign3A_160, %sign3A_167 : i32
    %rem3A_169 = arith.remsi %add3A_151, %jit3A_152 : i32
    %ne3A_170 = arith.constant 0 : i32
    %ne3A_171 = arith.cmpi ne, %rem3A_169, %ne3A_170 : i32
    %and3A_172 = arith.andi %ne3A_168, %ne3A_171 : i1
    %sub3A_173 = arith.constant 1 : i32
    %sub3A_174 = arith.subi %div3A_153, %sub3A_173 : i32
    %select_n3A_175 = arith.select %and3A_172, %sub3A_174, %div3A_153 : i32
    %jit3A_176 = arith.constant 32 : i32
    %eq3A_177 = arith.constant 0 : i32
    %eq3A_178 = arith.cmpi eq, %jit3A_176, %eq3A_177 : i32
    %jit3A_179 = arith.constant 1 : i32
    %select_n3A_180 = arith.select %eq3A_178, %jit3A_179, %jit3A_176 : i32
    %rem3A_181 = arith.remsi %add3A_151, %select_n3A_180 : i32
    %ne3A_182 = arith.constant 0 : i32
    %ne3A_183 = arith.cmpi ne, %rem3A_181, %ne3A_182 : i32
    %lt3A_184 = arith.constant 0 : i32
    %lt3A_185 = arith.cmpi slt, %rem3A_181, %lt3A_184 : i32
    %lt3A_186 = arith.constant 0 : i32
    %lt3A_187 = arith.cmpi slt, %select_n3A_180, %lt3A_186 : i32
    %ne3A_188 = arith.xori %lt3A_185, %lt3A_187 : i1
    %and3A_189 = arith.andi %ne3A_188, %ne3A_183 : i1
    %add3A_190 = arith.addi %rem3A_181, %select_n3A_180 : i32
    %select_n3A_191 = arith.select %and3A_189, %add3A_190, %rem3A_181 : i32
    %dma_wait3A_192 = arith.constant 0 : i32
    %dma_wait3A_193 = arith.constant 0 : i32
    %dma_wait3A_194 = arith.constant 0 : i32
    %dma_wait3A_195 = tpu.memref_slice %arg11[%dma_wait3A_193, %dma_wait3A_194] : memref<32x128xf32, #tpu.memory_space<vmem>> -> memref<8x128xf32, #tpu.memory_space<vmem>>
    %dma_wait3A_196 = arith.constant 0 : i32
    %dma_wait3A_197 = arith.constant 0 : i32
    %dma_wait3A_198 = tpu.memref_slice %arg4[%select_n3A_175, %dma_wait3A_192, %select_n3A_191, %dma_wait3A_196, %dma_wait3A_197] : memref<200x4x32x8x128xf32, #tpu.memory_space<hbm>> -> memref<1x1x1x8x128xf32, #tpu.memory_space<hbm>>
    %dma_wait3A_199 = tpu.memref_squeeze %dma_wait3A_198 : memref<1x1x1x8x128xf32, #tpu.memory_space<hbm>> -> memref<8x128xf32, #tpu.memory_space<hbm>>
    %dma_wait3A_200 = arith.constant 0 : i32
    %dma_wait3A_201 = arith.constant 0 : i32
    %dma_wait3A_202 = tpu.memref_slice %arg4[%select_n3A_175, %dma_wait3A_192, %select_n3A_191, %dma_wait3A_200, %dma_wait3A_201] : memref<200x4x32x8x128xf32, #tpu.memory_space<hbm>> -> memref<1x1x1x8x128xf32, #tpu.memory_space<hbm>>
    %dma_wait3A_203 = tpu.memref_squeeze %dma_wait3A_202 : memref<1x1x1x8x128xf32, #tpu.memory_space<hbm>> -> memref<8x128xf32, #tpu.memory_space<hbm>>
    %dma_wait3A_204 = arith.constant 0 : i32
    %dma_wait3A_205 = arith.constant 0 : i32
    %dma_wait3A_206 = tpu.memref_slice %arg11[%dma_wait3A_204, %dma_wait3A_205] : memref<32x128xf32, #tpu.memory_space<vmem>> -> memref<8x128xf32, #tpu.memory_space<vmem>>
    tpu.wait_dma2 semaphore(%arg19 : memref<!tpu.dma_semaphore, #tpu.memory_space<semaphore_mem>>) src(%dma_wait3A_206 : memref<8x128xf32, #tpu.memory_space<vmem>>) dst(%dma_wait3A_203 : memref<8x128xf32, #tpu.memory_space<hbm>>)
    %dma_wait3A_207 = arith.constant 1 : i32
    %dma_wait3A_208 = arith.constant 8 : i32
    %dma_wait3A_209 = arith.constant 0 : i32
    %dma_wait3A_210 = tpu.memref_slice %arg11[%dma_wait3A_208, %dma_wait3A_209] : memref<32x128xf32, #tpu.memory_space<vmem>> -> memref<8x128xf32, #tpu.memory_space<vmem>>
    %dma_wait3A_211 = arith.constant 0 : i32
    %dma_wait3A_212 = arith.constant 0 : i32
    %dma_wait3A_213 = tpu.memref_slice %arg4[%select_n3A_175, %dma_wait3A_207, %select_n3A_191, %dma_wait3A_211, %dma_wait3A_212] : memref<200x4x32x8x128xf32, #tpu.memory_space<hbm>> -> memref<1x1x1x8x128xf32, #tpu.memory_space<hbm>>
    %dma_wait3A_214 = tpu.memref_squeeze %dma_wait3A_213 : memref<1x1x1x8x128xf32, #tpu.memory_space<hbm>> -> memref<8x128xf32, #tpu.memory_space<hbm>>
    %dma_wait3A_215 = arith.constant 0 : i32
    %dma_wait3A_216 = arith.constant 0 : i32
    %dma_wait3A_217 = tpu.memref_slice %arg4[%select_n3A_175, %dma_wait3A_207, %select_n3A_191, %dma_wait3A_215, %dma_wait3A_216] : memref<200x4x32x8x128xf32, #tpu.memory_space<hbm>> -> memref<1x1x1x8x128xf32, #tpu.memory_space<hbm>>
    %dma_wait3A_218 = tpu.memref_squeeze %dma_wait3A_217 : memref<1x1x1x8x128xf32, #tpu.memory_space<hbm>> -> memref<8x128xf32, #tpu.memory_space<hbm>>
    %dma_wait3A_219 = arith.constant 8 : i32
    %dma_wait3A_220 = arith.constant 0 : i32
    %dma_wait3A_221 = tpu.memref_slice %arg11[%dma_wait3A_219, %dma_wait3A_220] : memref<32x128xf32, #tpu.memory_space<vmem>> -> memref<8x128xf32, #tpu.memory_space<vmem>>
    tpu.wait_dma2 semaphore(%arg19 : memref<!tpu.dma_semaphore, #tpu.memory_space<semaphore_mem>>) src(%dma_wait3A_221 : memref<8x128xf32, #tpu.memory_space<vmem>>) dst(%dma_wait3A_218 : memref<8x128xf32, #tpu.memory_space<hbm>>)
    %dma_wait3A_222 = arith.constant 2 : i32
    %dma_wait3A_223 = arith.constant 16 : i32
    %dma_wait3A_224 = arith.constant 0 : i32
    %dma_wait3A_225 = tpu.memref_slice %arg11[%dma_wait3A_223, %dma_wait3A_224] : memref<32x128xf32, #tpu.memory_space<vmem>> -> memref<8x128xf32, #tpu.memory_space<vmem>>
    %dma_wait3A_226 = arith.constant 0 : i32
    %dma_wait3A_227 = arith.constant 0 : i32
    %dma_wait3A_228 = tpu.memref_slice %arg4[%select_n3A_175, %dma_wait3A_222, %select_n3A_191, %dma_wait3A_226, %dma_wait3A_227] : memref<200x4x32x8x128xf32, #tpu.memory_space<hbm>> -> memref<1x1x1x8x128xf32, #tpu.memory_space<hbm>>
    %dma_wait3A_229 = tpu.memref_squeeze %dma_wait3A_228 : memref<1x1x1x8x128xf32, #tpu.memory_space<hbm>> -> memref<8x128xf32, #tpu.memory_space<hbm>>
    %dma_wait3A_230 = arith.constant 0 : i32
    %dma_wait3A_231 = arith.constant 0 : i32
    %dma_wait3A_232 = tpu.memref_slice %arg4[%select_n3A_175, %dma_wait3A_222, %select_n3A_191, %dma_wait3A_230, %dma_wait3A_231] : memref<200x4x32x8x128xf32, #tpu.memory_space<hbm>> -> memref<1x1x1x8x128xf32, #tpu.memory_space<hbm>>
    %dma_wait3A_233 = tpu.memref_squeeze %dma_wait3A_232 : memref<1x1x1x8x128xf32, #tpu.memory_space<hbm>> -> memref<8x128xf32, #tpu.memory_space<hbm>>
    %dma_wait3A_234 = arith.constant 16 : i32
    %dma_wait3A_235 = arith.constant 0 : i32
    %dma_wait3A_236 = tpu.memref_slice %arg11[%dma_wait3A_234, %dma_wait3A_235] : memref<32x128xf32, #tpu.memory_space<vmem>> -> memref<8x128xf32, #tpu.memory_space<vmem>>
    tpu.wait_dma2 semaphore(%arg19 : memref<!tpu.dma_semaphore, #tpu.memory_space<semaphore_mem>>) src(%dma_wait3A_236 : memref<8x128xf32, #tpu.memory_space<vmem>>) dst(%dma_wait3A_233 : memref<8x128xf32, #tpu.memory_space<hbm>>)
    %dma_wait3A_237 = arith.constant 3 : i32
    %dma_wait3A_238 = arith.constant 24 : i32
    %dma_wait3A_239 = arith.constant 0 : i32
    %dma_wait3A_240 = tpu.memref_slice %arg11[%dma_wait3A_238, %dma_wait3A_239] : memref<32x128xf32, #tpu.memory_space<vmem>> -> memref<8x128xf32, #tpu.memory_space<vmem>>
    %dma_wait3A_241 = arith.constant 0 : i32
    %dma_wait3A_242 = arith.constant 0 : i32
    %dma_wait3A_243 = tpu.memref_slice %arg4[%select_n3A_175, %dma_wait3A_237, %select_n3A_191, %dma_wait3A_241, %dma_wait3A_242] : memref<200x4x32x8x128xf32, #tpu.memory_space<hbm>> -> memref<1x1x1x8x128xf32, #tpu.memory_space<hbm>>
    %dma_wait3A_244 = tpu.memref_squeeze %dma_wait3A_243 : memref<1x1x1x8x128xf32, #tpu.memory_space<hbm>> -> memref<8x128xf32, #tpu.memory_space<hbm>>
    %dma_wait3A_245 = arith.constant 0 : i32
    %dma_wait3A_246 = arith.constant 0 : i32
    %dma_wait3A_247 = tpu.memref_slice %arg4[%select_n3A_175, %dma_wait3A_237, %select_n3A_191, %dma_wait3A_245, %dma_wait3A_246] : memref<200x4x32x8x128xf32, #tpu.memory_space<hbm>> -> memref<1x1x1x8x128xf32, #tpu.memory_space<hbm>>
    %dma_wait3A_248 = tpu.memref_squeeze %dma_wait3A_247 : memref<1x1x1x8x128xf32, #tpu.memory_space<hbm>> -> memref<8x128xf32, #tpu.memory_space<hbm>>
    %dma_wait3A_249 = arith.constant 24 : i32
    %dma_wait3A_250 = arith.constant 0 : i32
    %dma_wait3A_251 = tpu.memref_slice %arg11[%dma_wait3A_249, %dma_wait3A_250] : memref<32x128xf32, #tpu.memory_space<vmem>> -> memref<8x128xf32, #tpu.memory_space<vmem>>
    tpu.wait_dma2 semaphore(%arg19 : memref<!tpu.dma_semaphore, #tpu.memory_space<semaphore_mem>>) src(%dma_wait3A_251 : memref<8x128xf32, #tpu.memory_space<vmem>>) dst(%dma_wait3A_248 : memref<8x128xf32, #tpu.memory_space<hbm>>)
    %add3A_252 = arith.constant 198 : i32
    %add3A_253 = arith.addi %mul3A_2, %add3A_252 : i32
    %jit3A_254 = arith.constant 32 : i32
    %div3A_255 = arith.divsi %add3A_253, %jit3A_254 : i32
    %sign3A_256 = arith.constant 0 : i32
    %sign3A_257 = arith.cmpi sgt, %add3A_253, %sign3A_256 : i32
    %sign3A_258 = arith.extui %sign3A_257 : i1 to i32
    %sign3A_259 = arith.constant 0 : i32
    %sign3A_260 = arith.cmpi slt, %add3A_253, %sign3A_259 : i32
    %sign3A_261 = arith.extui %sign3A_260 : i1 to i32
    %sign3A_262 = arith.subi %sign3A_258, %sign3A_261 : i32
    %sign3A_263 = arith.constant 0 : i32
    %sign3A_264 = arith.cmpi sgt, %jit3A_254, %sign3A_263 : i32
    %sign3A_265 = arith.extui %sign3A_264 : i1 to i32
    %sign3A_266 = arith.constant 0 : i32
    %sign3A_267 = arith.cmpi slt, %jit3A_254, %sign3A_266 : i32
    %sign3A_268 = arith.extui %sign3A_267 : i1 to i32
    %sign3A_269 = arith.subi %sign3A_265, %sign3A_268 : i32
    %ne3A_270 = arith.cmpi ne, %sign3A_262, %sign3A_269 : i32
    %rem3A_271 = arith.remsi %add3A_253, %jit3A_254 : i32
    %ne3A_272 = arith.constant 0 : i32
    %ne3A_273 = arith.cmpi ne, %rem3A_271, %ne3A_272 : i32
    %and3A_274 = arith.andi %ne3A_270, %ne3A_273 : i1
    %sub3A_275 = arith.constant 1 : i32
    %sub3A_276 = arith.subi %div3A_255, %sub3A_275 : i32
    %select_n3A_277 = arith.select %and3A_274, %sub3A_276, %div3A_255 : i32
    %jit3A_278 = arith.constant 32 : i32
    %eq3A_279 = arith.constant 0 : i32
    %eq3A_280 = arith.cmpi eq, %jit3A_278, %eq3A_279 : i32
    %jit3A_281 = arith.constant 1 : i32
    %select_n3A_282 = arith.select %eq3A_280, %jit3A_281, %jit3A_278 : i32
    %rem3A_283 = arith.remsi %add3A_253, %select_n3A_282 : i32
    %ne3A_284 = arith.constant 0 : i32
    %ne3A_285 = arith.cmpi ne, %rem3A_283, %ne3A_284 : i32
    %lt3A_286 = arith.constant 0 : i32
    %lt3A_287 = arith.cmpi slt, %rem3A_283, %lt3A_286 : i32
    %lt3A_288 = arith.constant 0 : i32
    %lt3A_289 = arith.cmpi slt, %select_n3A_282, %lt3A_288 : i32
    %ne3A_290 = arith.xori %lt3A_287, %lt3A_289 : i1
    %and3A_291 = arith.andi %ne3A_290, %ne3A_285 : i1
    %add3A_292 = arith.addi %rem3A_283, %select_n3A_282 : i32
    %select_n3A_293 = arith.select %and3A_291, %add3A_292, %rem3A_283 : i32
    %dma_wait3A_294 = arith.constant 0 : i32
    %dma_wait3A_295 = arith.constant 0 : i32
    %dma_wait3A_296 = arith.constant 0 : i32
    %dma_wait3A_297 = tpu.memref_slice %arg12[%dma_wait3A_295, %dma_wait3A_296] : memref<32x128xf32, #tpu.memory_space<vmem>> -> memref<8x128xf32, #tpu.memory_space<vmem>>
    %dma_wait3A_298 = arith.constant 0 : i32
    %dma_wait3A_299 = arith.constant 0 : i32
    %dma_wait3A_300 = tpu.memref_slice %arg4[%select_n3A_277, %dma_wait3A_294, %select_n3A_293, %dma_wait3A_298, %dma_wait3A_299] : memref<200x4x32x8x128xf32, #tpu.memory_space<hbm>> -> memref<1x1x1x8x128xf32, #tpu.memory_space<hbm>>
    %dma_wait3A_301 = tpu.memref_squeeze %dma_wait3A_300 : memref<1x1x1x8x128xf32, #tpu.memory_space<hbm>> -> memref<8x128xf32, #tpu.memory_space<hbm>>
    %dma_wait3A_302 = arith.constant 0 : i32
    %dma_wait3A_303 = arith.constant 0 : i32
    %dma_wait3A_304 = tpu.memref_slice %arg4[%select_n3A_277, %dma_wait3A_294, %select_n3A_293, %dma_wait3A_302, %dma_wait3A_303] : memref<200x4x32x8x128xf32, #tpu.memory_space<hbm>> -> memref<1x1x1x8x128xf32, #tpu.memory_space<hbm>>
    %dma_wait3A_305 = tpu.memref_squeeze %dma_wait3A_304 : memref<1x1x1x8x128xf32, #tpu.memory_space<hbm>> -> memref<8x128xf32, #tpu.memory_space<hbm>>
    %dma_wait3A_306 = arith.constant 0 : i32
    %dma_wait3A_307 = arith.constant 0 : i32
    %dma_wait3A_308 = tpu.memref_slice %arg12[%dma_wait3A_306, %dma_wait3A_307] : memref<32x128xf32, #tpu.memory_space<vmem>> -> memref<8x128xf32, #tpu.memory_space<vmem>>
    tpu.wait_dma2 semaphore(%arg20 : memref<!tpu.dma_semaphore, #tpu.memory_space<semaphore_mem>>) src(%dma_wait3A_308 : memref<8x128xf32, #tpu.memory_space<vmem>>) dst(%dma_wait3A_305 : memref<8x128xf32, #tpu.memory_space<hbm>>)
    %dma_wait3A_309 = arith.constant 1 : i32
    %dma_wait3A_310 = arith.constant 8 : i32
    %dma_wait3A_311 = arith.constant 0 : i32
    %dma_wait3A_312 = tpu.memref_slice %arg12[%dma_wait3A_310, %dma_wait3A_311] : memref<32x128xf32, #tpu.memory_space<vmem>> -> memref<8x128xf32, #tpu.memory_space<vmem>>
    %dma_wait3A_313 = arith.constant 0 : i32
    %dma_wait3A_314 = arith.constant 0 : i32
    %dma_wait3A_315 = tpu.memref_slice %arg4[%select_n3A_277, %dma_wait3A_309, %select_n3A_293, %dma_wait3A_313, %dma_wait3A_314] : memref<200x4x32x8x128xf32, #tpu.memory_space<hbm>> -> memref<1x1x1x8x128xf32, #tpu.memory_space<hbm>>
    %dma_wait3A_316 = tpu.memref_squeeze %dma_wait3A_315 : memref<1x1x1x8x128xf32, #tpu.memory_space<hbm>> -> memref<8x128xf32, #tpu.memory_space<hbm>>
    %dma_wait3A_317 = arith.constant 0 : i32
    %dma_wait3A_318 = arith.constant 0 : i32
    %dma_wait3A_319 = tpu.memref_slice %arg4[%select_n3A_277, %dma_wait3A_309, %select_n3A_293, %dma_wait3A_317, %dma_wait3A_318] : memref<200x4x32x8x128xf32, #tpu.memory_space<hbm>> -> memref<1x1x1x8x128xf32, #tpu.memory_space<hbm>>
    %dma_wait3A_320 = tpu.memref_squeeze %dma_wait3A_319 : memref<1x1x1x8x128xf32, #tpu.memory_space<hbm>> -> memref<8x128xf32, #tpu.memory_space<hbm>>
    %dma_wait3A_321 = arith.constant 8 : i32
    %dma_wait3A_322 = arith.constant 0 : i32
    %dma_wait3A_323 = tpu.memref_slice %arg12[%dma_wait3A_321, %dma_wait3A_322] : memref<32x128xf32, #tpu.memory_space<vmem>> -> memref<8x128xf32, #tpu.memory_space<vmem>>
    tpu.wait_dma2 semaphore(%arg20 : memref<!tpu.dma_semaphore, #tpu.memory_space<semaphore_mem>>) src(%dma_wait3A_323 : memref<8x128xf32, #tpu.memory_space<vmem>>) dst(%dma_wait3A_320 : memref<8x128xf32, #tpu.memory_space<hbm>>)
    %dma_wait3A_324 = arith.constant 2 : i32
    %dma_wait3A_325 = arith.constant 16 : i32
    %dma_wait3A_326 = arith.constant 0 : i32
    %dma_wait3A_327 = tpu.memref_slice %arg12[%dma_wait3A_325, %dma_wait3A_326] : memref<32x128xf32, #tpu.memory_space<vmem>> -> memref<8x128xf32, #tpu.memory_space<vmem>>
    %dma_wait3A_328 = arith.constant 0 : i32
    %dma_wait3A_329 = arith.constant 0 : i32
    %dma_wait3A_330 = tpu.memref_slice %arg4[%select_n3A_277, %dma_wait3A_324, %select_n3A_293, %dma_wait3A_328, %dma_wait3A_329] : memref<200x4x32x8x128xf32, #tpu.memory_space<hbm>> -> memref<1x1x1x8x128xf32, #tpu.memory_space<hbm>>
    %dma_wait3A_331 = tpu.memref_squeeze %dma_wait3A_330 : memref<1x1x1x8x128xf32, #tpu.memory_space<hbm>> -> memref<8x128xf32, #tpu.memory_space<hbm>>
    %dma_wait3A_332 = arith.constant 0 : i32
    %dma_wait3A_333 = arith.constant 0 : i32
    %dma_wait3A_334 = tpu.memref_slice %arg4[%select_n3A_277, %dma_wait3A_324, %select_n3A_293, %dma_wait3A_332, %dma_wait3A_333] : memref<200x4x32x8x128xf32, #tpu.memory_space<hbm>> -> memref<1x1x1x8x128xf32, #tpu.memory_space<hbm>>
    %dma_wait3A_335 = tpu.memref_squeeze %dma_wait3A_334 : memref<1x1x1x8x128xf32, #tpu.memory_space<hbm>> -> memref<8x128xf32, #tpu.memory_space<hbm>>
    %dma_wait3A_336 = arith.constant 16 : i32
    %dma_wait3A_337 = arith.constant 0 : i32
    %dma_wait3A_338 = tpu.memref_slice %arg12[%dma_wait3A_336, %dma_wait3A_337] : memref<32x128xf32, #tpu.memory_space<vmem>> -> memref<8x128xf32, #tpu.memory_space<vmem>>
    tpu.wait_dma2 semaphore(%arg20 : memref<!tpu.dma_semaphore, #tpu.memory_space<semaphore_mem>>) src(%dma_wait3A_338 : memref<8x128xf32, #tpu.memory_space<vmem>>) dst(%dma_wait3A_335 : memref<8x128xf32, #tpu.memory_space<hbm>>)
    %dma_wait3A_339 = arith.constant 3 : i32
    %dma_wait3A_340 = arith.constant 24 : i32
    %dma_wait3A_341 = arith.constant 0 : i32
    %dma_wait3A_342 = tpu.memref_slice %arg12[%dma_wait3A_340, %dma_wait3A_341] : memref<32x128xf32, #tpu.memory_space<vmem>> -> memref<8x128xf32, #tpu.memory_space<vmem>>
    %dma_wait3A_343 = arith.constant 0 : i32
    %dma_wait3A_344 = arith.constant 0 : i32
    %dma_wait3A_345 = tpu.memref_slice %arg4[%select_n3A_277, %dma_wait3A_339, %select_n3A_293, %dma_wait3A_343, %dma_wait3A_344] : memref<200x4x32x8x128xf32, #tpu.memory_space<hbm>> -> memref<1x1x1x8x128xf32, #tpu.memory_space<hbm>>
    %dma_wait3A_346 = tpu.memref_squeeze %dma_wait3A_345 : memref<1x1x1x8x128xf32, #tpu.memory_space<hbm>> -> memref<8x128xf32, #tpu.memory_space<hbm>>
    %dma_wait3A_347 = arith.constant 0 : i32
    %dma_wait3A_348 = arith.constant 0 : i32
    %dma_wait3A_349 = tpu.memref_slice %arg4[%select_n3A_277, %dma_wait3A_339, %select_n3A_293, %dma_wait3A_347, %dma_wait3A_348] : memref<200x4x32x8x128xf32, #tpu.memory_space<hbm>> -> memref<1x1x1x8x128xf32, #tpu.memory_space<hbm>>
    %dma_wait3A_350 = tpu.memref_squeeze %dma_wait3A_349 : memref<1x1x1x8x128xf32, #tpu.memory_space<hbm>> -> memref<8x128xf32, #tpu.memory_space<hbm>>
    %dma_wait3A_351 = arith.constant 24 : i32
    %dma_wait3A_352 = arith.constant 0 : i32
    %dma_wait3A_353 = tpu.memref_slice %arg12[%dma_wait3A_351, %dma_wait3A_352] : memref<32x128xf32, #tpu.memory_space<vmem>> -> memref<8x128xf32, #tpu.memory_space<vmem>>
    tpu.wait_dma2 semaphore(%arg20 : memref<!tpu.dma_semaphore, #tpu.memory_space<semaphore_mem>>) src(%dma_wait3A_353 : memref<8x128xf32, #tpu.memory_space<vmem>>) dst(%dma_wait3A_350 : memref<8x128xf32, #tpu.memory_space<hbm>>)
    %add3A_354 = arith.constant 199 : i32
    %add3A_355 = arith.addi %mul3A_2, %add3A_354 : i32
    %jit3A_356 = arith.constant 32 : i32
    %div3A_357 = arith.divsi %add3A_355, %jit3A_356 : i32
    %sign3A_358 = arith.constant 0 : i32
    %sign3A_359 = arith.cmpi sgt, %add3A_355, %sign3A_358 : i32
    %sign3A_360 = arith.extui %sign3A_359 : i1 to i32
    %sign3A_361 = arith.constant 0 : i32
    %sign3A_362 = arith.cmpi slt, %add3A_355, %sign3A_361 : i32
    %sign3A_363 = arith.extui %sign3A_362 : i1 to i32
    %sign3A_364 = arith.subi %sign3A_360, %sign3A_363 : i32
    %sign3A_365 = arith.constant 0 : i32
    %sign3A_366 = arith.cmpi sgt, %jit3A_356, %sign3A_365 : i32
    %sign3A_367 = arith.extui %sign3A_366 : i1 to i32
    %sign3A_368 = arith.constant 0 : i32
    %sign3A_369 = arith.cmpi slt, %jit3A_356, %sign3A_368 : i32
    %sign3A_370 = arith.extui %sign3A_369 : i1 to i32
    %sign3A_371 = arith.subi %sign3A_367, %sign3A_370 : i32
    %ne3A_372 = arith.cmpi ne, %sign3A_364, %sign3A_371 : i32
    %rem3A_373 = arith.remsi %add3A_355, %jit3A_356 : i32
    %ne3A_374 = arith.constant 0 : i32
    %ne3A_375 = arith.cmpi ne, %rem3A_373, %ne3A_374 : i32
    %and3A_376 = arith.andi %ne3A_372, %ne3A_375 : i1
    %sub3A_377 = arith.constant 1 : i32
    %sub3A_378 = arith.subi %div3A_357, %sub3A_377 : i32
    %select_n3A_379 = arith.select %and3A_376, %sub3A_378, %div3A_357 : i32
    %jit3A_380 = arith.constant 32 : i32
    %eq3A_381 = arith.constant 0 : i32
    %eq3A_382 = arith.cmpi eq, %jit3A_380, %eq3A_381 : i32
    %jit3A_383 = arith.constant 1 : i32
    %select_n3A_384 = arith.select %eq3A_382, %jit3A_383, %jit3A_380 : i32
    %rem3A_385 = arith.remsi %add3A_355, %select_n3A_384 : i32
    %ne3A_386 = arith.constant 0 : i32
    %ne3A_387 = arith.cmpi ne, %rem3A_385, %ne3A_386 : i32
    %lt3A_388 = arith.constant 0 : i32
    %lt3A_389 = arith.cmpi slt, %rem3A_385, %lt3A_388 : i32
    %lt3A_390 = arith.constant 0 : i32
    %lt3A_391 = arith.cmpi slt, %select_n3A_384, %lt3A_390 : i32
    %ne3A_392 = arith.xori %lt3A_389, %lt3A_391 : i1
    %and3A_393 = arith.andi %ne3A_392, %ne3A_387 : i1
    %add3A_394 = arith.addi %rem3A_385, %select_n3A_384 : i32
    %select_n3A_395 = arith.select %and3A_393, %add3A_394, %rem3A_385 : i32
    %dma_wait3A_396 = arith.constant 0 : i32
    %dma_wait3A_397 = arith.constant 0 : i32
    %dma_wait3A_398 = arith.constant 0 : i32
    %dma_wait3A_399 = tpu.memref_slice %arg13[%dma_wait3A_397, %dma_wait3A_398] : memref<32x128xf32, #tpu.memory_space<vmem>> -> memref<8x128xf32, #tpu.memory_space<vmem>>
    %dma_wait3A_400 = arith.constant 0 : i32
    %dma_wait3A_401 = arith.constant 0 : i32
    %dma_wait3A_402 = tpu.memref_slice %arg4[%select_n3A_379, %dma_wait3A_396, %select_n3A_395, %dma_wait3A_400, %dma_wait3A_401] : memref<200x4x32x8x128xf32, #tpu.memory_space<hbm>> -> memref<1x1x1x8x128xf32, #tpu.memory_space<hbm>>
    %dma_wait3A_403 = tpu.memref_squeeze %dma_wait3A_402 : memref<1x1x1x8x128xf32, #tpu.memory_space<hbm>> -> memref<8x128xf32, #tpu.memory_space<hbm>>
    %dma_wait3A_404 = arith.constant 0 : i32
    %dma_wait3A_405 = arith.constant 0 : i32
    %dma_wait3A_406 = tpu.memref_slice %arg4[%select_n3A_379, %dma_wait3A_396, %select_n3A_395, %dma_wait3A_404, %dma_wait3A_405] : memref<200x4x32x8x128xf32, #tpu.memory_space<hbm>> -> memref<1x1x1x8x128xf32, #tpu.memory_space<hbm>>
    %dma_wait3A_407 = tpu.memref_squeeze %dma_wait3A_406 : memref<1x1x1x8x128xf32, #tpu.memory_space<hbm>> -> memref<8x128xf32, #tpu.memory_space<hbm>>
    %dma_wait3A_408 = arith.constant 0 : i32
    %dma_wait3A_409 = arith.constant 0 : i32
    %dma_wait3A_410 = tpu.memref_slice %arg13[%dma_wait3A_408, %dma_wait3A_409] : memref<32x128xf32, #tpu.memory_space<vmem>> -> memref<8x128xf32, #tpu.memory_space<vmem>>
    tpu.wait_dma2 semaphore(%arg21 : memref<!tpu.dma_semaphore, #tpu.memory_space<semaphore_mem>>) src(%dma_wait3A_410 : memref<8x128xf32, #tpu.memory_space<vmem>>) dst(%dma_wait3A_407 : memref<8x128xf32, #tpu.memory_space<hbm>>)
    %dma_wait3A_411 = arith.constant 1 : i32
    %dma_wait3A_412 = arith.constant 8 : i32
    %dma_wait3A_413 = arith.constant 0 : i32
    %dma_wait3A_414 = tpu.memref_slice %arg13[%dma_wait3A_412, %dma_wait3A_413] : memref<32x128xf32, #tpu.memory_space<vmem>> -> memref<8x128xf32, #tpu.memory_space<vmem>>
    %dma_wait3A_415 = arith.constant 0 : i32
    %dma_wait3A_416 = arith.constant 0 : i32
    %dma_wait3A_417 = tpu.memref_slice %arg4[%select_n3A_379, %dma_wait3A_411, %select_n3A_395, %dma_wait3A_415, %dma_wait3A_416] : memref<200x4x32x8x128xf32, #tpu.memory_space<hbm>> -> memref<1x1x1x8x128xf32, #tpu.memory_space<hbm>>
    %dma_wait3A_418 = tpu.memref_squeeze %dma_wait3A_417 : memref<1x1x1x8x128xf32, #tpu.memory_space<hbm>> -> memref<8x128xf32, #tpu.memory_space<hbm>>
    %dma_wait3A_419 = arith.constant 0 : i32
    %dma_wait3A_420 = arith.constant 0 : i32
    %dma_wait3A_421 = tpu.memref_slice %arg4[%select_n3A_379, %dma_wait3A_411, %select_n3A_395, %dma_wait3A_419, %dma_wait3A_420] : memref<200x4x32x8x128xf32, #tpu.memory_space<hbm>> -> memref<1x1x1x8x128xf32, #tpu.memory_space<hbm>>
    %dma_wait3A_422 = tpu.memref_squeeze %dma_wait3A_421 : memref<1x1x1x8x128xf32, #tpu.memory_space<hbm>> -> memref<8x128xf32, #tpu.memory_space<hbm>>
    %dma_wait3A_423 = arith.constant 8 : i32
    %dma_wait3A_424 = arith.constant 0 : i32
    %dma_wait3A_425 = tpu.memref_slice %arg13[%dma_wait3A_423, %dma_wait3A_424] : memref<32x128xf32, #tpu.memory_space<vmem>> -> memref<8x128xf32, #tpu.memory_space<vmem>>
    tpu.wait_dma2 semaphore(%arg21 : memref<!tpu.dma_semaphore, #tpu.memory_space<semaphore_mem>>) src(%dma_wait3A_425 : memref<8x128xf32, #tpu.memory_space<vmem>>) dst(%dma_wait3A_422 : memref<8x128xf32, #tpu.memory_space<hbm>>)
    %dma_wait3A_426 = arith.constant 2 : i32
    %dma_wait3A_427 = arith.constant 16 : i32
    %dma_wait3A_428 = arith.constant 0 : i32
    %dma_wait3A_429 = tpu.memref_slice %arg13[%dma_wait3A_427, %dma_wait3A_428] : memref<32x128xf32, #tpu.memory_space<vmem>> -> memref<8x128xf32, #tpu.memory_space<vmem>>
    %dma_wait3A_430 = arith.constant 0 : i32
    %dma_wait3A_431 = arith.constant 0 : i32
    %dma_wait3A_432 = tpu.memref_slice %arg4[%select_n3A_379, %dma_wait3A_426, %select_n3A_395, %dma_wait3A_430, %dma_wait3A_431] : memref<200x4x32x8x128xf32, #tpu.memory_space<hbm>> -> memref<1x1x1x8x128xf32, #tpu.memory_space<hbm>>
    %dma_wait3A_433 = tpu.memref_squeeze %dma_wait3A_432 : memref<1x1x1x8x128xf32, #tpu.memory_space<hbm>> -> memref<8x128xf32, #tpu.memory_space<hbm>>
    %dma_wait3A_434 = arith.constant 0 : i32
    %dma_wait3A_435 = arith.constant 0 : i32
    %dma_wait3A_436 = tpu.memref_slice %arg4[%select_n3A_379, %dma_wait3A_426, %select_n3A_395, %dma_wait3A_434, %dma_wait3A_435] : memref<200x4x32x8x128xf32, #tpu.memory_space<hbm>> -> memref<1x1x1x8x128xf32, #tpu.memory_space<hbm>>
    %dma_wait3A_437 = tpu.memref_squeeze %dma_wait3A_436 : memref<1x1x1x8x128xf32, #tpu.memory_space<hbm>> -> memref<8x128xf32, #tpu.memory_space<hbm>>
    %dma_wait3A_438 = arith.constant 16 : i32
    %dma_wait3A_439 = arith.constant 0 : i32
    %dma_wait3A_440 = tpu.memref_slice %arg13[%dma_wait3A_438, %dma_wait3A_439] : memref<32x128xf32, #tpu.memory_space<vmem>> -> memref<8x128xf32, #tpu.memory_space<vmem>>
    tpu.wait_dma2 semaphore(%arg21 : memref<!tpu.dma_semaphore, #tpu.memory_space<semaphore_mem>>) src(%dma_wait3A_440 : memref<8x128xf32, #tpu.memory_space<vmem>>) dst(%dma_wait3A_437 : memref<8x128xf32, #tpu.memory_space<hbm>>)
    %dma_wait3A_441 = arith.constant 3 : i32
    %dma_wait3A_442 = arith.constant 24 : i32
    %dma_wait3A_443 = arith.constant 0 : i32
    %dma_wait3A_444 = tpu.memref_slice %arg13[%dma_wait3A_442, %dma_wait3A_443] : memref<32x128xf32, #tpu.memory_space<vmem>> -> memref<8x128xf32, #tpu.memory_space<vmem>>
    %dma_wait3A_445 = arith.constant 0 : i32
    %dma_wait3A_446 = arith.constant 0 : i32
    %dma_wait3A_447 = tpu.memref_slice %arg4[%select_n3A_379, %dma_wait3A_441, %select_n3A_395, %dma_wait3A_445, %dma_wait3A_446] : memref<200x4x32x8x128xf32, #tpu.memory_space<hbm>> -> memref<1x1x1x8x128xf32, #tpu.memory_space<hbm>>
    %dma_wait3A_448 = tpu.memref_squeeze %dma_wait3A_447 : memref<1x1x1x8x128xf32, #tpu.memory_space<hbm>> -> memref<8x128xf32, #tpu.memory_space<hbm>>
    %dma_wait3A_449 = arith.constant 0 : i32
    %dma_wait3A_450 = arith.constant 0 : i32
    %dma_wait3A_451 = tpu.memref_slice %arg4[%select_n3A_379, %dma_wait3A_441, %select_n3A_395, %dma_wait3A_449, %dma_wait3A_450] : memref<200x4x32x8x128xf32, #tpu.memory_space<hbm>> -> memref<1x1x1x8x128xf32, #tpu.memory_space<hbm>>
    %dma_wait3A_452 = tpu.memref_squeeze %dma_wait3A_451 : memref<1x1x1x8x128xf32, #tpu.memory_space<hbm>> -> memref<8x128xf32, #tpu.memory_space<hbm>>
    %dma_wait3A_453 = arith.constant 24 : i32
    %dma_wait3A_454 = arith.constant 0 : i32
    %dma_wait3A_455 = tpu.memref_slice %arg13[%dma_wait3A_453, %dma_wait3A_454] : memref<32x128xf32, #tpu.memory_space<vmem>> -> memref<8x128xf32, #tpu.memory_space<vmem>>
    tpu.wait_dma2 semaphore(%arg21 : memref<!tpu.dma_semaphore, #tpu.memory_space<semaphore_mem>>) src(%dma_wait3A_455 : memref<8x128xf32, #tpu.memory_space<vmem>>) dst(%dma_wait3A_452 : memref<8x128xf32, #tpu.memory_space<hbm>>)
    return
  }
}

</mosaic_0001>

<sc_bundles>
// kernel: kernel.3.cloned.1.call-start
scs
__scs_entry_jumppad:
0x0: {  	(pc) =	sbr.rel $0x88, $3  }
0x1: {  	(tag) =	ssettag $0x0;
	lr =	simm.s32 $0x1  }
0x2: {  	[smem:$0x3F9F] =	sst lr;
	_ =	strace $0xD0000000  }
0x3: {  	_ = 	snop  }
0x4: {  	_ = 	snop  }
0x5: {  	_ = 	snop  }
0x6: {  	_ = 	snop  }
0x7: {  	_ = 	snop  }
__scs_overlays_trampoline_lowered:
0x8: {  	[smem:$0x3FAE] =	sst s0  }
0x9: {  	[smem:$0x3FAF] =	sst s1  }
0xa: {  	[smem:$0x3FB0] =	sst s2  }
0xb: {  	[smem:$0x3FB1] =	sst s3  }
0xc: {  	[smem:$0x3FB2] =	sst s4  }
0xd: {  	[smem:$0x3FB3] =	sst s5  }
0xe: {  	[smem:$0x3FB4] =	sst s6  }
0xf: {  	[smem:$0x3FB5] =	sst s7  }
0x10: {  	[smem:$0x3FB6] =	sst s8  }
0x11: {  	[smem:$0x3FB7] =	sst s9;
	s0 =	simm.s32 @!p0 $0x0  }
0x12: {  	s1 =	sld [smem:$0x3F9D];
	s0 =	simm.s32 @p0 $0x1  }
0x13: {  	[smem:$0x3FB8] =	sst s0;
	s0 =	simm.s32 @!p1 $0x0  }
0x14: {  	s2 =	sld [smem:$0x3F9C];
	s0 =	simm.s32 @p1 $0x1  }
0x15: {  	[smem:$0x3FB9] =	sst s0;
	s0 =	simm.s32 @!p2 $0x0  }
0x16: {  	s3 =	sld [smem:$0x3FDB];
	s0 =	simm.s32 @p2 $0x1  }
0x17: {  	s4 =	simm.s32 $0x1BF5;
	[smem:$0x3FBB] =	sst s0  }
0x18: {  	s0 =	sld [smem:$0x3F9E];
	_ =	swait.ge [sflag:s4], $0x0  }
0x19: {  	s7 =	sld [smem:$0x3F9F]  }
0x1a: {  	s8 =	sadd.s32 $0xFFFFE003, lr  }
0x1b: {  	s9 =	sadd.s32 $0xFFFFFEF7, lr;
	s5 =	simm.s32 $0xFFFFFFFF;
	p2 =	slt.u32 s8, $0xFFFFF086  }
0x1c: {  	p1 =	slt.u32 s9, $0xF7A;
	s5 =	simm.s32 @!p2 $0x0  }
0x1d: {  	s5 =	simm.s32 @p1 $0x1;
	p0 =	seq.s32 s7, s2  }
0x1e: {  	s7 =	smul.u32 @!p0 $0xF7A, s2;
	p2 =	seq.s32 @!p0 s5, $0x0  }
0x1f: {  	s9 =	smul.u32 $0xF7A, s1;
	s8 =	simm.s32 @!p0 $0x1BF5;
	p2 =	por !p2, p0  }
0x20: {  	[sflag:s8] =	ssyncset.s32 @!p0 $0xFFFFF086;
	s6 =	sadd.s32 @!p0 s3, s7;
	s7 =	simm.s32 @!p0 $0x108  }
0x21: {  	s3 =	sadd.s32 s3, s9;
	s6 =	sadd.s32 @!p0 $0x88, s6;
	s7 =	simm.s32 @p2 $0x1082  }
0x22: {  	[simem:s7], [sflag:s8] =	dma.local @!p0 [hbm:s6], $0xF7A  }
0x23: {  	s9 =	sor.u32 $0xD0000000, s2;
	s6 =	simm.s32 $0x108;
	_ =	swait.ge @!p0 [sflag:s8], $0x0  }
0x24: {  	s3 =	sadd.s32 $0x88, s3;
	s6 =	simm.s32 @!p1 $0x1082;
	[sflag:s4] =	ssyncset.s32 $0xFFFFF086  }
0x25: {  	[simem:s6], [sflag:s4] =	dma.local [hbm:s3], $0xF7A  }
0x26: {  	[smem:$0x3F9F] =	sst s1;
	(tag) =	ssettag s2;
	_ =	strace s9  }
0x27: {  	s1 =	sld [smem:$0x3FAF]  }
0x28: {  	s2 =	sld [smem:$0x3FB0]  }
0x29: {  	s4 =	sld [smem:$0x3FB2]  }
0x2a: {  	p0 =	seq.s32 s5, $0x0;
	s5 =	sld [smem:$0x3FB3]  }
0x2b: {  	s6 =	sld [smem:$0x3FB4]  }
0x2c: {  	s7 =	sld [smem:$0x3FB5]  }
0x2d: {  	s3 =	simm.s32 $0x108;
	s8 =	sld [smem:$0x3FB6]  }
0x2e: {  	s3 =	simm.s32 @!p0 $0x1082;
	s9 =	sld [smem:$0x3FB7]  }
0x2f: {  	lr =	sadd.s32 s0, s3;
	s0 =	sld [smem:$0x3FAE]  }
0x30: {  	s3 =	sld [smem:$0x3FB1]  }
0x31: {  	[smem:$0x3FBA] =	sst s10  }
0x32: {  	s10 =	sld [smem:$0x3FB8];
	_ =	sdelay $0x3  }
0x33: {  	p0 =	seq.s32 s10, $0x1;
	s10 =	sld [smem:$0x3FBA];
	_ =	sdelay $0x3  }
0x34: {  	[smem:$0x3FBA] =	sst s10  }
0x35: {  	s10 =	sld [smem:$0x3FB9];
	_ =	sdelay $0x3  }
0x36: {  	p1 =	seq.s32 s10, $0x1;
	s10 =	sld [smem:$0x3FBA];
	_ =	sdelay $0x3  }
0x37: {  	[smem:$0x3FBA] =	sst s10  }
0x38: {  	s10 =	sld [smem:$0x3FBB]  }
0x39: {  	_ = 	snop;
	(pc) =	sbr.ind lr, $3  }
0x3a: {  	_ = 	snop  }
0x3b: {  	_ = 	snop  }
0x3c: {  	p2 =	seq.s32 s10, $0x1;
	s10 =	sld [smem:$0x3FBA]  }
0x3d: {  	_ =	shalt  }
0x3e: {  	_ =	shalt  }
0x3f: {  	_ =	shalt  }
0x40: {  	_ =	shalt  }
0x41: {  	_ =	shalt  }
0x42: {  	_ =	shalt  }
0x43: {  	_ =	shalt  }
0x44: {  	_ =	shalt  }
0x45: {  	_ =	shalt  }
0x46: {  	_ =	shalt  }
0x47: {  	_ =	shalt  }
0x48: {  	_ =	shalt  }
0x49: {  	_ =	shalt  }
0x4a: {  	_ =	shalt  }
0x4b: {  	_ =	shalt  }
0x4c: {  	_ =	shalt  }
0x4d: {  	_ =	shalt  }
0x4e: {  	_ =	shalt  }
0x4f: {  	_ =	shalt  }
0x50: {  	_ =	shalt  }
0x51: {  	_ =	shalt  }
0x52: {  	_ =	shalt  }
0x53: {  	_ =	shalt  }
0x54: {  	_ =	shalt  }
0x55: {  	_ =	shalt  }
0x56: {  	_ =	shalt  }
0x57: {  	_ =	shalt  }
0x58: {  	_ =	shalt  }
0x59: {  	_ =	shalt  }
0x5a: {  	_ =	shalt  }
0x5b: {  	_ =	shalt  }
0x5c: {  	_ =	shalt  }
0x5d: {  	_ =	shalt  }
0x5e: {  	_ =	shalt  }
0x5f: {  	_ =	shalt  }
0x60: {  	_ =	shalt  }
0x61: {  	_ =	shalt  }
0x62: {  	_ =	shalt  }
0x63: {  	_ =	shalt  }
0x64: {  	_ =	shalt  }
0x65: {  	_ =	shalt  }
0x66: {  	_ =	shalt  }
0x67: {  	_ =	shalt  }
0x68: {  	_ =	shalt  }
0x69: {  	_ =	shalt  }
0x6a: {  	_ =	shalt  }
0x6b: {  	_ =	shalt  }
0x6c: {  	_ =	shalt  }
0x6d: {  	_ =	shalt  }
0x6e: {  	_ =	shalt  }
0x6f: {  	_ =	shalt  }
0x70: {  	_ =	shalt  }
0x71: {  	_ =	shalt  }
0x72: {  	_ =	shalt  }
0x73: {  	_ =	shalt  }
0x74: {  	_ =	shalt  }
0x75: {  	_ =	shalt  }
0x76: {  	_ =	shalt  }
0x77: {  	_ =	shalt  }
0x78: {  	_ =	shalt  }
0x79: {  	_ =	shalt  }
0x7a: {  	_ =	shalt  }
0x7b: {  	_ =	shalt  }
0x7c: {  	_ =	shalt  }
0x7d: {  	_ =	shalt  }
0x7e: {  	_ =	shalt  }
0x7f: {  	_ =	shalt  }
0x80: {  	_ =	shalt  }
0x81: {  	_ =	shalt  }
0x82: {  	_ =	shalt  }
0x83: {  	_ =	shalt  }
0x84: {  	_ =	shalt  }
0x85: {  	_ =	shalt  }
0x86: {  	_ =	shalt  }
0x87: {  	_ =	shalt  }
.Lfunc_end0:
.L_simem_size_0:
called_computation_lowered:
.L_overlay_start_0:
0x88: {  	s2 =	sld [smem:$0x3FD9]  }
0x89: {  	s3 =	sld [smem:$0x3FFE];
	_ =	sdelay $0x1  }
0x8a: {  	s1 =	srdreg.scid  }
0x8b: {  	s0 =	sand.u32 $0x1, s1  }
0x8c: {  	s17 =	sshll.u32 s0, $0xA;
	s2 =	sadd.s32 s3, s2  }
0x8d: {  	s2 =	sadd.s32 s2, s17  }
0x8e: {  	[smem:$0x3FC6] =	sst s2  }
0x8f: {  	_ = 	snop  }
0x90: {  	s2 =	sld [smem:$0x3FD0];
	(tm) =	ssettm $0x1  }
0x91: {  	s18 =	sld [smem:$0x3FFB];
	_ =	sdelay $0x3  }
0x92: {  	_ =	strace s18  }
0x93: {  	s3 =	sld [smem:$0x3FFC];
	_ =	sdelay $0x3  }
0x94: {  	_ =	strace s3  }
0x95: {  	s3 =	sld [smem:$0x3FFD];
	_ =	sdelay $0x3  }
0x96: {  	_ =	strace s3  }
0x97: {  	_ =	strace $0x8FFFFFFF  }
0x98: {  	s19 =	sld [smem:$0x3FDB];
	_ =	sdelay $0x1  }
0x99: {  	s4 =	simm.s32 $_scs_section_size  }
0x9a: {  	s5 =	simm.s32 $_size__tile_overlayer_lowered;
	s6 =	simm.s32 $_tile_overlayer_lowered  }
0x9b: {  	s22 =	simm.s32 $0x1BFF;
	s21 =	sshll.u32 s6, $0x1;
	s3 =	sadd.s32 s4, s19  }
0x9c: {  	s7 =	simm.s32 $0x0;
	s20 =	sshll.u32 s5, $0x1;
	s5 =	sadd.s32 s21, s3  }
0x9d: {  	[timem:s7], [sflag:s22] =	dma.local [hbm:s5], s20  }
0x9e: {  	_ =	swait.ge [sflag:s22], s20  }
0x9f: {  	s4 =	ssub.s32 $0x0, s20;
	[sflag:s22] =	ssyncset.done $0x0  }
0xa0: {  	[sflag:s22] =	ssyncadd.s32 s4;
	_ =	sdelay $0x1  }
0xa1: {  	s23 =	simm.s32 $0x1B8B  }
0xa2: {  	_ =	swait.ge [sflag:s23], $0x1  }
0xa3: {  	[sflag:s23] =	ssyncset.done $0x0  }
0xa4: {  	s25 =	simm.s32 $0x1B8E;
	s24 =	sld [smem:$0x3FFE];
	[sflag:s23] =	ssyncadd.s32 $0xFFFFFFFF  }
0xa5: {  	s26 =	simm.s32 $execute0_lowered;
	[smem:$0x3FD2] =	sst s25  }
0xa6: {  	s5 =	sshll.u32 s26, $0x1;
	_ =	strace $0x80000046;
	[dreg:$0x1] =	wrdreg $0xFFFFFFFF  }
0xa7: {  	s28 =	simm.s32 $_size_execute0_lowered;
	s3 =	sadd.s32 s3, s5;
	[dreg:$0x0] =	wrdreg $0x0  }
0xa8: {  	s5 =	sshll.u32 s28, $0x1;
	[dreg:$0x2] =	wrdreg s3  }
0xa9: {  	[dreg:$0x3] =	wrdreg s5  }
0xaa: {  	[dreg:$0x4] =	wrdreg $0xC0  }
0xab: {  	_ =	task [dreg:s7], $0x5FFFF  }
0xac: {  	[dreg:$0x1] =	wrdreg $0xFFFFFFFF  }
0xad: {  	[dreg:$0x0] =	wrdreg $0x60  }
0xae: {  	[dreg:$0x2] =	wrdreg s24  }
0xaf: {  	[dreg:$0x3] =	wrdreg s2  }
0xb0: {  	[dreg:$0x4] =	wrdreg $0x9  }
0xb1: {  	_ =	task.clear_ibuf [dreg:s7], $0x5FFFF;
	_ =	strace $0x90000046  }
0xb2: {  	s29 =	simm.s32 $0x9;
	_ =	strace $0x80000048  }
0xb3: {  	_ =	swait.ge [sflag:s29], $0x1  }
0xb4: {  	[sflag:s29] =	ssyncadd.s32 $0xFFFFFFFF  }
0xb5: {  	_ =	strace $0x90000048  }
0xb6: {  	_ =	sfence  }
0xb7: {  	s30 =	sld [smem:$0x0];
	_ =	sdelay $0x2  }
0xb8: {  	s31 =	sshll.u32 s1, $0xD;
	s1 =	sshrl.u32 s1, $0x2  }
0xb9: {  	s3 =	sand.u32 $0x4000, s31;
	s1 =	sadd.s32 s1, s30  }
0xba: {  	s0 =	sor.u32 s3, s0;
	s1 =	sshll.u32 s1, $0x11  }
0xbb: {  	s0 =	sor.u32 s1, s0  }
0xbc: {  	s0 =	sadd.s32 $0x8F2B, s0  }
0xbd: {  	[sflag:s0] =	ssyncadd.remote.s32 $0x1  }
0xbe: {  	_ =	sfence.sel $0xFFFF  }
0xbf: {  	[dreg:$0x0] =	wrdreg $0xFFFFFFFF;
	(pc) =	sbr.abs _section_cstart, $3  }
0xc0: {  	[dreg:$0x1] =	wrdreg $0xFFFFFFFF  }
0xc1: {  	_ =	task.clear_ibuf [dreg:s7], $0x2FFFF;
	_ =	strace $0x9FFFFFFF  }
0xc2: {  	(tm) =	ssettm $0x7FFFFFFF  }
0xc3: {  	_ =	shalt  }
tec
execute0_lowered:
.L_overlay_start_1:
0x0: {  	(tag) =	ssettag $0x1  }
0x1: {  	s0 =	rddreg [dreg:$0x0]  }
0x2: {  	s1 =	srdreg.scid;
	s3 =	stileid.u32  }
0x3: {  	s2 =	rddreg [dreg:$0x1];
	s12 =	simm.s32 $0x80;
	s13 =	simm.s32 $0x6400  }
0x4: {  	s14 =	simm.s32 $0x7400;
	s16 =	simm.s32 $0x8400;
	s18 =	simm.s32 $0x9400  }
0x5: {  	s19 =	simm.s32 $0x1;
	s20 =	simm.s32 $0xA400;
	s24 =	simm.s32 $0x2  }
0x6: {  	s25 =	simm.s32 $0xB400;
	s30 =	simm.s32 $0x3;
	s31 =	simm.s32 $0xC400  }
0x7: {  	s17 =	simm.s32 $0x4;
	s10 =	simm.s32 $0xD800;
	s11 =	simm.s32 $0xDC00  }
0x8: {  	s21 =	simm.s32 $0xE000;
	s1 =	sand.u32 $0x1, s1;
	s4 =	sshll.u32 s3, $0x1  }
0x9: {  	s15 =	simm.s32 $0x0;
	s3 =	simm.s32 $0x0;
	s5 =	sor.u32 s1, s4  }
0xa: {  	v0 =	vlaneseq.u32;
	s8 =	sadd.s32 $0x2000, s2;
	s1 =	ssub.s32 $0x2, s1;
	s4 =	smul.u32 $0xC80, s5  }
.Ltmp0:
0xb: {  	v1 =	vmul.u32 $0x20, v0;
	v3 =	vor.u32 $0x10, v0;
	v5 =	vor.u32 $0x20, v0;
	[smem:$0x7FF] =	sst s3;
	s6 =	sshrl.u32 s1, $0x1;
	(pc) =	sbr.rel .LBB2_1-.Ltmp0, $4  }
0xc: {  	s9 =	sadd.s32 $0x3000, s2;
	v7 =	vor.u32 $0x30, v0;
	v9 =	vor.u32 $0x40, v0;
	v11 =	vor.u32 $0x50, v0;
	_ =	strace $0x80000047;
	s28 =	ssub.s32 s1, s6  }
0xd: {  	v13 =	vor.u32 $0x60, v0;
	v15 =	vor.u32 $0x70, v0;
	v2 =	vor.u32 $0x200, v1;
	s7 =	sadd.s32 s4, s0;
	s4 =	sadd.s32 $0xF42A00, s0;
	s0 =	smax.u32 s28, $0x1  }
0xe: {  	s5 =	smul.u32 $0xC8, s5;
	v4 =	vor.u32 $0x400, v1;
	v6 =	vor.u32 $0x600, v1;
	v8 =	vor.u32 $0x800, v1;
	s29 =	sadd.s32 $0x600, s7;
	[dreg:$0x4] =	wrdreg s0  }
0xf: {  	v10 =	vor.u32 $0xA00, v1;
	v12 =	vor.u32 $0xC00, v1;
	v14 =	vor.u32 $0xE00, v1;
	s6 =	simm.s32 $0xD400;
	s7 =	sadd.s32 $0x1000, s2;
	[dreg:$0x3] =	wrdreg s29  }
.LBB2_12:
0x10: {  	s0 =	simm.s32 $0x5  }
0x11: {  	_ =	swait.ge [sflag:s0], $0x400  }
0x12: {  	[sflag:s0] =	ssyncset.done $0x0  }
0x13: {  	[sflag:s0] =	ssyncadd.s32 $0xFFFFFC00  }
0x14: {  	_ =	swait.ge [sflag:s0], $0x400  }
0x15: {  	[sflag:s0] =	ssyncset.done $0x0  }
0x16: {  	[sflag:s0] =	ssyncadd.s32 $0xFFFFFC00  }
0x17: {  	_ =	swait.ge [sflag:s0], $0x400  }
0x18: {  	[sflag:s0] =	ssyncset.done $0x0  }
0x19: {  	[sflag:s0] =	ssyncadd.s32 $0xFFFFFC00  }
0x1a: {  	_ =	swait.ge [sflag:s0], $0x400  }
0x1b: {  	[sflag:s0] =	ssyncset.done $0x0  }
0x1c: {  	s26 =	simm.s32 $0x6;
	[sflag:s0] =	ssyncadd.s32 $0xFFFFFC00  }
0x1d: {  	_ =	swait.ge [sflag:s26], $0x400  }
0x1e: {  	[sflag:s26] =	ssyncset.done $0x0  }
0x1f: {  	[sflag:s26] =	ssyncadd.s32 $0xFFFFFC00  }
0x20: {  	_ =	swait.ge [sflag:s26], $0x400  }
0x21: {  	[sflag:s26] =	ssyncset.done $0x0  }
0x22: {  	[sflag:s26] =	ssyncadd.s32 $0xFFFFFC00  }
0x23: {  	_ =	swait.ge [sflag:s26], $0x400  }
0x24: {  	[sflag:s26] =	ssyncset.done $0x0  }
0x25: {  	[sflag:s26] =	ssyncadd.s32 $0xFFFFFC00  }
0x26: {  	_ =	swait.ge [sflag:s26], $0x400  }
0x27: {  	[sflag:s26] =	ssyncset.done $0x0  }
0x28: {  	s28 =	simm.s32 $0x7;
	[sflag:s26] =	ssyncadd.s32 $0xFFFFFC00  }
0x29: {  	_ =	swait.ge [sflag:s28], $0x400  }
0x2a: {  	[sflag:s28] =	ssyncset.done $0x0  }
0x2b: {  	[sflag:s28] =	ssyncadd.s32 $0xFFFFFC00  }
0x2c: {  	_ =	swait.ge [sflag:s28], $0x400  }
0x2d: {  	[sflag:s28] =	ssyncset.done $0x0  }
0x2e: {  	[sflag:s28] =	ssyncadd.s32 $0xFFFFFC00  }
0x2f: {  	_ =	swait.ge [sflag:s28], $0x400  }
0x30: {  	[sflag:s28] =	ssyncset.done $0x0  }
0x31: {  	[sflag:s28] =	ssyncadd.s32 $0xFFFFFC00  }
0x32: {  	_ =	swait.ge [sflag:s28], $0x400  }
0x33: {  	[sflag:s28] =	ssyncset.done $0x0  }
0x34: {  	s1 =	simm.s32 $0x8;
	[sflag:s28] =	ssyncadd.s32 $0xFFFFFC00  }
0x35: {  	_ =	swait.ge [sflag:s1], $0x400  }
0x36: {  	[sflag:s1] =	ssyncset.done $0x0  }
0x37: {  	[sflag:s1] =	ssyncadd.s32 $0xFFFFFC00  }
0x38: {  	_ =	swait.ge [sflag:s1], $0x400  }
0x39: {  	[sflag:s1] =	ssyncset.done $0x0  }
0x3a: {  	[sflag:s1] =	ssyncadd.s32 $0xFFFFFC00  }
0x3b: {  	_ =	swait.ge [sflag:s1], $0x400  }
0x3c: {  	[sflag:s1] =	ssyncset.done $0x0  }
0x3d: {  	[sflag:s1] =	ssyncadd.s32 $0xFFFFFC00  }
0x3e: {  	_ =	swait.ge [sflag:s1], $0x400  }
0x3f: {  	s15 =	rddreg [dreg:$0x5]  }
0x40: {  	s29 =	rddreg [dreg:$0x4];
	s15 =	sadd.s32 $0x1, s15  }
0x41: {  	p0 =	sne.s32 s15, s29  }
.Ltmp1:
0x42: {  	_ = 	snop;
	(pc) =	sbr.rel @!p0 .LBB2_13-.Ltmp1, $3  }
0x43: {  	_ =	sdelay $0x1  }
0x44: {  	[sflag:s1] =	ssyncset.done $0x0  }
0x45: {  	[sflag:s1] =	ssyncadd.s32 $0xFFFFFC00  }
.LBB2_1:
0x46: {  	[dreg:$0x5] =	wrdreg s15  }
0x47: {  	s0 =	rddreg [dreg:$0x3];
	s26 =	simm.s32 $0x9  }
0x48: {  	[tilespmem:s3], [sflag:$0x9] =	stream.linear.gather [hbm4b:s0+s3], $0x6400, $0x38;
	[tilespmem:$0xE400] =	vst v63  }
0x49: {  	_ =	swait.ge [sflag:s26], $0x6400  }
0x4a: {  	[sflag:s26] =	ssyncset.done $0x0  }
0x4b: {  	[sflag:s26] =	ssyncadd.s32 $0xFFFF9C00  }
0x4c: {  	[tilespmem:s13], [sflag:$0x1] =	stream.indirect.gather [hbm4b:s4+s12], $0x20, s3, s12, $0xb8;
	[tilespmem:$0xE400] =	vst v63  }
0x4d: {  	_ = 	snop  }
0x4e: {  	[tilespmem:s14], [sflag:$0x2] =	stream.indirect.gather [hbm4b:s4+s12], $0x20, s12, s12, $0xb8;
	[tilespmem:$0xE400] =	vst v63  }
0x4f: {  	s28 =	simm.s32 $0x100  }
0x50: {  	[tilespmem:s16], [sflag:$0x3] =	stream.indirect.gather [hbm4b:s4+s12], $0x20, s28, s12, $0xb8;
	[tilespmem:$0xE400] =	vst v63  }
0x51: {  	s29 =	simm.s32 $0x180;
	s22 =	simm.s32 $0x0  }
0x52: {  	[tilespmem:s18], [sflag:$0x4] =	stream.indirect.gather [hbm4b:s4+s12], $0x20, s29, s12, $0xb8;
	[tilespmem:$0xE400] =	vst v63  }
.LBB2_2:
0x53: {  	_ =	swait.ge [sflag:s19], $0x1000  }
0x54: {  	p0 =	seq.s32 s22, $0x0;
	[sflag:s19] =	ssyncset.done $0x0  }
0x55: {  	s23 =	simm.s32 @!p0 $0x5;
	[sflag:s19] =	ssyncadd.s32 $0xFFFFF000  }
0x56: {  	_ =	swait.ge @!p0 [sflag:s23], $0x400  }
0x57: {  	[sflag:s23] =	ssyncset.done @!p0 $0x0  }
0x58: {  	[sflag:s23] =	ssyncadd.s32 @!p0 $0xFFFFFC00  }
0x59: {  	_ =	swait.ge @!p0 [sflag:s23], $0x400  }
0x5a: {  	s26 =	simm.s32 $0x0;
	[sflag:s23] =	ssyncset.done @!p0 $0x0  }
0x5b: {  	v16 =	vadd.s32 s26, v0;
	[sflag:s23] =	ssyncadd.s32 @!p0 $0xFFFFFC00  }
0x5c: {  	s29 =	simm.s32 $0x3;
	v31 =	vand.u32 $0x1F, v16;
	_ =	swait.ge @!p0 [sflag:s23], $0x400  }
0x5d: {  	s0 =	simm.s32 $0x2;
	v17 =	vadd.s32 s29, v0;
	v18 =	vor.u32 v1, v31;
	[sflag:s23] =	ssyncset.done @!p0 $0x0  }
0x5e: {  	s28 =	simm.s32 $0x1;
	v19 =	vadd.s32 s0, v0;
	v32 =	vand.u32 $0x1F, v17;
	[sflag:s23] =	ssyncadd.s32 @!p0 $0xFFFFFC00  }
0x5f: {  	v22 =	vadd.s32 s28, v0;
	v36 =	vand.u32 $0x1F, v19;
	v21 =	vor.u32 v1, v32;
	_ =	swait.ge @!p0 [sflag:s23], $0x400  }
0x60: {  	v33 =	vand.u32 $0x1F, v22;
	v16 =	vshll.u32 v16, $0x7;
	v23 =	vor.u32 v1, v36;
	[sflag:s23] =	ssyncset.done @!p0 $0x0  }
0x61: {  	v17 =	vshll.u32 v17, $0x7;
	v24 =	vor.u32 v1, v33;
	v20 =	vand.u32 $0xF80, v16;
	[sflag:s23] =	ssyncadd.s32 @!p0 $0xFFFFFC00  }
0x62: {  	v37 =	vand.u32 $0xF80, v17;
	v16 =	vor.u32 v0, v20;
	v17 =	vld.idx.msk [tilespmem:v18+s13+$0x0], $0xffff  }
0x63: {  	v25 =	vor.u32 v2, v31;
	v18 =	vshll.u32 v19, $0x7  }
0x64: {  	v22 =	vshll.u32 v22, $0x7;
	v19 =	vor.u32 v0, v37;
	v21 =	vld.idx.msk [tilespmem:v21+s13+$0x0], $0xffff;
	v35 =	vand.u32 $0xF80, v18  }
0x65: {  	v34 =	vand.u32 $0xF80, v22;
	v23 =	vld.idx.msk [tilespmem:v23+s13+$0x0], $0xffff;
	v18 =	vor.u32 v2, v32;
	v22 =	vor.u32 v0, v35  }
0x66: {  	v26 =	vor.u32 v2, v36;
	v27 =	vor.u32 v0, v34;
	v24 =	vld.idx.msk [tilespmem:v24+s13+$0x0], $0xffff  }
0x67: {  	v28 =	vor.u32 v2, v33;
	[tilespmem:v16+s20+$0x0] =	vst.idx.msk $0xffff, v17  }
0x68: {  	v17 =	vor.u32 v3, v20;
	v16 =	vld.idx.msk [tilespmem:v25+s13+$0x0], $0xffff  }
0x69: {  	[tilespmem:v19+s20+$0x0] =	vst.idx.msk $0xffff, v21  }
0x6a: {  	v19 =	vor.u32 v4, v31;
	v21 =	vor.u32 v3, v37;
	v18 =	vld.idx.msk [tilespmem:v18+s13+$0x0], $0xffff;
	[tilespmem:v22+s20+$0x0] =	vst.idx.msk $0xffff, v23  }
0x6b: {  	[tilespmem:v27+s20+$0x0] =	vst.idx.msk $0xffff, v24;
	v24 =	vor.u32 v3, v35;
	v22 =	vor.u32 v4, v32;
	v23 =	vld.idx.msk [tilespmem:v26+s13+$0x0], $0xffff  }
0x6c: {  	v25 =	vld.idx.msk [tilespmem:v28+s13+$0x0], $0xffff;
	v28 =	vor.u32 v4, v36;
	v26 =	vor.u32 v3, v34  }
0x6d: {  	s1 =	simm.s32 $0x5;
	s15 =	simm.s32 $0x4;
	[tilespmem:v17+s20+$0x0] =	vst.idx.msk $0xffff, v16;
	v16 =	vor.u32 v4, v33  }
0x6e: {  	v44 =	vadd.s32 s1, v0;
	v45 =	vadd.s32 s15, v0;
	v29 =	vor.u32 v6, v32  }
0x6f: {  	v38 =	vor.u32 v10, v31;
	[tilespmem:v21+s20+$0x0] =	vst.idx.msk $0xffff, v18;
	v18 =	vor.u32 v5, v20;
	v17 =	vld.idx.msk [tilespmem:v19+s13+$0x0], $0xffff  }
0x70: {  	v21 =	vor.u32 v6, v31;
	v19 =	vld.idx.msk [tilespmem:v22+s13+$0x0], $0xffff;
	v22 =	vor.u32 v5, v37;
	[tilespmem:v24+s20+$0x0] =	vst.idx.msk $0xffff, v23  }
0x71: {  	v39 =	vor.u32 v10, v36;
	[tilespmem:v26+s20+$0x0] =	vst.idx.msk $0xffff, v25;
	v24 =	vor.u32 v5, v35;
	v23 =	vld.idx.msk [tilespmem:v28+s13+$0x0], $0xffff  }
0x72: {  	v41 =	vor.u32 v8, v33;
	v25 =	vor.u32 v5, v34;
	v26 =	vor.u32 v6, v36;
	v16 =	vld.idx.msk [tilespmem:v16+s13+$0x0], $0xffff  }
0x73: {  	s28 =	simm.s32 $0x6;
	v42 =	vor.u32 v8, v36;
	v50 =	vor.u32 v10, v32;
	v61 =	vor.u32 v12, v32  }
0x74: {  	v47 =	vadd.s32 s28, v0;
	v56 =	vor.u32 v12, v33;
	[tilespmem:v18+s20+$0x0] =	vst.idx.msk $0xffff, v17;
	v17 =	vor.u32 v6, v33  }
0x75: {  	v40 =	vor.u32 v9, v34;
	[tilespmem:v22+s20+$0x0] =	vst.idx.msk $0xffff, v19;
	v19 =	vor.u32 v7, v20;
	v18 =	vld.idx.msk [tilespmem:v21+s13+$0x0], $0xffff  }
0x76: {  	v30 =	vor.u32 v7, v37;
	v21 =	vld.idx.msk [tilespmem:v29+s13+$0x0], $0xffff;
	v29 =	vor.u32 v8, v31;
	[tilespmem:v24+s20+$0x0] =	vst.idx.msk $0xffff, v23  }
0x77: {  	v23 =	vor.u32 v8, v32;
	v24 =	vld.idx.msk [tilespmem:v26+s13+$0x0], $0xffff;
	[tilespmem:v25+s20+$0x0] =	vst.idx.msk $0xffff, v16;
	v25 =	vor.u32 v7, v35  }
0x78: {  	v43 =	vor.u32 v7, v34;
	v46 =	vor.u32 v9, v20;
	v16 =	vand.u32 $0x1F, v45  }
0x79: {  	v60 =	vor.u32 v11, v37;
	v57 =	vor.u32 v9, v35;
	v17 =	vld.idx.msk [tilespmem:v17+s13+$0x0], $0xffff;
	v49 =	vor.u32 v1, v16  }
0x7a: {  	v27 =	vor.u32 v15, v37;
	v22 =	vand.u32 $0x1F, v44;
	v26 =	vor.u32 v9, v37;
	[tilespmem:v19+s20+$0x0] =	vst.idx.msk $0xffff, v18  }
0x7b: {  	s29 =	simm.s32 $0x7;
	[tilespmem:v30+s20+$0x0] =	vst.idx.msk $0xffff, v21;
	v21 =	vor.u32 v1, v22;
	v18 =	vand.u32 $0x1F, v47;
	v29 =	vld.idx.msk [tilespmem:v29+s13+$0x0], $0xffff  }
0x7c: {  	v58 =	vshll.u32 v47, $0x7;
	v19 =	vadd.s32 s29, v0;
	v48 =	vld.idx.msk [tilespmem:v23+s13+$0x0], $0xffff;
	v51 =	vor.u32 v1, v18;
	[tilespmem:v25+s20+$0x0] =	vst.idx.msk $0xffff, v24  }
0x7d: {  	v28 =	vor.u32 v10, v33;
	v33 =	vor.u32 v14, v33;
	v23 =	vand.u32 $0x1F, v19;
	v42 =	vld.idx.msk [tilespmem:v42+s13+$0x0], $0xffff  }
0x7e: {  	v55 =	vor.u32 v2, v22;
	v63 =	vor.u32 v1, v23;
	[tilespmem:v43+s20+$0x0] =	vst.idx.msk $0xffff, v17;
	v62 =	vld.idx.msk [tilespmem:v49+s13+$0x0], $0xffff  }
0x7f: {  	v52 =	vor.u32 v2, v16;
	v24 =	vshll.u32 v19, $0x7;
	v19 =	vshll.u32 v44, $0x7;
	v41 =	vld.idx.msk [tilespmem:v41+s13+$0x0], $0xffff  }
0x80: {  	v53 =	vor.u32 v2, v18;
	v19 =	vand.u32 $0xF80, v19;
	v17 =	vshll.u32 v45, $0x7;
	v47 =	vld.idx.msk [tilespmem:v21+s13+$0x0], $0xffff  }
0x81: {  	v17 =	vand.u32 $0xF80, v17;
	v54 =	vor.u32 v0, v19;
	[tilespmem:v26+s20+$0x0] =	vst.idx.msk $0xffff, v48;
	v51 =	vld.idx.msk [tilespmem:v51+s13+$0x0], $0xffff  }
0x82: {  	v30 =	vor.u32 v6, v23;
	v21 =	vand.u32 $0xF80, v58;
	v59 =	vor.u32 v0, v17;
	v50 =	vld.idx.msk [tilespmem:v50+s13+$0x0], $0xffff  }
0x83: {  	v25 =	vand.u32 $0xF80, v24;
	[tilespmem:v46+s20+$0x0] =	vst.idx.msk $0xffff, v29;
	v48 =	vor.u32 v0, v21;
	v44 =	vld.idx.msk [tilespmem:v63+s13+$0x0], $0xffff  }
0x84: {  	v49 =	vor.u32 v0, v25;
	v24 =	vor.u32 v15, v25;
	v45 =	vld.idx.msk [tilespmem:v38+s13+$0x0], $0xffff;
	[tilespmem:v57+s20+$0x0] =	vst.idx.msk $0xffff, v42  }
0x85: {  	v29 =	vor.u32 v14, v31;
	v63 =	vor.u32 v2, v23;
	[tilespmem:v40+s20+$0x0] =	vst.idx.msk $0xffff, v41;
	v39 =	vld.idx.msk [tilespmem:v39+s13+$0x0], $0xffff  }
0x86: {  	v26 =	vor.u32 v15, v20;
	[tilespmem:v54+s20+$0x0] =	vst.idx.msk $0xffff, v47;
	v54 =	vor.u32 v11, v35;
	v41 =	vld.idx.msk [tilespmem:v28+s13+$0x0], $0xffff  }
0x87: {  	[tilespmem:v59+s20+$0x0] =	vst.idx.msk $0xffff, v62;
	v62 =	vor.u32 v11, v34;
	v38 =	vld.idx.msk [tilespmem:v55+s13+$0x0], $0xffff;
	v55 =	vor.u32 v12, v36  }
0x88: {  	v57 =	vor.u32 v3, v17;
	v47 =	vor.u32 v11, v20;
	[tilespmem:v48+s20+$0x0] =	vst.idx.msk $0xffff, v51;
	v52 =	vld.idx.msk [tilespmem:v52+s13+$0x0], $0xffff  }
0x89: {  	v40 =	vor.u32 v4, v16;
	[tilespmem:v49+s20+$0x0] =	vst.idx.msk $0xffff, v44;
	v49 =	vor.u32 v12, v31;
	v53 =	vld.idx.msk [tilespmem:v53+s13+$0x0], $0xffff  }
0x8a: {  	v59 =	vor.u32 v4, v23;
	[tilespmem:v60+s20+$0x0] =	vst.idx.msk $0xffff, v50;
	v50 =	vor.u32 v3, v25;
	v58 =	vld.idx.msk [tilespmem:v63+s13+$0x0], $0xffff  }
0x8b: {  	v31 =	vor.u32 v14, v36;
	v60 =	vor.u32 v13, v37;
	v51 =	vld.idx.msk [tilespmem:v61+s13+$0x0], $0xffff;
	[tilespmem:v54+s20+$0x0] =	vst.idx.msk $0xffff, v39  }
0x8c: {  	v61 =	vor.u32 v3, v21;
	v63 =	vor.u32 v14, v32;
	[tilespmem:v62+s20+$0x0] =	vst.idx.msk $0xffff, v41;
	v37 =	vld.idx.msk [tilespmem:v55+s13+$0x0], $0xffff  }
0x8d: {  	v44 =	vor.u32 v4, v18;
	[tilespmem:v47+s20+$0x0] =	vst.idx.msk $0xffff, v45;
	v47 =	vor.u32 v3, v19;
	v36 =	vld.idx.msk [tilespmem:v56+s13+$0x0], $0xffff  }
0x8e: {  	v48 =	vor.u32 v4, v22;
	v41 =	vor.u32 v13, v34;
	v32 =	vld.idx.msk [tilespmem:v49+s13+$0x0], $0xffff;
	[tilespmem:v57+s20+$0x0] =	vst.idx.msk $0xffff, v52  }
0x8f: {  	v43 =	vor.u32 v5, v17;
	v39 =	vor.u32 v13, v35;
	v42 =	vld.idx.msk [tilespmem:v40+s13+$0x0], $0xffff;
	[tilespmem:v50+s20+$0x0] =	vst.idx.msk $0xffff, v58  }
0x90: {  	v28 =	vor.u32 v15, v35;
	v45 =	vor.u32 v6, v16;
	[tilespmem:v60+s20+$0x0] =	vst.idx.msk $0xffff, v51;
	v46 =	vld.idx.msk [tilespmem:v59+s13+$0x0], $0xffff  }
0x91: {  	s26 =	simm.s32 $0x8;
	s23 =	sshll.u32 s22, $0x2;
	v34 =	vor.u32 v15, v34;
	v49 =	vor.u32 v5, v25;
	[tilespmem:v61+s20+$0x0] =	vst.idx.msk $0xffff, v53;
	v40 =	vld.idx.msk [tilespmem:v63+s13+$0x0], $0xffff  }
.LBB2_3:
0x92: {  	p1 =	slt.u32 s26, $0x1C;
	v35 =	vor.u32 v10, v16;
	[tilespmem:v47+s20+$0x0] =	vst.idx.msk $0xffff, v38;
	v38 =	vld.idx.msk [tilespmem:v44+s13+$0x0], $0xffff;
	v20 =	vor.u32 v13, v20;
	s28 =	smov.u32 s26;
	s26 =	sadd.s32 $0x4, s26  }
0x93: {  	v47 =	vor.u32 v10, v22;
	v44 =	vld.idx.msk [tilespmem:v48+s13+$0x0], $0xffff;
	v48 =	vor.u32 v5, v21;
	[tilespmem:v41+s20+$0x0] =	vst.idx.msk $0xffff, v36  }
0x94: {  	v36 =	vor.u32 v5, v19;
	v41 =	vor.u32 v6, v18;
	v50 =	vld.idx.msk [tilespmem:v33+s13+$0x0], $0xffff;
	[tilespmem:v39+s20+$0x0] =	vst.idx.msk $0xffff, v37  }
0x95: {  	v37 =	vor.u32 v6, v22;
	v39 =	vor.u32 v10, v18;
	[tilespmem:v43+s20+$0x0] =	vst.idx.msk $0xffff, v42;
	v31 =	vld.idx.msk [tilespmem:v31+s13+$0x0], $0xffff  }
0x96: {  	v43 =	vor.u32 v9, v19;
	v42 =	vld.idx.msk [tilespmem:v45+s13+$0x0], $0xffff;
	[tilespmem:v49+s20+$0x0] =	vst.idx.msk $0xffff, v46;
	v45 =	vor.u32 v10, v23  }
0x97: {  	v46 =	vor.u32 v7, v17;
	v49 =	vor.u32 v8, v22;
	v30 =	vld.idx.msk [tilespmem:v30+s13+$0x0], $0xffff;
	[tilespmem:v27+s20+$0x0] =	vst.idx.msk $0xffff, v40  }
0x98: {  	v33 =	vmov v22;
	v27 =	vor.u32 v8, v16;
	[tilespmem:v48+s20+$0x0] =	vst.idx.msk $0xffff, v38;
	v38 =	vor.u32 v7, v25  }
0x99: {  	v40 =	vor.u32 v8, v23;
	[tilespmem:v36+s20+$0x0] =	vst.idx.msk $0xffff, v44;
	v36 =	vld.idx.msk [tilespmem:v41+s13+$0x0], $0xffff;
	v41 =	vor.u32 v9, v25  }
0x9a: {  	v48 =	vor.u32 v8, v18;
	v44 =	vor.u32 v7, v21;
	v37 =	vld.idx.msk [tilespmem:v37+s13+$0x0], $0xffff;
	[tilespmem:v34+s20+$0x0] =	vst.idx.msk $0xffff, v50  }
0x9b: {  	v51 =	vor.u32 v7, v19;
	s29 =	sadd.s32 $0x1, s28;
	s1 =	sadd.s32 $0x2, s28;
	v34 =	vadd.s32 s28, v0;
	s28 =	sadd.s32 $0x3, s28;
	v50 =	vor.u32 v9, v17;
	[tilespmem:v20+s20+$0x0] =	vst.idx.msk $0xffff, v32  }
0x9c: {  	v20 =	vadd.s32 s29, v0;
	v32 =	vadd.s32 s1, v0;
	v52 =	vadd.s32 s28, v0;
	[tilespmem:v46+s20+$0x0] =	vst.idx.msk $0xffff, v42;
	v42 =	vmovc v18;
	v46 =	vmovc v16  }
0x9d: {  	v55 =	vmovc v23;
	v22 =	vand.u32 $0x1F, v20;
	v18 =	vand.u32 $0x1F, v32;
	v53 =	vshll.u32 v52, $0x7;
	v54 =	vld.idx.msk [tilespmem:v27+s13+$0x0], $0xffff;
	[tilespmem:v38+s20+$0x0] =	vst.idx.msk $0xffff, v30  }
0x9e: {  	v57 =	vmovc v19;
	v16 =	vand.u32 $0x1F, v34;
	v38 =	vor.u32 v1, v22;
	v56 =	vor.u32 v1, v18;
	v40 =	vld.idx.msk [tilespmem:v40+s13+$0x0], $0xffff  }
0x9f: {  	v19 =	vshll.u32 v20, $0x7;
	v23 =	vand.u32 $0x1F, v52;
	v58 =	vor.u32 v1, v16;
	[tilespmem:v44+s20+$0x0] =	vst.idx.msk $0xffff, v36;
	v29 =	vld.idx.msk [tilespmem:v29+s13+$0x0], $0xffff  }
0xa0: {  	v19 =	vand.u32 $0xF80, v19;
	v36 =	vor.u32 v1, v23;
	[tilespmem:v51+s20+$0x0] =	vst.idx.msk $0xffff, v37;
	v37 =	vmovc v25;
	v25 =	vand.u32 $0xF80, v53  }
0xa1: {  	v30 =	vor.u32 v6, v23;
	v20 =	vmov v17;
	v44 =	vshll.u32 v34, $0x7;
	v34 =	vld.idx.msk [tilespmem:v48+s13+$0x0], $0xffff;
	[tilespmem:v28+s20+$0x0] =	vst.idx.msk $0xffff, v31  }
0xa2: {  	v27 =	vmovc v24;
	v17 =	vand.u32 $0xF80, v44;
	v28 =	vshll.u32 v32, $0x7;
	v32 =	vor.u32 v9, v21;
	v31 =	vld.idx.msk [tilespmem:v49+s13+$0x0], $0xffff;
	v49 =	vmovc v21  }
0xa3: {  	v44 =	vor.u32 v0, v17;
	v21 =	vand.u32 $0xF80, v28;
	v38 =	vld.idx.msk [tilespmem:v38+s13+$0x0], $0xffff;
	[tilespmem:v50+s20+$0x0] =	vst.idx.msk $0xffff, v54  }
0xa4: {  	v51 =	vor.u32 v0, v25;
	v50 =	vor.u32 v0, v21;
	v48 =	vld.idx.msk [tilespmem:v58+s13+$0x0], $0xffff;
	[tilespmem:v41+s20+$0x0] =	vst.idx.msk $0xffff, v40  }
0xa5: {  	v40 =	vor.u32 v2, v16;
	v41 =	vor.u32 v2, v18;
	v45 =	vld.idx.msk [tilespmem:v45+s13+$0x0], $0xffff;
	[tilespmem:v26+s20+$0x0] =	vst.idx.msk $0xffff, v29  }
0xa6: {  	v52 =	vor.u32 v0, v19;
	v24 =	vor.u32 v15, v25;
	v36 =	vld.idx.msk [tilespmem:v36+s13+$0x0], $0xffff  }
0xa7: {  	v53 =	vor.u32 v2, v22;
	v29 =	vor.u32 v14, v46;
	v54 =	vld.idx.msk [tilespmem:v56+s13+$0x0], $0xffff;
	[tilespmem:v32+s20+$0x0] =	vst.idx.msk $0xffff, v34  }
0xa8: {  	v32 =	vor.u32 v2, v23;
	[tilespmem:v43+s20+$0x0] =	vst.idx.msk $0xffff, v31;
	v34 =	vld.idx.msk [tilespmem:v39+s13+$0x0], $0xffff;
	v39 =	vor.u32 v11, v37  }
0xa9: {  	v28 =	vor.u32 v15, v49;
	v26 =	vor.u32 v15, v20;
	v43 =	vld.idx.msk [tilespmem:v47+s13+$0x0], $0xffff;
	v47 =	vor.u32 v12, v55  }
0xaa: {  	[tilespmem:v44+s20+$0x0] =	vst.idx.msk $0xffff, v48;
	v35 =	vld.idx.msk [tilespmem:v35+s13+$0x0], $0xffff;
	v44 =	vor.u32 v11, v57;
	v48 =	vor.u32 v12, v33  }
0xab: {  	v56 =	vor.u32 v11, v49;
	v40 =	vld.idx.msk [tilespmem:v40+s13+$0x0], $0xffff;
	[tilespmem:v52+s20+$0x0] =	vst.idx.msk $0xffff, v38;
	v52 =	vor.u32 v11, v20  }
0xac: {  	v46 =	vor.u32 v12, v46;
	v38 =	vld.idx.msk [tilespmem:v53+s13+$0x0], $0xffff;
	[tilespmem:v51+s20+$0x0] =	vst.idx.msk $0xffff, v36;
	v51 =	vor.u32 v12, v42  }
0xad: {  	v31 =	vor.u32 v14, v42;
	v53 =	vor.u32 v3, v17;
	v58 =	vld.idx.msk [tilespmem:v32+s13+$0x0], $0xffff;
	[tilespmem:v39+s20+$0x0] =	vst.idx.msk $0xffff, v45  }
0xae: {  	v39 =	vor.u32 v4, v16;
	v45 =	vor.u32 v3, v25;
	[tilespmem:v50+s20+$0x0] =	vst.idx.msk $0xffff, v54;
	v50 =	vld.idx.msk [tilespmem:v47+s13+$0x0], $0xffff  }
0xaf: {  	v59 =	vor.u32 v4, v23;
	v60 =	vor.u32 v13, v37;
	v54 =	vld.idx.msk [tilespmem:v41+s13+$0x0], $0xffff;
	[tilespmem:v44+s20+$0x0] =	vst.idx.msk $0xffff, v43  }
0xb0: {  	v61 =	vor.u32 v3, v21;
	[tilespmem:v52+s20+$0x0] =	vst.idx.msk $0xffff, v35;
	v36 =	vld.idx.msk [tilespmem:v48+s13+$0x0], $0xffff;
	v35 =	vor.u32 v14, v55  }
.Ltmp2:
0xb1: {  	v47 =	vor.u32 v3, v19;
	v44 =	vor.u32 v4, v18;
	v32 =	vld.idx.msk [tilespmem:v46+s13+$0x0], $0xffff;
	[tilespmem:v56+s20+$0x0] =	vst.idx.msk $0xffff, v34;
	(pc) =	sbr.rel @p1 .LBB2_3-.Ltmp2, $4  }
0xb2: {  	v41 =	vor.u32 v13, v57;
	v48 =	vor.u32 v4, v22;
	[tilespmem:v53+s20+$0x0] =	vst.idx.msk $0xffff, v40;
	v37 =	vld.idx.msk [tilespmem:v51+s13+$0x0], $0xffff  }
0xb3: {  	v33 =	vor.u32 v14, v33;
	v42 =	vld.idx.msk [tilespmem:v39+s13+$0x0], $0xffff;
	[tilespmem:v45+s20+$0x0] =	vst.idx.msk $0xffff, v58;
	v39 =	vor.u32 v13, v49  }
0xb4: {  	v43 =	vor.u32 v5, v17;
	v34 =	vor.u32 v15, v57;
	v46 =	vld.idx.msk [tilespmem:v59+s13+$0x0], $0xffff;
	[tilespmem:v60+s20+$0x0] =	vst.idx.msk $0xffff, v50  }
0xb5: {  	v45 =	vor.u32 v6, v16;
	v49 =	vor.u32 v5, v25;
	[tilespmem:v61+s20+$0x0] =	vst.idx.msk $0xffff, v54;
	v40 =	vld.idx.msk [tilespmem:v35+s13+$0x0], $0xffff  }
0xb6: {  	_ =	sdelay $0x3  }
0xb7: {  	[tilespmem:v47+s20+$0x0] =	vst.idx.msk $0xffff, v38;
	v44 =	vld.idx.msk [tilespmem:v44+s13+$0x0], $0xffff;
	v62 =	vor.u32 v5, v21  }
0xb8: {  	v61 =	vor.u32 v5, v19;
	v50 =	vor.u32 v6, v18;
	v35 =	vld.idx.msk [tilespmem:v48+s13+$0x0], $0xffff  }
0xb9: {  	v63 =	vor.u32 v6, v22;
	_ =	sdelay $0x1  }
0xba: {  	[tilespmem:v49+s20+$0x0] =	vst.idx.msk $0xffff, v46  }
0xbb: {  	v52 =	vor.u32 v7, v25;
	v30 =	vld.idx.msk [tilespmem:v30+s13+$0x0], $0xffff;
	[tilespmem:v62+s20+$0x0] =	vst.idx.msk $0xffff, v44  }
0xbc: {  	v53 =	vor.u32 v8, v23;
	v57 =	vor.u32 v7, v21;
	[tilespmem:v61+s20+$0x0] =	vst.idx.msk $0xffff, v35;
	v56 =	vld.idx.msk [tilespmem:v50+s13+$0x0], $0xffff  }
0xbd: {  	v54 =	vor.u32 v7, v19;
	v59 =	vor.u32 v8, v18;
	[tilespmem:v43+s20+$0x0] =	vst.idx.msk $0xffff, v42;
	v38 =	vld.idx.msk [tilespmem:v63+s13+$0x0], $0xffff  }
0xbe: {  	v55 =	vor.u32 v8, v22;
	v58 =	vor.u32 v7, v17;
	v45 =	vld.idx.msk [tilespmem:v45+s13+$0x0], $0xffff  }
0xbf: {  	v60 =	vor.u32 v8, v16  }
0xc0: {  	[tilespmem:v52+s20+$0x0] =	vst.idx.msk $0xffff, v30  }
0xc1: {  	v30 =	vor.u32 v9, v25;
	v35 =	vld.idx.msk [tilespmem:v53+s13+$0x0], $0xffff;
	[tilespmem:v57+s20+$0x0] =	vst.idx.msk $0xffff, v56  }
0xc2: {  	v62 =	vor.u32 v10, v23;
	v53 =	vor.u32 v9, v21;
	[tilespmem:v54+s20+$0x0] =	vst.idx.msk $0xffff, v38;
	v52 =	vld.idx.msk [tilespmem:v59+s13+$0x0], $0xffff  }
0xc3: {  	v61 =	vor.u32 v9, v19;
	[tilespmem:v58+s20+$0x0] =	vst.idx.msk $0xffff, v45;
	v54 =	vor.u32 v10, v18;
	v42 =	vld.idx.msk [tilespmem:v55+s13+$0x0], $0xffff  }
0xc4: {  	v63 =	vor.u32 v10, v22;
	v56 =	vld.idx.msk [tilespmem:v60+s13+$0x0], $0xffff;
	v55 =	vor.u32 v9, v17  }
0xc5: {  	[tilespmem:v41+s20+$0x0] =	vst.idx.msk $0xffff, v36;
	v57 =	vor.u32 v10, v16  }
0xc6: {  	[tilespmem:v30+s20+$0x0] =	vst.idx.msk $0xffff, v35  }
0xc7: {  	v58 =	vor.u32 v11, v25;
	v30 =	vld.idx.msk [tilespmem:v62+s13+$0x0], $0xffff;
	[tilespmem:v53+s20+$0x0] =	vst.idx.msk $0xffff, v52  }
0xc8: {  	v48 =	vor.u32 v11, v21;
	v60 =	vor.u32 v12, v23;
	[tilespmem:v61+s20+$0x0] =	vst.idx.msk $0xffff, v42;
	v62 =	vld.idx.msk [tilespmem:v54+s13+$0x0], $0xffff  }
0xc9: {  	v51 =	vor.u32 v12, v18;
	v61 =	vor.u32 v11, v19;
	[tilespmem:v55+s20+$0x0] =	vst.idx.msk $0xffff, v56;
	v59 =	vld.idx.msk [tilespmem:v63+s13+$0x0], $0xffff  }
0xca: {  	[tilespmem:v39+s20+$0x0] =	vst.idx.msk $0xffff, v37;
	v50 =	vor.u32 v11, v17;
	v63 =	vor.u32 v12, v22;
	v49 =	vld.idx.msk [tilespmem:v57+s13+$0x0], $0xffff  }
0xcb: {  	v20 =	vor.u32 v13, v20;
	[tilespmem:v27+s20+$0x0] =	vst.idx.msk $0xffff, v40;
	v27 =	vor.u32 v12, v16  }
0xcc: {  	v33 =	vld.idx.msk [tilespmem:v33+s13+$0x0], $0xffff;
	[tilespmem:v58+s20+$0x0] =	vst.idx.msk $0xffff, v30  }
0xcd: {  	v25 =	vor.u32 v13, v25;
	v30 =	vld.idx.msk [tilespmem:v60+s13+$0x0], $0xffff;
	[tilespmem:v48+s20+$0x0] =	vst.idx.msk $0xffff, v62  }
0xce: {  	v23 =	vor.u32 v14, v23;
	v55 =	vor.u32 v13, v21;
	[tilespmem:v61+s20+$0x0] =	vst.idx.msk $0xffff, v59;
	v54 =	vld.idx.msk [tilespmem:v51+s13+$0x0], $0xffff  }
0xcf: {  	v18 =	vor.u32 v14, v18;
	v53 =	vor.u32 v13, v19;
	[tilespmem:v50+s20+$0x0] =	vst.idx.msk $0xffff, v49;
	v52 =	vld.idx.msk [tilespmem:v63+s13+$0x0], $0xffff  }
0xd0: {  	[tilespmem:v20+s20+$0x0] =	vst.idx.msk $0xffff, v32;
	v56 =	vor.u32 v13, v17;
	v22 =	vor.u32 v14, v22;
	v27 =	vld.idx.msk [tilespmem:v27+s13+$0x0], $0xffff  }
0xd1: {  	v31 =	vld.idx.msk [tilespmem:v31+s13+$0x0], $0xffff;
	[tilespmem:v34+s20+$0x0] =	vst.idx.msk $0xffff, v33;
	v16 =	vor.u32 v14, v16  }
0xd2: {  	v20 =	vld.idx.msk [tilespmem:v29+s13+$0x0], $0xffff;
	[tilespmem:v25+s20+$0x0] =	vst.idx.msk $0xffff, v30  }
0xd3: {  	v23 =	vld.idx.msk [tilespmem:v23+s13+$0x0], $0xffff;
	[tilespmem:v55+s20+$0x0] =	vst.idx.msk $0xffff, v54  }
0xd4: {  	v21 =	vor.u32 v15, v21;
	[tilespmem:v53+s20+$0x0] =	vst.idx.msk $0xffff, v52;
	v18 =	vld.idx.msk [tilespmem:v18+s13+$0x0], $0xffff  }
0xd5: {  	v19 =	vor.u32 v15, v19;
	[tilespmem:v56+s20+$0x0] =	vst.idx.msk $0xffff, v27;
	v22 =	vld.idx.msk [tilespmem:v22+s13+$0x0], $0xffff  }
0xd6: {  	[tilespmem:v28+s20+$0x0] =	vst.idx.msk $0xffff, v31;
	v17 =	vor.u32 v15, v17;
	v16 =	vld.idx.msk [tilespmem:v16+s13+$0x0], $0xffff  }
0xd7: {  	s1 =	sadd.s32 s5, s23;
	[tilespmem:v26+s20+$0x0] =	vst.idx.msk $0xffff, v20  }
0xd8: {  	s26 =	sshll.u32 s1, $0x9;
	s1 =	sshll.u32 s1, $0x7;
	[tilespmem:v24+s20+$0x0] =	vst.idx.msk $0xffff, v23  }
0xd9: {  	s26 =	sand.u32 $0xFFFC000, s26;
	s1 =	sand.u32 $0xE00, s1;
	[tilespmem:v21+s20+$0x0] =	vst.idx.msk $0xffff, v18  }
0xda: {  	s1 =	sor.u32 s1, s26;
	[tilespmem:v19+s20+$0x0] =	vst.idx.msk $0xffff, v22  }
0xdb: {  	s26 =	sadd.s32 s2, s1;
	[tilespmem:v17+s20+$0x0] =	vst.idx.msk $0xffff, v16  }
0xdc: {  	[hbm4b:s26+s3] =	stream.linear.scatter [tilespmem:s20], [sflag:$0x5], $0x400, $0x38;
	[tilespmem:$0xE400] =	vst v63  }
0xdd: {  	s0 =	simm.s32 $0xA800;
	s15 =	sadd.s32 s1, s7  }
0xde: {  	[hbm4b:s15+s3] =	stream.linear.scatter [tilespmem:s0], [sflag:$0x5], $0x400, $0x38;
	[tilespmem:$0xE400] =	vst v63  }
0xdf: {  	s0 =	sadd.s32 s1, s8;
	s15 =	simm.s32 $0xAC00  }
0xe0: {  	[hbm4b:s0+s3] =	stream.linear.scatter [tilespmem:s15], [sflag:$0x5], $0x400, $0x38;
	[tilespmem:$0xE400] =	vst v63  }
0xe1: {  	p1 =	seq.s32 s22, $0x31;
	s26 =	simm.s32 $0xB000;
	s1 =	sadd.s32 s1, s9  }
0xe2: {  	[hbm4b:s1+s3] =	stream.linear.scatter [tilespmem:s26], [sflag:$0x5], $0x400, $0x38;
	[tilespmem:$0xE400] =	vst v63  }
0xe3: {  	s1 =	sshll.u32 @!p1 s22, $0x9  }
0xe4: {  	s26 =	sand.u32 @!p1 $0x3FFFFE00, s1  }
0xe5: {  	s28 =	simm.s32 @!p1 $0x80;
	s29 =	simm.s32 @!p1 $0x6400;
	s1 =	sadd.s32 @!p1 $0x200, s26  }
0xe6: {  	[tilespmem:s29], [sflag:$0x1] =	stream.indirect.gather @!p1 [hbm4b:s4+s28], $0x20, s1, s28, $0xb8;
	[tilespmem:$0xE400] =	vst v63  }
0xe7: {  	_ =	swait.ge [sflag:s24], $0x1000  }
0xe8: {  	[sflag:s24] =	ssyncset.done $0x0  }
0xe9: {  	s1 =	simm.s32 @!p0 $0x6;
	[sflag:s24] =	ssyncadd.s32 $0xFFFFF000  }
0xea: {  	_ =	swait.ge @!p0 [sflag:s1], $0x400  }
0xeb: {  	[sflag:s1] =	ssyncset.done @!p0 $0x0  }
0xec: {  	[sflag:s1] =	ssyncadd.s32 @!p0 $0xFFFFFC00  }
0xed: {  	_ =	swait.ge @!p0 [sflag:s1], $0x400  }
0xee: {  	s28 =	simm.s32 $0x0;
	[sflag:s1] =	ssyncset.done @!p0 $0x0  }
0xef: {  	v16 =	vadd.s32 s28, v0;
	[sflag:s1] =	ssyncadd.s32 @!p0 $0xFFFFFC00  }
0xf0: {  	s28 =	simm.s32 $0x3;
	v31 =	vand.u32 $0x1F, v16;
	_ =	swait.ge @!p0 [sflag:s1], $0x400  }
0xf1: {  	v17 =	vadd.s32 s28, v0;
	s28 =	simm.s32 $0x2;
	v18 =	vor.u32 v1, v31;
	[sflag:s1] =	ssyncset.done @!p0 $0x0  }
0xf2: {  	s29 =	simm.s32 $0x1;
	v32 =	vand.u32 $0x1F, v17;
	v19 =	vadd.s32 s28, v0;
	[sflag:s1] =	ssyncadd.s32 @!p0 $0xFFFFFC00  }
0xf3: {  	v22 =	vadd.s32 s29, v0;
	v21 =	vor.u32 v1, v32;
	v36 =	vand.u32 $0x1F, v19;
	_ =	swait.ge @!p0 [sflag:s1], $0x400  }
0xf4: {  	v33 =	vand.u32 $0x1F, v22;
	v16 =	vshll.u32 v16, $0x7;
	v23 =	vor.u32 v1, v36;
	[sflag:s1] =	ssyncset.done @!p0 $0x0  }
0xf5: {  	v17 =	vshll.u32 v17, $0x7;
	v24 =	vor.u32 v1, v33;
	v20 =	vand.u32 $0xF80, v16;
	[sflag:s1] =	ssyncadd.s32 @!p0 $0xFFFFFC00  }
0xf6: {  	v37 =	vand.u32 $0xF80, v17;
	v16 =	vor.u32 v0, v20;
	v17 =	vld.idx.msk [tilespmem:v18+s14+$0x0], $0xffff  }
0xf7: {  	v25 =	vor.u32 v2, v31;
	v18 =	vshll.u32 v19, $0x7  }
0xf8: {  	v22 =	vshll.u32 v22, $0x7;
	v19 =	vor.u32 v0, v37;
	v21 =	vld.idx.msk [tilespmem:v21+s14+$0x0], $0xffff;
	v35 =	vand.u32 $0xF80, v18  }
0xf9: {  	v34 =	vand.u32 $0xF80, v22;
	v23 =	vld.idx.msk [tilespmem:v23+s14+$0x0], $0xffff;
	v18 =	vor.u32 v2, v32;
	v22 =	vor.u32 v0, v35  }
0xfa: {  	v27 =	vor.u32 v0, v34;
	v26 =	vor.u32 v2, v36;
	v24 =	vld.idx.msk [tilespmem:v24+s14+$0x0], $0xffff  }
0xfb: {  	v28 =	vor.u32 v2, v33;
	[tilespmem:v16+s25+$0x0] =	vst.idx.msk $0xffff, v17  }
0xfc: {  	v17 =	vor.u32 v3, v20;
	v16 =	vld.idx.msk [tilespmem:v25+s14+$0x0], $0xffff  }
0xfd: {  	[tilespmem:v19+s25+$0x0] =	vst.idx.msk $0xffff, v21  }
0xfe: {  	v19 =	vor.u32 v4, v31;
	v21 =	vor.u32 v3, v37;
	v18 =	vld.idx.msk [tilespmem:v18+s14+$0x0], $0xffff;
	[tilespmem:v22+s25+$0x0] =	vst.idx.msk $0xffff, v23  }
0xff: {  	[tilespmem:v27+s25+$0x0] =	vst.idx.msk $0xffff, v24;
	v24 =	vor.u32 v3, v35;
	v22 =	vor.u32 v4, v32;
	v23 =	vld.idx.msk [tilespmem:v26+s14+$0x0], $0xffff  }
0x100: {  	v25 =	vld.idx.msk [tilespmem:v28+s14+$0x0], $0xffff;
	v28 =	vor.u32 v4, v36;
	v26 =	vor.u32 v3, v34  }
0x101: {  	[tilespmem:v17+s25+$0x0] =	vst.idx.msk $0xffff, v16;
	v16 =	vor.u32 v4, v33  }
0x102: {  	s0 =	simm.s32 $0x5;
	s15 =	simm.s32 $0x6  }
0x103: {  	v59 =	vadd.s32 s0, v0;
	v55 =	vadd.s32 s15, v0;
	[tilespmem:v21+s25+$0x0] =	vst.idx.msk $0xffff, v18;
	v18 =	vor.u32 v5, v20;
	v17 =	vld.idx.msk [tilespmem:v19+s14+$0x0], $0xffff  }
0x104: {  	v21 =	vor.u32 v6, v31;
	v19 =	vld.idx.msk [tilespmem:v22+s14+$0x0], $0xffff;
	v22 =	vor.u32 v5, v37;
	[tilespmem:v24+s25+$0x0] =	vst.idx.msk $0xffff, v23  }
0x105: {  	v29 =	vor.u32 v6, v32;
	[tilespmem:v26+s25+$0x0] =	vst.idx.msk $0xffff, v25;
	v24 =	vor.u32 v5, v35;
	v23 =	vld.idx.msk [tilespmem:v28+s14+$0x0], $0xffff  }
0x106: {  	v38 =	vor.u32 v10, v31;
	v25 =	vor.u32 v5, v34;
	v26 =	vor.u32 v6, v36;
	v16 =	vld.idx.msk [tilespmem:v16+s14+$0x0], $0xffff  }
0x107: {  	v41 =	vor.u32 v8, v33;
	s28 =	simm.s32 $0x4;
	v40 =	vor.u32 v9, v34;
	v58 =	vor.u32 v7, v34  }
0x108: {  	v62 =	vadd.s32 s28, v0;
	v54 =	vor.u32 v9, v20;
	[tilespmem:v18+s25+$0x0] =	vst.idx.msk $0xffff, v17;
	v17 =	vor.u32 v6, v33  }
0x109: {  	v61 =	vor.u32 v10, v32;
	[tilespmem:v22+s25+$0x0] =	vst.idx.msk $0xffff, v19;
	v19 =	vor.u32 v7, v20;
	v18 =	vld.idx.msk [tilespmem:v21+s14+$0x0], $0xffff  }
0x10a: {  	v30 =	vor.u32 v7, v37;
	v21 =	vld.idx.msk [tilespmem:v29+s14+$0x0], $0xffff;
	v29 =	vor.u32 v8, v31;
	[tilespmem:v24+s25+$0x0] =	vst.idx.msk $0xffff, v23  }
0x10b: {  	v23 =	vor.u32 v8, v32;
	v24 =	vld.idx.msk [tilespmem:v26+s14+$0x0], $0xffff;
	[tilespmem:v25+s25+$0x0] =	vst.idx.msk $0xffff, v16;
	v25 =	vor.u32 v7, v35  }
0x10c: {  	v39 =	vor.u32 v10, v36;
	v57 =	vor.u32 v8, v36;
	v16 =	vand.u32 $0x1F, v62  }
0x10d: {  	v27 =	vor.u32 v15, v37;
	v28 =	vor.u32 v10, v33;
	v17 =	vld.idx.msk [tilespmem:v17+s14+$0x0], $0xffff;
	v60 =	vor.u32 v1, v16  }
0x10e: {  	s28 =	simm.s32 $0x7;
	v22 =	vand.u32 $0x1F, v59;
	v26 =	vor.u32 v9, v37;
	v52 =	vor.u32 v2, v16;
	[tilespmem:v19+s25+$0x0] =	vst.idx.msk $0xffff, v18  }
0x10f: {  	[tilespmem:v30+s25+$0x0] =	vst.idx.msk $0xffff, v21;
	v21 =	vor.u32 v1, v22;
	v19 =	vadd.s32 s28, v0;
	v18 =	vand.u32 $0x1F, v55;
	v29 =	vld.idx.msk [tilespmem:v29+s14+$0x0], $0xffff  }
0x110: {  	v56 =	vld.idx.msk [tilespmem:v23+s14+$0x0], $0xffff;
	v51 =	vor.u32 v1, v18;
	v23 =	vand.u32 $0x1F, v19;
	[tilespmem:v25+s25+$0x0] =	vst.idx.msk $0xffff, v24  }
0x111: {  	v53 =	vor.u32 v2, v18;
	v63 =	vor.u32 v1, v23;
	v30 =	vor.u32 v6, v23;
	v42 =	vld.idx.msk [tilespmem:v57+s14+$0x0], $0xffff  }
0x112: {  	[tilespmem:v58+s25+$0x0] =	vst.idx.msk $0xffff, v17;
	v17 =	vshll.u32 v62, $0x7;
	v57 =	vor.u32 v9, v35;
	v62 =	vld.idx.msk [tilespmem:v60+s14+$0x0], $0xffff  }
0x113: {  	v24 =	vshll.u32 v19, $0x7;
	v19 =	vshll.u32 v59, $0x7;
	v41 =	vld.idx.msk [tilespmem:v41+s14+$0x0], $0xffff;
	v17 =	vand.u32 $0xF80, v17  }
0x114: {  	v19 =	vand.u32 $0xF80, v19;
	v58 =	vshll.u32 v55, $0x7;
	v47 =	vld.idx.msk [tilespmem:v21+s14+$0x0], $0xffff;
	[tilespmem:v54+s25+$0x0] =	vst.idx.msk $0xffff, v29;
	v59 =	vor.u32 v0, v17  }
0x115: {  	v25 =	vand.u32 $0xF80, v24;
	v21 =	vand.u32 $0xF80, v58;
	[tilespmem:v26+s25+$0x0] =	vst.idx.msk $0xffff, v56;
	v54 =	vor.u32 v0, v19;
	v51 =	vld.idx.msk [tilespmem:v51+s14+$0x0], $0xffff  }
0x116: {  	v55 =	vor.u32 v2, v22;
	v60 =	vor.u32 v11, v37;
	v48 =	vor.u32 v0, v21;
	v50 =	vld.idx.msk [tilespmem:v61+s14+$0x0], $0xffff  }
0x117: {  	v49 =	vor.u32 v0, v25;
	v24 =	vor.u32 v15, v25;
	v44 =	vld.idx.msk [tilespmem:v63+s14+$0x0], $0xffff;
	[tilespmem:v57+s25+$0x0] =	vst.idx.msk $0xffff, v42  }
0x118: {  	v29 =	vor.u32 v14, v31;
	v26 =	vor.u32 v15, v20;
	v45 =	vld.idx.msk [tilespmem:v38+s14+$0x0], $0xffff;
	[tilespmem:v40+s25+$0x0] =	vst.idx.msk $0xffff, v41  }
0x119: {  	v56 =	vor.u32 v12, v33;
	v63 =	vor.u32 v2, v23;
	v39 =	vld.idx.msk [tilespmem:v39+s14+$0x0], $0xffff;
	[tilespmem:v59+s25+$0x0] =	vst.idx.msk $0xffff, v62  }
0x11a: {  	v61 =	vor.u32 v12, v32;
	v41 =	vld.idx.msk [tilespmem:v28+s14+$0x0], $0xffff;
	v62 =	vor.u32 v11, v34;
	[tilespmem:v54+s25+$0x0] =	vst.idx.msk $0xffff, v47  }
0x11b: {  	v33 =	vor.u32 v14, v33;
	v47 =	vor.u32 v11, v20;
	[tilespmem:v48+s25+$0x0] =	vst.idx.msk $0xffff, v51;
	v52 =	vld.idx.msk [tilespmem:v52+s14+$0x0], $0xffff  }
0x11c: {  	v54 =	vor.u32 v11, v35;
	v38 =	vld.idx.msk [tilespmem:v55+s14+$0x0], $0xffff;
	[tilespmem:v49+s25+$0x0] =	vst.idx.msk $0xffff, v44;
	v49 =	vor.u32 v12, v31  }
0x11d: {  	v57 =	vor.u32 v3, v17;
	v40 =	vor.u32 v4, v16;
	v55 =	vor.u32 v12, v36;
	v53 =	vld.idx.msk [tilespmem:v53+s14+$0x0], $0xffff  }
0x11e: {  	v59 =	vor.u32 v4, v23;
	[tilespmem:v60+s25+$0x0] =	vst.idx.msk $0xffff, v50;
	v50 =	vor.u32 v3, v25;
	v58 =	vld.idx.msk [tilespmem:v63+s14+$0x0], $0xffff  }
0x11f: {  	v31 =	vor.u32 v14, v36;
	v60 =	vor.u32 v13, v37;
	v51 =	vld.idx.msk [tilespmem:v61+s14+$0x0], $0xffff;
	[tilespmem:v62+s25+$0x0] =	vst.idx.msk $0xffff, v41  }
0x120: {  	v61 =	vor.u32 v3, v21;
	v63 =	vor.u32 v14, v32;
	[tilespmem:v47+s25+$0x0] =	vst.idx.msk $0xffff, v45;
	v36 =	vld.idx.msk [tilespmem:v56+s14+$0x0], $0xffff  }
0x121: {  	v44 =	vor.u32 v4, v18;
	v47 =	vor.u32 v3, v19;
	[tilespmem:v54+s25+$0x0] =	vst.idx.msk $0xffff, v39;
	v32 =	vld.idx.msk [tilespmem:v49+s14+$0x0], $0xffff  }
0x122: {  	v48 =	vor.u32 v4, v22;
	v41 =	vor.u32 v13, v34;
	[tilespmem:v57+s25+$0x0] =	vst.idx.msk $0xffff, v52;
	v37 =	vld.idx.msk [tilespmem:v55+s14+$0x0], $0xffff  }
0x123: {  	v43 =	vor.u32 v5, v17;
	v39 =	vor.u32 v13, v35;
	v42 =	vld.idx.msk [tilespmem:v40+s14+$0x0], $0xffff;
	[tilespmem:v50+s25+$0x0] =	vst.idx.msk $0xffff, v58  }
0x124: {  	v28 =	vor.u32 v15, v35;
	v34 =	vor.u32 v15, v34;
	[tilespmem:v60+s25+$0x0] =	vst.idx.msk $0xffff, v51;
	v46 =	vld.idx.msk [tilespmem:v59+s14+$0x0], $0xffff  }
0x125: {  	s29 =	simm.s32 $0x8;
	s28 =	sor.u32 $0x1, s23;
	v45 =	vor.u32 v6, v16;
	v49 =	vor.u32 v5, v25;
	[tilespmem:v61+s25+$0x0] =	vst.idx.msk $0xffff, v53;
	v40 =	vld.idx.msk [tilespmem:v63+s14+$0x0], $0xffff  }
.LBB2_5:
0x126: {  	p2 =	slt.u32 s29, $0x1C;
	v35 =	vor.u32 v10, v16;
	[tilespmem:v47+s25+$0x0] =	vst.idx.msk $0xffff, v38;
	v38 =	vld.idx.msk [tilespmem:v44+s14+$0x0], $0xffff;
	v20 =	vor.u32 v13, v20;
	s1 =	smov.u32 s29;
	s29 =	sadd.s32 $0x4, s29  }
0x127: {  	v47 =	vor.u32 v10, v22;
	v44 =	vld.idx.msk [tilespmem:v48+s14+$0x0], $0xffff;
	v48 =	vor.u32 v5, v21;
	[tilespmem:v41+s25+$0x0] =	vst.idx.msk $0xffff, v36  }
0x128: {  	v36 =	vor.u32 v5, v19;
	v41 =	vor.u32 v6, v18;
	v50 =	vld.idx.msk [tilespmem:v33+s14+$0x0], $0xffff;
	[tilespmem:v39+s25+$0x0] =	vst.idx.msk $0xffff, v37  }
0x129: {  	v37 =	vor.u32 v6, v22;
	v39 =	vor.u32 v10, v18;
	[tilespmem:v43+s25+$0x0] =	vst.idx.msk $0xffff, v42;
	v31 =	vld.idx.msk [tilespmem:v31+s14+$0x0], $0xffff  }
0x12a: {  	v43 =	vor.u32 v9, v19;
	v42 =	vld.idx.msk [tilespmem:v45+s14+$0x0], $0xffff;
	[tilespmem:v49+s25+$0x0] =	vst.idx.msk $0xffff, v46;
	v45 =	vor.u32 v10, v23  }
0x12b: {  	v46 =	vor.u32 v7, v17;
	v49 =	vor.u32 v8, v22;
	v30 =	vld.idx.msk [tilespmem:v30+s14+$0x0], $0xffff;
	[tilespmem:v27+s25+$0x0] =	vst.idx.msk $0xffff, v40  }
0x12c: {  	v33 =	vmov v22;
	v27 =	vor.u32 v8, v16;
	[tilespmem:v48+s25+$0x0] =	vst.idx.msk $0xffff, v38;
	v38 =	vor.u32 v7, v25  }
0x12d: {  	v40 =	vor.u32 v8, v23;
	[tilespmem:v36+s25+$0x0] =	vst.idx.msk $0xffff, v44;
	v36 =	vld.idx.msk [tilespmem:v41+s14+$0x0], $0xffff;
	v41 =	vor.u32 v9, v25  }
0x12e: {  	v48 =	vor.u32 v8, v18;
	v44 =	vor.u32 v7, v21;
	v37 =	vld.idx.msk [tilespmem:v37+s14+$0x0], $0xffff;
	[tilespmem:v34+s25+$0x0] =	vst.idx.msk $0xffff, v50  }
0x12f: {  	v51 =	vor.u32 v7, v19;
	s0 =	sadd.s32 $0x1, s1;
	s15 =	sadd.s32 $0x2, s1;
	v34 =	vadd.s32 s1, v0;
	s1 =	sadd.s32 $0x3, s1;
	v50 =	vor.u32 v9, v17;
	[tilespmem:v20+s25+$0x0] =	vst.idx.msk $0xffff, v32  }
0x130: {  	v20 =	vadd.s32 s0, v0;
	v32 =	vadd.s32 s15, v0;
	v52 =	vadd.s32 s1, v0;
	[tilespmem:v46+s25+$0x0] =	vst.idx.msk $0xffff, v42;
	v42 =	vmovc v18;
	v46 =	vmovc v16  }
0x131: {  	v55 =	vmovc v23;
	v22 =	vand.u32 $0x1F, v20;
	v18 =	vand.u32 $0x1F, v32;
	v53 =	vshll.u32 v52, $0x7;
	v54 =	vld.idx.msk [tilespmem:v27+s14+$0x0], $0xffff;
	[tilespmem:v38+s25+$0x0] =	vst.idx.msk $0xffff, v30  }
0x132: {  	v57 =	vmovc v19;
	v16 =	vand.u32 $0x1F, v34;
	v38 =	vor.u32 v1, v22;
	v56 =	vor.u32 v1, v18;
	v40 =	vld.idx.msk [tilespmem:v40+s14+$0x0], $0xffff  }
0x133: {  	v19 =	vshll.u32 v20, $0x7;
	v23 =	vand.u32 $0x1F, v52;
	v58 =	vor.u32 v1, v16;
	[tilespmem:v44+s25+$0x0] =	vst.idx.msk $0xffff, v36;
	v29 =	vld.idx.msk [tilespmem:v29+s14+$0x0], $0xffff  }
0x134: {  	v19 =	vand.u32 $0xF80, v19;
	v36 =	vor.u32 v1, v23;
	[tilespmem:v51+s25+$0x0] =	vst.idx.msk $0xffff, v37;
	v37 =	vmovc v25;
	v25 =	vand.u32 $0xF80, v53  }
0x135: {  	v30 =	vor.u32 v6, v23;
	v20 =	vmov v17;
	v44 =	vshll.u32 v34, $0x7;
	v34 =	vld.idx.msk [tilespmem:v48+s14+$0x0], $0xffff;
	[tilespmem:v28+s25+$0x0] =	vst.idx.msk $0xffff, v31  }
0x136: {  	v27 =	vmovc v24;
	v17 =	vand.u32 $0xF80, v44;
	v28 =	vshll.u32 v32, $0x7;
	v32 =	vor.u32 v9, v21;
	v31 =	vld.idx.msk [tilespmem:v49+s14+$0x0], $0xffff;
	v49 =	vmovc v21  }
0x137: {  	v44 =	vor.u32 v0, v17;
	v21 =	vand.u32 $0xF80, v28;
	v38 =	vld.idx.msk [tilespmem:v38+s14+$0x0], $0xffff;
	[tilespmem:v50+s25+$0x0] =	vst.idx.msk $0xffff, v54  }
0x138: {  	v51 =	vor.u32 v0, v25;
	v50 =	vor.u32 v0, v21;
	v48 =	vld.idx.msk [tilespmem:v58+s14+$0x0], $0xffff;
	[tilespmem:v41+s25+$0x0] =	vst.idx.msk $0xffff, v40  }
0x139: {  	v40 =	vor.u32 v2, v16;
	v41 =	vor.u32 v2, v18;
	v45 =	vld.idx.msk [tilespmem:v45+s14+$0x0], $0xffff;
	[tilespmem:v26+s25+$0x0] =	vst.idx.msk $0xffff, v29  }
0x13a: {  	v52 =	vor.u32 v0, v19;
	v24 =	vor.u32 v15, v25;
	v36 =	vld.idx.msk [tilespmem:v36+s14+$0x0], $0xffff  }
0x13b: {  	v53 =	vor.u32 v2, v22;
	v29 =	vor.u32 v14, v46;
	v54 =	vld.idx.msk [tilespmem:v56+s14+$0x0], $0xffff;
	[tilespmem:v32+s25+$0x0] =	vst.idx.msk $0xffff, v34  }
0x13c: {  	v32 =	vor.u32 v2, v23;
	[tilespmem:v43+s25+$0x0] =	vst.idx.msk $0xffff, v31;
	v34 =	vld.idx.msk [tilespmem:v39+s14+$0x0], $0xffff;
	v39 =	vor.u32 v11, v37  }
0x13d: {  	v28 =	vor.u32 v15, v49;
	v26 =	vor.u32 v15, v20;
	v43 =	vld.idx.msk [tilespmem:v47+s14+$0x0], $0xffff;
	v47 =	vor.u32 v12, v55  }
0x13e: {  	[tilespmem:v44+s25+$0x0] =	vst.idx.msk $0xffff, v48;
	v35 =	vld.idx.msk [tilespmem:v35+s14+$0x0], $0xffff;
	v44 =	vor.u32 v11, v57;
	v48 =	vor.u32 v12, v33  }
0x13f: {  	v56 =	vor.u32 v11, v49;
	v40 =	vld.idx.msk [tilespmem:v40+s14+$0x0], $0xffff;
	[tilespmem:v52+s25+$0x0] =	vst.idx.msk $0xffff, v38;
	v52 =	vor.u32 v11, v20  }
0x140: {  	v46 =	vor.u32 v12, v46;
	v38 =	vld.idx.msk [tilespmem:v53+s14+$0x0], $0xffff;
	[tilespmem:v51+s25+$0x0] =	vst.idx.msk $0xffff, v36;
	v51 =	vor.u32 v12, v42  }
0x141: {  	v31 =	vor.u32 v14, v42;
	v53 =	vor.u32 v3, v17;
	v58 =	vld.idx.msk [tilespmem:v32+s14+$0x0], $0xffff;
	[tilespmem:v39+s25+$0x0] =	vst.idx.msk $0xffff, v45  }
0x142: {  	v39 =	vor.u32 v4, v16;
	v45 =	vor.u32 v3, v25;
	[tilespmem:v50+s25+$0x0] =	vst.idx.msk $0xffff, v54;
	v50 =	vld.idx.msk [tilespmem:v47+s14+$0x0], $0xffff  }
0x143: {  	v59 =	vor.u32 v4, v23;
	v60 =	vor.u32 v13, v37;
	v54 =	vld.idx.msk [tilespmem:v41+s14+$0x0], $0xffff;
	[tilespmem:v44+s25+$0x0] =	vst.idx.msk $0xffff, v43  }
0x144: {  	v61 =	vor.u32 v3, v21;
	[tilespmem:v52+s25+$0x0] =	vst.idx.msk $0xffff, v35;
	v36 =	vld.idx.msk [tilespmem:v48+s14+$0x0], $0xffff;
	v35 =	vor.u32 v14, v55  }
.Ltmp3:
0x145: {  	v47 =	vor.u32 v3, v19;
	v44 =	vor.u32 v4, v18;
	v32 =	vld.idx.msk [tilespmem:v46+s14+$0x0], $0xffff;
	[tilespmem:v56+s25+$0x0] =	vst.idx.msk $0xffff, v34;
	(pc) =	sbr.rel @p2 .LBB2_5-.Ltmp3, $4  }
0x146: {  	v41 =	vor.u32 v13, v57;
	v48 =	vor.u32 v4, v22;
	[tilespmem:v53+s25+$0x0] =	vst.idx.msk $0xffff, v40;
	v37 =	vld.idx.msk [tilespmem:v51+s14+$0x0], $0xffff  }
0x147: {  	v33 =	vor.u32 v14, v33;
	v42 =	vld.idx.msk [tilespmem:v39+s14+$0x0], $0xffff;
	[tilespmem:v45+s25+$0x0] =	vst.idx.msk $0xffff, v58;
	v39 =	vor.u32 v13, v49  }
0x148: {  	v43 =	vor.u32 v5, v17;
	v34 =	vor.u32 v15, v57;
	v46 =	vld.idx.msk [tilespmem:v59+s14+$0x0], $0xffff;
	[tilespmem:v60+s25+$0x0] =	vst.idx.msk $0xffff, v50  }
0x149: {  	v45 =	vor.u32 v6, v16;
	v49 =	vor.u32 v5, v25;
	[tilespmem:v61+s25+$0x0] =	vst.idx.msk $0xffff, v54;
	v40 =	vld.idx.msk [tilespmem:v35+s14+$0x0], $0xffff  }
0x14a: {  	_ =	sdelay $0x3  }
0x14b: {  	[tilespmem:v47+s25+$0x0] =	vst.idx.msk $0xffff, v38;
	v44 =	vld.idx.msk [tilespmem:v44+s14+$0x0], $0xffff;
	v62 =	vor.u32 v5, v21  }
0x14c: {  	v61 =	vor.u32 v5, v19;
	v50 =	vor.u32 v6, v18;
	v35 =	vld.idx.msk [tilespmem:v48+s14+$0x0], $0xffff  }
0x14d: {  	v63 =	vor.u32 v6, v22;
	_ =	sdelay $0x1  }
0x14e: {  	[tilespmem:v49+s25+$0x0] =	vst.idx.msk $0xffff, v46  }
0x14f: {  	v52 =	vor.u32 v7, v25;
	v30 =	vld.idx.msk [tilespmem:v30+s14+$0x0], $0xffff;
	[tilespmem:v62+s25+$0x0] =	vst.idx.msk $0xffff, v44  }
0x150: {  	v53 =	vor.u32 v8, v23;
	v57 =	vor.u32 v7, v21;
	[tilespmem:v61+s25+$0x0] =	vst.idx.msk $0xffff, v35;
	v56 =	vld.idx.msk [tilespmem:v50+s14+$0x0], $0xffff  }
0x151: {  	v54 =	vor.u32 v7, v19;
	v59 =	vor.u32 v8, v18;
	[tilespmem:v43+s25+$0x0] =	vst.idx.msk $0xffff, v42;
	v38 =	vld.idx.msk [tilespmem:v63+s14+$0x0], $0xffff  }
0x152: {  	v55 =	vor.u32 v8, v22;
	v58 =	vor.u32 v7, v17;
	v45 =	vld.idx.msk [tilespmem:v45+s14+$0x0], $0xffff  }
0x153: {  	v60 =	vor.u32 v8, v16  }
0x154: {  	[tilespmem:v52+s25+$0x0] =	vst.idx.msk $0xffff, v30  }
0x155: {  	v30 =	vor.u32 v9, v25;
	v35 =	vld.idx.msk [tilespmem:v53+s14+$0x0], $0xffff;
	[tilespmem:v57+s25+$0x0] =	vst.idx.msk $0xffff, v56  }
0x156: {  	v62 =	vor.u32 v10, v23;
	v53 =	vor.u32 v9, v21;
	[tilespmem:v54+s25+$0x0] =	vst.idx.msk $0xffff, v38;
	v52 =	vld.idx.msk [tilespmem:v59+s14+$0x0], $0xffff  }
0x157: {  	v61 =	vor.u32 v9, v19;
	[tilespmem:v58+s25+$0x0] =	vst.idx.msk $0xffff, v45;
	v54 =	vor.u32 v10, v18;
	v42 =	vld.idx.msk [tilespmem:v55+s14+$0x0], $0xffff  }
0x158: {  	v63 =	vor.u32 v10, v22;
	v56 =	vld.idx.msk [tilespmem:v60+s14+$0x0], $0xffff;
	v55 =	vor.u32 v9, v17  }
0x159: {  	[tilespmem:v41+s25+$0x0] =	vst.idx.msk $0xffff, v36;
	v57 =	vor.u32 v10, v16  }
0x15a: {  	[tilespmem:v30+s25+$0x0] =	vst.idx.msk $0xffff, v35  }
0x15b: {  	v58 =	vor.u32 v11, v25;
	v30 =	vld.idx.msk [tilespmem:v62+s14+$0x0], $0xffff;
	[tilespmem:v53+s25+$0x0] =	vst.idx.msk $0xffff, v52  }
0x15c: {  	v48 =	vor.u32 v11, v21;
	v60 =	vor.u32 v12, v23;
	[tilespmem:v61+s25+$0x0] =	vst.idx.msk $0xffff, v42;
	v62 =	vld.idx.msk [tilespmem:v54+s14+$0x0], $0xffff  }
0x15d: {  	v51 =	vor.u32 v12, v18;
	v61 =	vor.u32 v11, v19;
	[tilespmem:v55+s25+$0x0] =	vst.idx.msk $0xffff, v56;
	v59 =	vld.idx.msk [tilespmem:v63+s14+$0x0], $0xffff  }
0x15e: {  	[tilespmem:v39+s25+$0x0] =	vst.idx.msk $0xffff, v37;
	v50 =	vor.u32 v11, v17;
	v63 =	vor.u32 v12, v22;
	v49 =	vld.idx.msk [tilespmem:v57+s14+$0x0], $0xffff  }
0x15f: {  	v20 =	vor.u32 v13, v20;
	[tilespmem:v27+s25+$0x0] =	vst.idx.msk $0xffff, v40;
	v27 =	vor.u32 v12, v16  }
0x160: {  	v33 =	vld.idx.msk [tilespmem:v33+s14+$0x0], $0xffff;
	[tilespmem:v58+s25+$0x0] =	vst.idx.msk $0xffff, v30  }
0x161: {  	v25 =	vor.u32 v13, v25;
	v30 =	vld.idx.msk [tilespmem:v60+s14+$0x0], $0xffff;
	[tilespmem:v48+s25+$0x0] =	vst.idx.msk $0xffff, v62  }
0x162: {  	v23 =	vor.u32 v14, v23;
	v55 =	vor.u32 v13, v21;
	[tilespmem:v61+s25+$0x0] =	vst.idx.msk $0xffff, v59;
	v54 =	vld.idx.msk [tilespmem:v51+s14+$0x0], $0xffff  }
0x163: {  	v18 =	vor.u32 v14, v18;
	v53 =	vor.u32 v13, v19;
	[tilespmem:v50+s25+$0x0] =	vst.idx.msk $0xffff, v49;
	v52 =	vld.idx.msk [tilespmem:v63+s14+$0x0], $0xffff  }
0x164: {  	[tilespmem:v20+s25+$0x0] =	vst.idx.msk $0xffff, v32;
	v56 =	vor.u32 v13, v17;
	v22 =	vor.u32 v14, v22;
	v27 =	vld.idx.msk [tilespmem:v27+s14+$0x0], $0xffff  }
0x165: {  	v31 =	vld.idx.msk [tilespmem:v31+s14+$0x0], $0xffff;
	[tilespmem:v34+s25+$0x0] =	vst.idx.msk $0xffff, v33;
	v16 =	vor.u32 v14, v16  }
0x166: {  	v20 =	vld.idx.msk [tilespmem:v29+s14+$0x0], $0xffff;
	[tilespmem:v25+s25+$0x0] =	vst.idx.msk $0xffff, v30  }
0x167: {  	v23 =	vld.idx.msk [tilespmem:v23+s14+$0x0], $0xffff;
	[tilespmem:v55+s25+$0x0] =	vst.idx.msk $0xffff, v54  }
0x168: {  	v21 =	vor.u32 v15, v21;
	[tilespmem:v53+s25+$0x0] =	vst.idx.msk $0xffff, v52;
	v18 =	vld.idx.msk [tilespmem:v18+s14+$0x0], $0xffff  }
0x169: {  	v19 =	vor.u32 v15, v19;
	[tilespmem:v56+s25+$0x0] =	vst.idx.msk $0xffff, v27;
	v22 =	vld.idx.msk [tilespmem:v22+s14+$0x0], $0xffff  }
0x16a: {  	[tilespmem:v28+s25+$0x0] =	vst.idx.msk $0xffff, v31;
	v17 =	vor.u32 v15, v17;
	v16 =	vld.idx.msk [tilespmem:v16+s14+$0x0], $0xffff  }
0x16b: {  	s0 =	sadd.s32 s5, s28;
	[tilespmem:v26+s25+$0x0] =	vst.idx.msk $0xffff, v20  }
0x16c: {  	s1 =	sshll.u32 s0, $0x9;
	s0 =	sshll.u32 s0, $0x7;
	[tilespmem:v24+s25+$0x0] =	vst.idx.msk $0xffff, v23  }
0x16d: {  	s1 =	sand.u32 $0xFFFC000, s1;
	s0 =	sand.u32 $0xE80, s0;
	[tilespmem:v21+s25+$0x0] =	vst.idx.msk $0xffff, v18  }
0x16e: {  	s0 =	sor.u32 s0, s1;
	[tilespmem:v19+s25+$0x0] =	vst.idx.msk $0xffff, v22  }
0x16f: {  	s1 =	sadd.s32 s2, s0;
	[tilespmem:v17+s25+$0x0] =	vst.idx.msk $0xffff, v16  }
0x170: {  	[hbm4b:s1+s3] =	stream.linear.scatter [tilespmem:s25], [sflag:$0x6], $0x400, $0x38;
	[tilespmem:$0xE400] =	vst v63  }
0x171: {  	s15 =	simm.s32 $0xB800;
	s1 =	sadd.s32 s0, s7  }
0x172: {  	[hbm4b:s1+s3] =	stream.linear.scatter [tilespmem:s15], [sflag:$0x6], $0x400, $0x38;
	[tilespmem:$0xE400] =	vst v63  }
0x173: {  	s1 =	sadd.s32 s0, s8;
	s15 =	simm.s32 $0xBC00  }
0x174: {  	[hbm4b:s1+s3] =	stream.linear.scatter [tilespmem:s15], [sflag:$0x6], $0x400, $0x38;
	[tilespmem:$0xE400] =	vst v63  }
0x175: {  	s0 =	sadd.s32 s0, s9;
	s15 =	simm.s32 $0xC000  }
0x176: {  	[hbm4b:s0+s3] =	stream.linear.scatter [tilespmem:s15], [sflag:$0x6], $0x400, $0x38;
	[tilespmem:$0xE400] =	vst v63  }
0x177: {  	s1 =	simm.s32 @!p1 $0x80;
	s0 =	sadd.s32 @!p1 $0x280, s26;
	s15 =	simm.s32 @!p1 $0x7400  }
0x178: {  	[tilespmem:s15], [sflag:$0x2] =	stream.indirect.gather @!p1 [hbm4b:s4+s1], $0x20, s0, s1, $0xb8;
	[tilespmem:$0xE400] =	vst v63  }
0x179: {  	_ =	swait.ge [sflag:s30], $0x1000  }
0x17a: {  	[sflag:s30] =	ssyncset.done $0x0  }
0x17b: {  	s0 =	simm.s32 @!p0 $0x7;
	[sflag:s30] =	ssyncadd.s32 $0xFFFFF000  }
0x17c: {  	_ =	swait.ge @!p0 [sflag:s0], $0x400  }
0x17d: {  	[sflag:s0] =	ssyncset.done @!p0 $0x0  }
0x17e: {  	[sflag:s0] =	ssyncadd.s32 @!p0 $0xFFFFFC00  }
0x17f: {  	_ =	swait.ge @!p0 [sflag:s0], $0x400  }
0x180: {  	s15 =	simm.s32 $0x0;
	[sflag:s0] =	ssyncset.done @!p0 $0x0  }
0x181: {  	v16 =	vadd.s32 s15, v0;
	[sflag:s0] =	ssyncadd.s32 @!p0 $0xFFFFFC00  }
0x182: {  	s15 =	simm.s32 $0x3;
	v31 =	vand.u32 $0x1F, v16;
	_ =	swait.ge @!p0 [sflag:s0], $0x400  }
0x183: {  	s1 =	simm.s32 $0x2;
	v17 =	vadd.s32 s15, v0;
	v18 =	vor.u32 v1, v31;
	[sflag:s0] =	ssyncset.done @!p0 $0x0  }
0x184: {  	v19 =	vadd.s32 s1, v0;
	s15 =	simm.s32 $0x1;
	v32 =	vand.u32 $0x1F, v17;
	[sflag:s0] =	ssyncadd.s32 @!p0 $0xFFFFFC00  }
0x185: {  	v36 =	vand.u32 $0x1F, v19;
	v22 =	vadd.s32 s15, v0;
	v21 =	vor.u32 v1, v32;
	_ =	swait.ge @!p0 [sflag:s0], $0x400  }
0x186: {  	v16 =	vshll.u32 v16, $0x7;
	v23 =	vor.u32 v1, v36;
	v33 =	vand.u32 $0x1F, v22;
	[sflag:s0] =	ssyncset.done @!p0 $0x0  }
0x187: {  	v17 =	vshll.u32 v17, $0x7;
	v20 =	vand.u32 $0xF80, v16;
	v24 =	vor.u32 v1, v33;
	[sflag:s0] =	ssyncadd.s32 @!p0 $0xFFFFFC00  }
0x188: {  	v37 =	vand.u32 $0xF80, v17;
	v16 =	vor.u32 v0, v20;
	v17 =	vld.idx.msk [tilespmem:v18+s16+$0x0], $0xffff  }
0x189: {  	v25 =	vor.u32 v2, v31;
	v18 =	vshll.u32 v19, $0x7  }
0x18a: {  	v22 =	vshll.u32 v22, $0x7;
	v19 =	vor.u32 v0, v37;
	v21 =	vld.idx.msk [tilespmem:v21+s16+$0x0], $0xffff;
	v35 =	vand.u32 $0xF80, v18  }
0x18b: {  	v34 =	vand.u32 $0xF80, v22;
	v23 =	vld.idx.msk [tilespmem:v23+s16+$0x0], $0xffff;
	v18 =	vor.u32 v2, v32;
	v22 =	vor.u32 v0, v35  }
0x18c: {  	v26 =	vor.u32 v2, v36;
	v27 =	vor.u32 v0, v34;
	v24 =	vld.idx.msk [tilespmem:v24+s16+$0x0], $0xffff  }
0x18d: {  	v28 =	vor.u32 v2, v33;
	[tilespmem:v16+s31+$0x0] =	vst.idx.msk $0xffff, v17  }
0x18e: {  	v17 =	vor.u32 v3, v20;
	v16 =	vld.idx.msk [tilespmem:v25+s16+$0x0], $0xffff  }
0x18f: {  	[tilespmem:v19+s31+$0x0] =	vst.idx.msk $0xffff, v21  }
0x190: {  	v19 =	vor.u32 v4, v31;
	v21 =	vor.u32 v3, v37;
	v18 =	vld.idx.msk [tilespmem:v18+s16+$0x0], $0xffff;
	[tilespmem:v22+s31+$0x0] =	vst.idx.msk $0xffff, v23  }
0x191: {  	[tilespmem:v27+s31+$0x0] =	vst.idx.msk $0xffff, v24;
	v24 =	vor.u32 v3, v35;
	v22 =	vor.u32 v4, v32;
	v23 =	vld.idx.msk [tilespmem:v26+s16+$0x0], $0xffff  }
0x192: {  	v25 =	vld.idx.msk [tilespmem:v28+s16+$0x0], $0xffff;
	v28 =	vor.u32 v4, v36;
	v26 =	vor.u32 v3, v34  }
0x193: {  	s1 =	simm.s32 $0x5;
	[tilespmem:v17+s31+$0x0] =	vst.idx.msk $0xffff, v16;
	v16 =	vor.u32 v4, v33  }
0x194: {  	v59 =	vadd.s32 s1, v0  }
0x195: {  	v38 =	vor.u32 v10, v31;
	[tilespmem:v21+s31+$0x0] =	vst.idx.msk $0xffff, v18;
	v18 =	vor.u32 v5, v20;
	v17 =	vld.idx.msk [tilespmem:v19+s16+$0x0], $0xffff  }
0x196: {  	v21 =	vor.u32 v6, v31;
	v19 =	vld.idx.msk [tilespmem:v22+s16+$0x0], $0xffff;
	v22 =	vor.u32 v5, v37;
	[tilespmem:v24+s31+$0x0] =	vst.idx.msk $0xffff, v23  }
0x197: {  	v29 =	vor.u32 v6, v32;
	[tilespmem:v26+s31+$0x0] =	vst.idx.msk $0xffff, v25;
	v24 =	vor.u32 v5, v35;
	v23 =	vld.idx.msk [tilespmem:v28+s16+$0x0], $0xffff  }
0x198: {  	s1 =	simm.s32 $0x6;
	v39 =	vor.u32 v10, v36;
	v25 =	vor.u32 v5, v34;
	v26 =	vor.u32 v6, v36;
	v16 =	vld.idx.msk [tilespmem:v16+s16+$0x0], $0xffff  }
0x199: {  	s15 =	simm.s32 $0x4;
	v57 =	vor.u32 v8, v36;
	v55 =	vadd.s32 s1, v0;
	v54 =	vor.u32 v9, v20  }
0x19a: {  	v62 =	vadd.s32 s15, v0;
	v61 =	vor.u32 v10, v32;
	[tilespmem:v18+s31+$0x0] =	vst.idx.msk $0xffff, v17;
	v17 =	vor.u32 v6, v33  }
0x19b: {  	v30 =	vor.u32 v7, v37;
	[tilespmem:v22+s31+$0x0] =	vst.idx.msk $0xffff, v19;
	v19 =	vor.u32 v7, v20;
	v18 =	vld.idx.msk [tilespmem:v21+s16+$0x0], $0xffff  }
0x19c: {  	v41 =	vor.u32 v8, v33;
	v21 =	vld.idx.msk [tilespmem:v29+s16+$0x0], $0xffff;
	v29 =	vor.u32 v8, v31;
	[tilespmem:v24+s31+$0x0] =	vst.idx.msk $0xffff, v23  }
0x19d: {  	v23 =	vor.u32 v8, v32;
	v24 =	vld.idx.msk [tilespmem:v26+s16+$0x0], $0xffff;
	[tilespmem:v25+s31+$0x0] =	vst.idx.msk $0xffff, v16;
	v25 =	vor.u32 v7, v35  }
0x19e: {  	v40 =	vor.u32 v9, v34;
	v58 =	vor.u32 v7, v34;
	v16 =	vand.u32 $0x1F, v62  }
0x19f: {  	v27 =	vor.u32 v15, v37;
	v28 =	vor.u32 v10, v33;
	v17 =	vld.idx.msk [tilespmem:v17+s16+$0x0], $0xffff;
	v60 =	vor.u32 v1, v16  }
0x1a0: {  	s15 =	simm.s32 $0x7;
	v22 =	vand.u32 $0x1F, v59;
	v26 =	vor.u32 v9, v37;
	v52 =	vor.u32 v2, v16;
	[tilespmem:v19+s31+$0x0] =	vst.idx.msk $0xffff, v18  }
0x1a1: {  	[tilespmem:v30+s31+$0x0] =	vst.idx.msk $0xffff, v21;
	v21 =	vor.u32 v1, v22;
	v19 =	vadd.s32 s15, v0;
	v18 =	vand.u32 $0x1F, v55;
	v29 =	vld.idx.msk [tilespmem:v29+s16+$0x0], $0xffff  }
0x1a2: {  	v56 =	vld.idx.msk [tilespmem:v23+s16+$0x0], $0xffff;
	v51 =	vor.u32 v1, v18;
	v23 =	vand.u32 $0x1F, v19;
	[tilespmem:v25+s31+$0x0] =	vst.idx.msk $0xffff, v24  }
0x1a3: {  	v53 =	vor.u32 v2, v18;
	v63 =	vor.u32 v1, v23;
	v30 =	vor.u32 v6, v23;
	v42 =	vld.idx.msk [tilespmem:v57+s16+$0x0], $0xffff  }
0x1a4: {  	[tilespmem:v58+s31+$0x0] =	vst.idx.msk $0xffff, v17;
	v17 =	vshll.u32 v62, $0x7;
	v57 =	vor.u32 v9, v35;
	v62 =	vld.idx.msk [tilespmem:v60+s16+$0x0], $0xffff  }
0x1a5: {  	v24 =	vshll.u32 v19, $0x7;
	v19 =	vshll.u32 v59, $0x7;
	v41 =	vld.idx.msk [tilespmem:v41+s16+$0x0], $0xffff;
	v17 =	vand.u32 $0xF80, v17  }
0x1a6: {  	v19 =	vand.u32 $0xF80, v19;
	v58 =	vshll.u32 v55, $0x7;
	v47 =	vld.idx.msk [tilespmem:v21+s16+$0x0], $0xffff;
	[tilespmem:v54+s31+$0x0] =	vst.idx.msk $0xffff, v29;
	v59 =	vor.u32 v0, v17  }
0x1a7: {  	v25 =	vand.u32 $0xF80, v24;
	v21 =	vand.u32 $0xF80, v58;
	[tilespmem:v26+s31+$0x0] =	vst.idx.msk $0xffff, v56;
	v54 =	vor.u32 v0, v19;
	v51 =	vld.idx.msk [tilespmem:v51+s16+$0x0], $0xffff  }
0x1a8: {  	v55 =	vor.u32 v2, v22;
	v60 =	vor.u32 v11, v37;
	v48 =	vor.u32 v0, v21;
	v50 =	vld.idx.msk [tilespmem:v61+s16+$0x0], $0xffff  }
0x1a9: {  	v49 =	vor.u32 v0, v25;
	v24 =	vor.u32 v15, v25;
	v44 =	vld.idx.msk [tilespmem:v63+s16+$0x0], $0xffff;
	[tilespmem:v57+s31+$0x0] =	vst.idx.msk $0xffff, v42  }
0x1aa: {  	v29 =	vor.u32 v14, v31;
	v26 =	vor.u32 v15, v20;
	v45 =	vld.idx.msk [tilespmem:v38+s16+$0x0], $0xffff;
	[tilespmem:v40+s31+$0x0] =	vst.idx.msk $0xffff, v41  }
0x1ab: {  	v56 =	vor.u32 v12, v33;
	v63 =	vor.u32 v2, v23;
	v39 =	vld.idx.msk [tilespmem:v39+s16+$0x0], $0xffff;
	[tilespmem:v59+s31+$0x0] =	vst.idx.msk $0xffff, v62  }
0x1ac: {  	v61 =	vor.u32 v12, v32;
	v41 =	vld.idx.msk [tilespmem:v28+s16+$0x0], $0xffff;
	v62 =	vor.u32 v11, v34;
	[tilespmem:v54+s31+$0x0] =	vst.idx.msk $0xffff, v47  }
0x1ad: {  	v33 =	vor.u32 v14, v33;
	v47 =	vor.u32 v11, v20;
	[tilespmem:v48+s31+$0x0] =	vst.idx.msk $0xffff, v51;
	v52 =	vld.idx.msk [tilespmem:v52+s16+$0x0], $0xffff  }
0x1ae: {  	v54 =	vor.u32 v11, v35;
	v38 =	vld.idx.msk [tilespmem:v55+s16+$0x0], $0xffff;
	[tilespmem:v49+s31+$0x0] =	vst.idx.msk $0xffff, v44;
	v49 =	vor.u32 v12, v31  }
0x1af: {  	v57 =	vor.u32 v3, v17;
	v40 =	vor.u32 v4, v16;
	v55 =	vor.u32 v12, v36;
	v53 =	vld.idx.msk [tilespmem:v53+s16+$0x0], $0xffff  }
0x1b0: {  	v59 =	vor.u32 v4, v23;
	[tilespmem:v60+s31+$0x0] =	vst.idx.msk $0xffff, v50;
	v50 =	vor.u32 v3, v25;
	v58 =	vld.idx.msk [tilespmem:v63+s16+$0x0], $0xffff  }
0x1b1: {  	v31 =	vor.u32 v14, v36;
	v60 =	vor.u32 v13, v37;
	v51 =	vld.idx.msk [tilespmem:v61+s16+$0x0], $0xffff;
	[tilespmem:v62+s31+$0x0] =	vst.idx.msk $0xffff, v41  }
0x1b2: {  	v61 =	vor.u32 v3, v21;
	v63 =	vor.u32 v14, v32;
	[tilespmem:v47+s31+$0x0] =	vst.idx.msk $0xffff, v45;
	v36 =	vld.idx.msk [tilespmem:v56+s16+$0x0], $0xffff  }
0x1b3: {  	v44 =	vor.u32 v4, v18;
	v47 =	vor.u32 v3, v19;
	[tilespmem:v54+s31+$0x0] =	vst.idx.msk $0xffff, v39;
	v32 =	vld.idx.msk [tilespmem:v49+s16+$0x0], $0xffff  }
0x1b4: {  	v48 =	vor.u32 v4, v22;
	v41 =	vor.u32 v13, v34;
	[tilespmem:v57+s31+$0x0] =	vst.idx.msk $0xffff, v52;
	v37 =	vld.idx.msk [tilespmem:v55+s16+$0x0], $0xffff  }
0x1b5: {  	v43 =	vor.u32 v5, v17;
	v39 =	vor.u32 v13, v35;
	v42 =	vld.idx.msk [tilespmem:v40+s16+$0x0], $0xffff;
	[tilespmem:v50+s31+$0x0] =	vst.idx.msk $0xffff, v58  }
0x1b6: {  	v28 =	vor.u32 v15, v35;
	v34 =	vor.u32 v15, v34;
	[tilespmem:v60+s31+$0x0] =	vst.idx.msk $0xffff, v51;
	v46 =	vld.idx.msk [tilespmem:v59+s16+$0x0], $0xffff  }
0x1b7: {  	s28 =	sor.u32 $0x2, s23;
	s29 =	simm.s32 $0x8;
	v45 =	vor.u32 v6, v16;
	v49 =	vor.u32 v5, v25;
	[tilespmem:v61+s31+$0x0] =	vst.idx.msk $0xffff, v53;
	v40 =	vld.idx.msk [tilespmem:v63+s16+$0x0], $0xffff  }
.LBB2_7:
0x1b8: {  	p2 =	slt.u32 s29, $0x1C;
	v35 =	vor.u32 v10, v16;
	[tilespmem:v47+s31+$0x0] =	vst.idx.msk $0xffff, v38;
	v38 =	vld.idx.msk [tilespmem:v44+s16+$0x0], $0xffff;
	v20 =	vor.u32 v13, v20;
	s0 =	smov.u32 s29;
	s29 =	sadd.s32 $0x4, s29  }
0x1b9: {  	v47 =	vor.u32 v10, v22;
	v44 =	vld.idx.msk [tilespmem:v48+s16+$0x0], $0xffff;
	v48 =	vor.u32 v5, v21;
	[tilespmem:v41+s31+$0x0] =	vst.idx.msk $0xffff, v36  }
0x1ba: {  	v36 =	vor.u32 v5, v19;
	v41 =	vor.u32 v6, v18;
	v50 =	vld.idx.msk [tilespmem:v33+s16+$0x0], $0xffff;
	[tilespmem:v39+s31+$0x0] =	vst.idx.msk $0xffff, v37  }
0x1bb: {  	v37 =	vor.u32 v6, v22;
	v39 =	vor.u32 v10, v18;
	[tilespmem:v43+s31+$0x0] =	vst.idx.msk $0xffff, v42;
	v31 =	vld.idx.msk [tilespmem:v31+s16+$0x0], $0xffff  }
0x1bc: {  	v43 =	vor.u32 v9, v19;
	v42 =	vld.idx.msk [tilespmem:v45+s16+$0x0], $0xffff;
	[tilespmem:v49+s31+$0x0] =	vst.idx.msk $0xffff, v46;
	v45 =	vor.u32 v10, v23  }
0x1bd: {  	v46 =	vor.u32 v7, v17;
	v49 =	vor.u32 v8, v22;
	v30 =	vld.idx.msk [tilespmem:v30+s16+$0x0], $0xffff;
	[tilespmem:v27+s31+$0x0] =	vst.idx.msk $0xffff, v40  }
0x1be: {  	v33 =	vmov v22;
	v27 =	vor.u32 v8, v16;
	[tilespmem:v48+s31+$0x0] =	vst.idx.msk $0xffff, v38;
	v38 =	vor.u32 v7, v25  }
0x1bf: {  	v40 =	vor.u32 v8, v23;
	[tilespmem:v36+s31+$0x0] =	vst.idx.msk $0xffff, v44;
	v36 =	vld.idx.msk [tilespmem:v41+s16+$0x0], $0xffff;
	v41 =	vor.u32 v9, v25  }
0x1c0: {  	v48 =	vor.u32 v8, v18;
	v44 =	vor.u32 v7, v21;
	v37 =	vld.idx.msk [tilespmem:v37+s16+$0x0], $0xffff;
	[tilespmem:v34+s31+$0x0] =	vst.idx.msk $0xffff, v50  }
0x1c1: {  	v51 =	vor.u32 v7, v19;
	s1 =	sadd.s32 $0x1, s0;
	s15 =	sadd.s32 $0x2, s0;
	v34 =	vadd.s32 s0, v0;
	s0 =	sadd.s32 $0x3, s0;
	v50 =	vor.u32 v9, v17;
	[tilespmem:v20+s31+$0x0] =	vst.idx.msk $0xffff, v32  }
0x1c2: {  	v20 =	vadd.s32 s1, v0;
	v32 =	vadd.s32 s15, v0;
	v52 =	vadd.s32 s0, v0;
	[tilespmem:v46+s31+$0x0] =	vst.idx.msk $0xffff, v42;
	v42 =	vmovc v18;
	v46 =	vmovc v16  }
0x1c3: {  	v55 =	vmovc v23;
	v22 =	vand.u32 $0x1F, v20;
	v18 =	vand.u32 $0x1F, v32;
	v53 =	vshll.u32 v52, $0x7;
	v54 =	vld.idx.msk [tilespmem:v27+s16+$0x0], $0xffff;
	[tilespmem:v38+s31+$0x0] =	vst.idx.msk $0xffff, v30  }
0x1c4: {  	v57 =	vmovc v19;
	v16 =	vand.u32 $0x1F, v34;
	v38 =	vor.u32 v1, v22;
	v56 =	vor.u32 v1, v18;
	v40 =	vld.idx.msk [tilespmem:v40+s16+$0x0], $0xffff  }
0x1c5: {  	v19 =	vshll.u32 v20, $0x7;
	v23 =	vand.u32 $0x1F, v52;
	v58 =	vor.u32 v1, v16;
	[tilespmem:v44+s31+$0x0] =	vst.idx.msk $0xffff, v36;
	v29 =	vld.idx.msk [tilespmem:v29+s16+$0x0], $0xffff  }
0x1c6: {  	v19 =	vand.u32 $0xF80, v19;
	v36 =	vor.u32 v1, v23;
	[tilespmem:v51+s31+$0x0] =	vst.idx.msk $0xffff, v37;
	v37 =	vmovc v25;
	v25 =	vand.u32 $0xF80, v53  }
0x1c7: {  	v30 =	vor.u32 v6, v23;
	v20 =	vmov v17;
	v44 =	vshll.u32 v34, $0x7;
	v34 =	vld.idx.msk [tilespmem:v48+s16+$0x0], $0xffff;
	[tilespmem:v28+s31+$0x0] =	vst.idx.msk $0xffff, v31  }
0x1c8: {  	v27 =	vmovc v24;
	v17 =	vand.u32 $0xF80, v44;
	v28 =	vshll.u32 v32, $0x7;
	v32 =	vor.u32 v9, v21;
	v31 =	vld.idx.msk [tilespmem:v49+s16+$0x0], $0xffff;
	v49 =	vmovc v21  }
0x1c9: {  	v44 =	vor.u32 v0, v17;
	v21 =	vand.u32 $0xF80, v28;
	v38 =	vld.idx.msk [tilespmem:v38+s16+$0x0], $0xffff;
	[tilespmem:v50+s31+$0x0] =	vst.idx.msk $0xffff, v54  }
0x1ca: {  	v51 =	vor.u32 v0, v25;
	v50 =	vor.u32 v0, v21;
	v48 =	vld.idx.msk [tilespmem:v58+s16+$0x0], $0xffff;
	[tilespmem:v41+s31+$0x0] =	vst.idx.msk $0xffff, v40  }
0x1cb: {  	v40 =	vor.u32 v2, v16;
	v41 =	vor.u32 v2, v18;
	v45 =	vld.idx.msk [tilespmem:v45+s16+$0x0], $0xffff;
	[tilespmem:v26+s31+$0x0] =	vst.idx.msk $0xffff, v29  }
0x1cc: {  	v52 =	vor.u32 v0, v19;
	v24 =	vor.u32 v15, v25;
	v36 =	vld.idx.msk [tilespmem:v36+s16+$0x0], $0xffff  }
0x1cd: {  	v53 =	vor.u32 v2, v22;
	v29 =	vor.u32 v14, v46;
	v54 =	vld.idx.msk [tilespmem:v56+s16+$0x0], $0xffff;
	[tilespmem:v32+s31+$0x0] =	vst.idx.msk $0xffff, v34  }
0x1ce: {  	v32 =	vor.u32 v2, v23;
	[tilespmem:v43+s31+$0x0] =	vst.idx.msk $0xffff, v31;
	v34 =	vld.idx.msk [tilespmem:v39+s16+$0x0], $0xffff;
	v39 =	vor.u32 v11, v37  }
0x1cf: {  	v28 =	vor.u32 v15, v49;
	v26 =	vor.u32 v15, v20;
	v43 =	vld.idx.msk [tilespmem:v47+s16+$0x0], $0xffff;
	v47 =	vor.u32 v12, v55  }
0x1d0: {  	[tilespmem:v44+s31+$0x0] =	vst.idx.msk $0xffff, v48;
	v35 =	vld.idx.msk [tilespmem:v35+s16+$0x0], $0xffff;
	v44 =	vor.u32 v11, v57;
	v48 =	vor.u32 v12, v33  }
0x1d1: {  	v56 =	vor.u32 v11, v49;
	v40 =	vld.idx.msk [tilespmem:v40+s16+$0x0], $0xffff;
	[tilespmem:v52+s31+$0x0] =	vst.idx.msk $0xffff, v38;
	v52 =	vor.u32 v11, v20  }
0x1d2: {  	v46 =	vor.u32 v12, v46;
	v38 =	vld.idx.msk [tilespmem:v53+s16+$0x0], $0xffff;
	[tilespmem:v51+s31+$0x0] =	vst.idx.msk $0xffff, v36;
	v51 =	vor.u32 v12, v42  }
0x1d3: {  	v31 =	vor.u32 v14, v42;
	v53 =	vor.u32 v3, v17;
	v58 =	vld.idx.msk [tilespmem:v32+s16+$0x0], $0xffff;
	[tilespmem:v39+s31+$0x0] =	vst.idx.msk $0xffff, v45  }
0x1d4: {  	v39 =	vor.u32 v4, v16;
	v45 =	vor.u32 v3, v25;
	[tilespmem:v50+s31+$0x0] =	vst.idx.msk $0xffff, v54;
	v50 =	vld.idx.msk [tilespmem:v47+s16+$0x0], $0xffff  }
0x1d5: {  	v59 =	vor.u32 v4, v23;
	v60 =	vor.u32 v13, v37;
	v54 =	vld.idx.msk [tilespmem:v41+s16+$0x0], $0xffff;
	[tilespmem:v44+s31+$0x0] =	vst.idx.msk $0xffff, v43  }
0x1d6: {  	v61 =	vor.u32 v3, v21;
	[tilespmem:v52+s31+$0x0] =	vst.idx.msk $0xffff, v35;
	v36 =	vld.idx.msk [tilespmem:v48+s16+$0x0], $0xffff;
	v35 =	vor.u32 v14, v55  }
.Ltmp4:
0x1d7: {  	v47 =	vor.u32 v3, v19;
	v44 =	vor.u32 v4, v18;
	v32 =	vld.idx.msk [tilespmem:v46+s16+$0x0], $0xffff;
	[tilespmem:v56+s31+$0x0] =	vst.idx.msk $0xffff, v34;
	(pc) =	sbr.rel @p2 .LBB2_7-.Ltmp4, $4  }
0x1d8: {  	v41 =	vor.u32 v13, v57;
	v48 =	vor.u32 v4, v22;
	[tilespmem:v53+s31+$0x0] =	vst.idx.msk $0xffff, v40;
	v37 =	vld.idx.msk [tilespmem:v51+s16+$0x0], $0xffff  }
0x1d9: {  	v33 =	vor.u32 v14, v33;
	v42 =	vld.idx.msk [tilespmem:v39+s16+$0x0], $0xffff;
	[tilespmem:v45+s31+$0x0] =	vst.idx.msk $0xffff, v58;
	v39 =	vor.u32 v13, v49  }
0x1da: {  	v43 =	vor.u32 v5, v17;
	v34 =	vor.u32 v15, v57;
	v46 =	vld.idx.msk [tilespmem:v59+s16+$0x0], $0xffff;
	[tilespmem:v60+s31+$0x0] =	vst.idx.msk $0xffff, v50  }
0x1db: {  	v45 =	vor.u32 v6, v16;
	v49 =	vor.u32 v5, v25;
	[tilespmem:v61+s31+$0x0] =	vst.idx.msk $0xffff, v54;
	v40 =	vld.idx.msk [tilespmem:v35+s16+$0x0], $0xffff  }
0x1dc: {  	_ =	sdelay $0x3  }
0x1dd: {  	[tilespmem:v47+s31+$0x0] =	vst.idx.msk $0xffff, v38;
	v44 =	vld.idx.msk [tilespmem:v44+s16+$0x0], $0xffff;
	v62 =	vor.u32 v5, v21  }
0x1de: {  	v61 =	vor.u32 v5, v19;
	v50 =	vor.u32 v6, v18;
	v35 =	vld.idx.msk [tilespmem:v48+s16+$0x0], $0xffff  }
0x1df: {  	v63 =	vor.u32 v6, v22;
	_ =	sdelay $0x1  }
0x1e0: {  	[tilespmem:v49+s31+$0x0] =	vst.idx.msk $0xffff, v46  }
0x1e1: {  	v52 =	vor.u32 v7, v25;
	v30 =	vld.idx.msk [tilespmem:v30+s16+$0x0], $0xffff;
	[tilespmem:v62+s31+$0x0] =	vst.idx.msk $0xffff, v44  }
0x1e2: {  	v53 =	vor.u32 v8, v23;
	v57 =	vor.u32 v7, v21;
	[tilespmem:v61+s31+$0x0] =	vst.idx.msk $0xffff, v35;
	v56 =	vld.idx.msk [tilespmem:v50+s16+$0x0], $0xffff  }
0x1e3: {  	v54 =	vor.u32 v7, v19;
	v59 =	vor.u32 v8, v18;
	[tilespmem:v43+s31+$0x0] =	vst.idx.msk $0xffff, v42;
	v38 =	vld.idx.msk [tilespmem:v63+s16+$0x0], $0xffff  }
0x1e4: {  	v55 =	vor.u32 v8, v22;
	v58 =	vor.u32 v7, v17;
	v45 =	vld.idx.msk [tilespmem:v45+s16+$0x0], $0xffff  }
0x1e5: {  	v60 =	vor.u32 v8, v16  }
0x1e6: {  	[tilespmem:v52+s31+$0x0] =	vst.idx.msk $0xffff, v30  }
0x1e7: {  	v30 =	vor.u32 v9, v25;
	v35 =	vld.idx.msk [tilespmem:v53+s16+$0x0], $0xffff;
	[tilespmem:v57+s31+$0x0] =	vst.idx.msk $0xffff, v56  }
0x1e8: {  	v62 =	vor.u32 v10, v23;
	v53 =	vor.u32 v9, v21;
	[tilespmem:v54+s31+$0x0] =	vst.idx.msk $0xffff, v38;
	v52 =	vld.idx.msk [tilespmem:v59+s16+$0x0], $0xffff  }
0x1e9: {  	v61 =	vor.u32 v9, v19;
	[tilespmem:v58+s31+$0x0] =	vst.idx.msk $0xffff, v45;
	v54 =	vor.u32 v10, v18;
	v42 =	vld.idx.msk [tilespmem:v55+s16+$0x0], $0xffff  }
0x1ea: {  	v63 =	vor.u32 v10, v22;
	v56 =	vld.idx.msk [tilespmem:v60+s16+$0x0], $0xffff;
	v55 =	vor.u32 v9, v17  }
0x1eb: {  	[tilespmem:v41+s31+$0x0] =	vst.idx.msk $0xffff, v36;
	v57 =	vor.u32 v10, v16  }
0x1ec: {  	[tilespmem:v30+s31+$0x0] =	vst.idx.msk $0xffff, v35  }
0x1ed: {  	v58 =	vor.u32 v11, v25;
	v30 =	vld.idx.msk [tilespmem:v62+s16+$0x0], $0xffff;
	[tilespmem:v53+s31+$0x0] =	vst.idx.msk $0xffff, v52  }
0x1ee: {  	v48 =	vor.u32 v11, v21;
	v60 =	vor.u32 v12, v23;
	[tilespmem:v61+s31+$0x0] =	vst.idx.msk $0xffff, v42;
	v62 =	vld.idx.msk [tilespmem:v54+s16+$0x0], $0xffff  }
0x1ef: {  	v51 =	vor.u32 v12, v18;
	v61 =	vor.u32 v11, v19;
	[tilespmem:v55+s31+$0x0] =	vst.idx.msk $0xffff, v56;
	v59 =	vld.idx.msk [tilespmem:v63+s16+$0x0], $0xffff  }
0x1f0: {  	[tilespmem:v39+s31+$0x0] =	vst.idx.msk $0xffff, v37;
	v50 =	vor.u32 v11, v17;
	v63 =	vor.u32 v12, v22;
	v49 =	vld.idx.msk [tilespmem:v57+s16+$0x0], $0xffff  }
0x1f1: {  	v20 =	vor.u32 v13, v20;
	[tilespmem:v27+s31+$0x0] =	vst.idx.msk $0xffff, v40;
	v27 =	vor.u32 v12, v16  }
0x1f2: {  	v33 =	vld.idx.msk [tilespmem:v33+s16+$0x0], $0xffff;
	[tilespmem:v58+s31+$0x0] =	vst.idx.msk $0xffff, v30  }
0x1f3: {  	v25 =	vor.u32 v13, v25;
	v30 =	vld.idx.msk [tilespmem:v60+s16+$0x0], $0xffff;
	[tilespmem:v48+s31+$0x0] =	vst.idx.msk $0xffff, v62  }
0x1f4: {  	v23 =	vor.u32 v14, v23;
	v55 =	vor.u32 v13, v21;
	[tilespmem:v61+s31+$0x0] =	vst.idx.msk $0xffff, v59;
	v54 =	vld.idx.msk [tilespmem:v51+s16+$0x0], $0xffff  }
0x1f5: {  	v18 =	vor.u32 v14, v18;
	v53 =	vor.u32 v13, v19;
	[tilespmem:v50+s31+$0x0] =	vst.idx.msk $0xffff, v49;
	v52 =	vld.idx.msk [tilespmem:v63+s16+$0x0], $0xffff  }
0x1f6: {  	[tilespmem:v20+s31+$0x0] =	vst.idx.msk $0xffff, v32;
	v56 =	vor.u32 v13, v17;
	v22 =	vor.u32 v14, v22;
	v27 =	vld.idx.msk [tilespmem:v27+s16+$0x0], $0xffff  }
0x1f7: {  	v31 =	vld.idx.msk [tilespmem:v31+s16+$0x0], $0xffff;
	[tilespmem:v34+s31+$0x0] =	vst.idx.msk $0xffff, v33;
	v16 =	vor.u32 v14, v16  }
0x1f8: {  	v20 =	vld.idx.msk [tilespmem:v29+s16+$0x0], $0xffff;
	[tilespmem:v25+s31+$0x0] =	vst.idx.msk $0xffff, v30  }
0x1f9: {  	v23 =	vld.idx.msk [tilespmem:v23+s16+$0x0], $0xffff;
	[tilespmem:v55+s31+$0x0] =	vst.idx.msk $0xffff, v54  }
0x1fa: {  	v21 =	vor.u32 v15, v21;
	[tilespmem:v53+s31+$0x0] =	vst.idx.msk $0xffff, v52;
	v18 =	vld.idx.msk [tilespmem:v18+s16+$0x0], $0xffff  }
0x1fb: {  	v19 =	vor.u32 v15, v19;
	[tilespmem:v56+s31+$0x0] =	vst.idx.msk $0xffff, v27;
	v22 =	vld.idx.msk [tilespmem:v22+s16+$0x0], $0xffff  }
0x1fc: {  	[tilespmem:v28+s31+$0x0] =	vst.idx.msk $0xffff, v31;
	v17 =	vor.u32 v15, v17;
	v16 =	vld.idx.msk [tilespmem:v16+s16+$0x0], $0xffff  }
0x1fd: {  	s0 =	sadd.s32 s5, s28;
	[tilespmem:v26+s31+$0x0] =	vst.idx.msk $0xffff, v20  }
0x1fe: {  	s1 =	sshll.u32 s0, $0x9;
	s0 =	sshll.u32 s0, $0x7;
	[tilespmem:v24+s31+$0x0] =	vst.idx.msk $0xffff, v23  }
0x1ff: {  	s1 =	sand.u32 $0xFFFC000, s1;
	s0 =	sand.u32 $0xF00, s0;
	[tilespmem:v21+s31+$0x0] =	vst.idx.msk $0xffff, v18  }
0x200: {  	s0 =	sor.u32 s0, s1;
	[tilespmem:v19+s31+$0x0] =	vst.idx.msk $0xffff, v22  }
0x201: {  	s1 =	sadd.s32 s2, s0;
	[tilespmem:v17+s31+$0x0] =	vst.idx.msk $0xffff, v16  }
0x202: {  	[hbm4b:s1+s3] =	stream.linear.scatter [tilespmem:s31], [sflag:$0x7], $0x400, $0x38;
	[tilespmem:$0xE400] =	vst v63  }
0x203: {  	s15 =	simm.s32 $0xC800;
	s29 =	sadd.s32 s0, s7  }
0x204: {  	[hbm4b:s29+s3] =	stream.linear.scatter [tilespmem:s15], [sflag:$0x7], $0x400, $0x38;
	[tilespmem:$0xE400] =	vst v63  }
0x205: {  	s28 =	simm.s32 $0xCC00;
	s15 =	sadd.s32 s0, s8  }
0x206: {  	[hbm4b:s15+s3] =	stream.linear.scatter [tilespmem:s28], [sflag:$0x7], $0x400, $0x38;
	[tilespmem:$0xE400] =	vst v63  }
0x207: {  	s0 =	sadd.s32 s0, s9;
	s29 =	simm.s32 $0xD000  }
0x208: {  	[hbm4b:s0+s3] =	stream.linear.scatter [tilespmem:s29], [sflag:$0x7], $0x400, $0x38;
	[tilespmem:$0xE400] =	vst v63  }
0x209: {  	s1 =	simm.s32 @!p1 $0x80;
	s15 =	simm.s32 @!p1 $0x8400;
	s0 =	sadd.s32 @!p1 $0x300, s26  }
0x20a: {  	[tilespmem:s15], [sflag:$0x3] =	stream.indirect.gather @!p1 [hbm4b:s4+s1], $0x20, s0, s1, $0xb8;
	[tilespmem:$0xE400] =	vst v63  }
0x20b: {  	_ =	swait.ge [sflag:s17], $0x1000  }
0x20c: {  	[sflag:s17] =	ssyncset.done $0x0  }
0x20d: {  	s0 =	simm.s32 @!p0 $0x8;
	[sflag:s17] =	ssyncadd.s32 $0xFFFFF000  }
0x20e: {  	_ =	swait.ge @!p0 [sflag:s0], $0x400  }
0x20f: {  	[sflag:s0] =	ssyncset.done @!p0 $0x0  }
0x210: {  	[sflag:s0] =	ssyncadd.s32 @!p0 $0xFFFFFC00  }
0x211: {  	_ =	swait.ge @!p0 [sflag:s0], $0x400  }
0x212: {  	s15 =	simm.s32 $0x0;
	[sflag:s0] =	ssyncset.done @!p0 $0x0  }
0x213: {  	v16 =	vadd.s32 s15, v0;
	[sflag:s0] =	ssyncadd.s32 @!p0 $0xFFFFFC00  }
0x214: {  	s26 =	simm.s32 $0x3;
	v31 =	vand.u32 $0x1F, v16;
	_ =	swait.ge @!p0 [sflag:s0], $0x400  }
0x215: {  	s28 =	simm.s32 $0x2;
	v17 =	vadd.s32 s26, v0;
	v18 =	vor.u32 v1, v31;
	[sflag:s0] =	ssyncset.done @!p0 $0x0  }
0x216: {  	v19 =	vadd.s32 s28, v0;
	s29 =	simm.s32 $0x1;
	v32 =	vand.u32 $0x1F, v17;
	[sflag:s0] =	ssyncadd.s32 @!p0 $0xFFFFFC00  }
0x217: {  	v36 =	vand.u32 $0x1F, v19;
	v22 =	vadd.s32 s29, v0;
	v21 =	vor.u32 v1, v32;
	_ =	swait.ge @!p0 [sflag:s0], $0x400  }
0x218: {  	v23 =	vor.u32 v1, v36;
	v33 =	vand.u32 $0x1F, v22;
	v16 =	vshll.u32 v16, $0x7;
	[sflag:s0] =	ssyncset.done @!p0 $0x0  }
0x219: {  	v17 =	vshll.u32 v17, $0x7;
	v24 =	vor.u32 v1, v33;
	v20 =	vand.u32 $0xF80, v16;
	[sflag:s0] =	ssyncadd.s32 @!p0 $0xFFFFFC00  }
0x21a: {  	v37 =	vand.u32 $0xF80, v17;
	v16 =	vor.u32 v0, v20;
	v17 =	vld.idx.msk [tilespmem:v18+s18+$0x0], $0xffff  }
0x21b: {  	v25 =	vor.u32 v2, v31;
	v18 =	vshll.u32 v19, $0x7  }
0x21c: {  	v22 =	vshll.u32 v22, $0x7;
	v19 =	vor.u32 v0, v37;
	v21 =	vld.idx.msk [tilespmem:v21+s18+$0x0], $0xffff;
	v35 =	vand.u32 $0xF80, v18  }
0x21d: {  	v34 =	vand.u32 $0xF80, v22;
	v23 =	vld.idx.msk [tilespmem:v23+s18+$0x0], $0xffff;
	v18 =	vor.u32 v2, v32;
	v22 =	vor.u32 v0, v35  }
0x21e: {  	v26 =	vor.u32 v2, v36;
	v27 =	vor.u32 v0, v34;
	v24 =	vld.idx.msk [tilespmem:v24+s18+$0x0], $0xffff  }
0x21f: {  	v28 =	vor.u32 v2, v33;
	[tilespmem:v16+s6+$0x0] =	vst.idx.msk $0xffff, v17  }
0x220: {  	v17 =	vor.u32 v3, v20;
	v16 =	vld.idx.msk [tilespmem:v25+s18+$0x0], $0xffff  }
0x221: {  	[tilespmem:v19+s6+$0x0] =	vst.idx.msk $0xffff, v21  }
0x222: {  	v19 =	vor.u32 v4, v31;
	v21 =	vor.u32 v3, v37;
	v18 =	vld.idx.msk [tilespmem:v18+s18+$0x0], $0xffff;
	[tilespmem:v22+s6+$0x0] =	vst.idx.msk $0xffff, v23  }
0x223: {  	[tilespmem:v27+s6+$0x0] =	vst.idx.msk $0xffff, v24;
	v24 =	vor.u32 v3, v35;
	v22 =	vor.u32 v4, v32;
	v23 =	vld.idx.msk [tilespmem:v26+s18+$0x0], $0xffff  }
0x224: {  	v25 =	vld.idx.msk [tilespmem:v28+s18+$0x0], $0xffff;
	v28 =	vor.u32 v4, v36;
	v26 =	vor.u32 v3, v34  }
0x225: {  	[tilespmem:v17+s6+$0x0] =	vst.idx.msk $0xffff, v16;
	v16 =	vor.u32 v4, v33;
	_ =	sdelay $0x1  }
0x226: {  	v39 =	vor.u32 v10, v36;
	[tilespmem:v21+s6+$0x0] =	vst.idx.msk $0xffff, v18;
	v18 =	vor.u32 v5, v20;
	v17 =	vld.idx.msk [tilespmem:v19+s18+$0x0], $0xffff  }
0x227: {  	v21 =	vor.u32 v6, v31;
	v19 =	vld.idx.msk [tilespmem:v22+s18+$0x0], $0xffff;
	v22 =	vor.u32 v5, v37;
	[tilespmem:v24+s6+$0x0] =	vst.idx.msk $0xffff, v23  }
0x228: {  	v29 =	vor.u32 v6, v32;
	[tilespmem:v26+s6+$0x0] =	vst.idx.msk $0xffff, v25;
	v24 =	vor.u32 v5, v35;
	v23 =	vld.idx.msk [tilespmem:v28+s18+$0x0], $0xffff  }
0x229: {  	v57 =	vor.u32 v8, v36;
	v25 =	vor.u32 v5, v34;
	v26 =	vor.u32 v6, v36;
	v16 =	vld.idx.msk [tilespmem:v16+s18+$0x0], $0xffff  }
0x22a: {  	s28 =	simm.s32 $0x6;
	v41 =	vor.u32 v8, v33;
	v61 =	vor.u32 v10, v32;
	v40 =	vor.u32 v9, v34  }
0x22b: {  	v55 =	vadd.s32 s28, v0;
	v30 =	vor.u32 v7, v37;
	[tilespmem:v18+s6+$0x0] =	vst.idx.msk $0xffff, v17;
	v17 =	vor.u32 v6, v33  }
0x22c: {  	s26 =	simm.s32 $0x4;
	s15 =	simm.s32 $0x5;
	v58 =	vor.u32 v7, v34;
	[tilespmem:v22+s6+$0x0] =	vst.idx.msk $0xffff, v19;
	v19 =	vor.u32 v7, v20;
	v18 =	vld.idx.msk [tilespmem:v21+s18+$0x0], $0xffff  }
0x22d: {  	v62 =	vadd.s32 s26, v0;
	v59 =	vadd.s32 s15, v0;
	v21 =	vld.idx.msk [tilespmem:v29+s18+$0x0], $0xffff;
	v29 =	vor.u32 v8, v31;
	[tilespmem:v24+s6+$0x0] =	vst.idx.msk $0xffff, v23  }
0x22e: {  	v23 =	vor.u32 v8, v32;
	v24 =	vld.idx.msk [tilespmem:v26+s18+$0x0], $0xffff;
	[tilespmem:v25+s6+$0x0] =	vst.idx.msk $0xffff, v16;
	v25 =	vor.u32 v7, v35  }
0x22f: {  	v38 =	vor.u32 v10, v31;
	v54 =	vor.u32 v9, v20;
	v16 =	vand.u32 $0x1F, v62  }
0x230: {  	v27 =	vor.u32 v15, v37;
	v28 =	vor.u32 v10, v33;
	v17 =	vld.idx.msk [tilespmem:v17+s18+$0x0], $0xffff;
	v60 =	vor.u32 v1, v16  }
0x231: {  	s29 =	simm.s32 $0x7;
	v22 =	vand.u32 $0x1F, v59;
	v26 =	vor.u32 v9, v37;
	v52 =	vor.u32 v2, v16;
	[tilespmem:v19+s6+$0x0] =	vst.idx.msk $0xffff, v18  }
0x232: {  	[tilespmem:v30+s6+$0x0] =	vst.idx.msk $0xffff, v21;
	v21 =	vor.u32 v1, v22;
	v19 =	vadd.s32 s29, v0;
	v18 =	vand.u32 $0x1F, v55;
	v29 =	vld.idx.msk [tilespmem:v29+s18+$0x0], $0xffff  }
0x233: {  	v56 =	vld.idx.msk [tilespmem:v23+s18+$0x0], $0xffff;
	v51 =	vor.u32 v1, v18;
	v23 =	vand.u32 $0x1F, v19;
	[tilespmem:v25+s6+$0x0] =	vst.idx.msk $0xffff, v24  }
0x234: {  	v53 =	vor.u32 v2, v18;
	v63 =	vor.u32 v1, v23;
	v30 =	vor.u32 v6, v23;
	v42 =	vld.idx.msk [tilespmem:v57+s18+$0x0], $0xffff  }
0x235: {  	[tilespmem:v58+s6+$0x0] =	vst.idx.msk $0xffff, v17;
	v17 =	vshll.u32 v62, $0x7;
	v57 =	vor.u32 v9, v35;
	v62 =	vld.idx.msk [tilespmem:v60+s18+$0x0], $0xffff  }
0x236: {  	v24 =	vshll.u32 v19, $0x7;
	v19 =	vshll.u32 v59, $0x7;
	v41 =	vld.idx.msk [tilespmem:v41+s18+$0x0], $0xffff;
	v17 =	vand.u32 $0xF80, v17  }
0x237: {  	v19 =	vand.u32 $0xF80, v19;
	v58 =	vshll.u32 v55, $0x7;
	v47 =	vld.idx.msk [tilespmem:v21+s18+$0x0], $0xffff;
	[tilespmem:v54+s6+$0x0] =	vst.idx.msk $0xffff, v29;
	v59 =	vor.u32 v0, v17  }
0x238: {  	v25 =	vand.u32 $0xF80, v24;
	v21 =	vand.u32 $0xF80, v58;
	[tilespmem:v26+s6+$0x0] =	vst.idx.msk $0xffff, v56;
	v54 =	vor.u32 v0, v19;
	v51 =	vld.idx.msk [tilespmem:v51+s18+$0x0], $0xffff  }
0x239: {  	v55 =	vor.u32 v2, v22;
	v60 =	vor.u32 v11, v37;
	v48 =	vor.u32 v0, v21;
	v50 =	vld.idx.msk [tilespmem:v61+s18+$0x0], $0xffff  }
0x23a: {  	v49 =	vor.u32 v0, v25;
	v24 =	vor.u32 v15, v25;
	v44 =	vld.idx.msk [tilespmem:v63+s18+$0x0], $0xffff;
	[tilespmem:v57+s6+$0x0] =	vst.idx.msk $0xffff, v42  }
0x23b: {  	v29 =	vor.u32 v14, v31;
	v26 =	vor.u32 v15, v20;
	v45 =	vld.idx.msk [tilespmem:v38+s18+$0x0], $0xffff;
	[tilespmem:v40+s6+$0x0] =	vst.idx.msk $0xffff, v41  }
0x23c: {  	v56 =	vor.u32 v12, v33;
	v63 =	vor.u32 v2, v23;
	v39 =	vld.idx.msk [tilespmem:v39+s18+$0x0], $0xffff;
	[tilespmem:v59+s6+$0x0] =	vst.idx.msk $0xffff, v62  }
0x23d: {  	v61 =	vor.u32 v12, v32;
	v41 =	vld.idx.msk [tilespmem:v28+s18+$0x0], $0xffff;
	v62 =	vor.u32 v11, v34;
	[tilespmem:v54+s6+$0x0] =	vst.idx.msk $0xffff, v47  }
0x23e: {  	v33 =	vor.u32 v14, v33;
	v47 =	vor.u32 v11, v20;
	[tilespmem:v48+s6+$0x0] =	vst.idx.msk $0xffff, v51;
	v52 =	vld.idx.msk [tilespmem:v52+s18+$0x0], $0xffff  }
0x23f: {  	v54 =	vor.u32 v11, v35;
	v38 =	vld.idx.msk [tilespmem:v55+s18+$0x0], $0xffff;
	[tilespmem:v49+s6+$0x0] =	vst.idx.msk $0xffff, v44;
	v49 =	vor.u32 v12, v31  }
0x240: {  	v57 =	vor.u32 v3, v17;
	v40 =	vor.u32 v4, v16;
	v55 =	vor.u32 v12, v36;
	v53 =	vld.idx.msk [tilespmem:v53+s18+$0x0], $0xffff  }
0x241: {  	v59 =	vor.u32 v4, v23;
	[tilespmem:v60+s6+$0x0] =	vst.idx.msk $0xffff, v50;
	v50 =	vor.u32 v3, v25;
	v58 =	vld.idx.msk [tilespmem:v63+s18+$0x0], $0xffff  }
0x242: {  	v31 =	vor.u32 v14, v36;
	v60 =	vor.u32 v13, v37;
	v51 =	vld.idx.msk [tilespmem:v61+s18+$0x0], $0xffff;
	[tilespmem:v62+s6+$0x0] =	vst.idx.msk $0xffff, v41  }
0x243: {  	v61 =	vor.u32 v3, v21;
	v63 =	vor.u32 v14, v32;
	[tilespmem:v47+s6+$0x0] =	vst.idx.msk $0xffff, v45;
	v36 =	vld.idx.msk [tilespmem:v56+s18+$0x0], $0xffff  }
0x244: {  	v44 =	vor.u32 v4, v18;
	v47 =	vor.u32 v3, v19;
	[tilespmem:v54+s6+$0x0] =	vst.idx.msk $0xffff, v39;
	v32 =	vld.idx.msk [tilespmem:v49+s18+$0x0], $0xffff  }
0x245: {  	v48 =	vor.u32 v4, v22;
	v41 =	vor.u32 v13, v34;
	[tilespmem:v57+s6+$0x0] =	vst.idx.msk $0xffff, v52;
	v37 =	vld.idx.msk [tilespmem:v55+s18+$0x0], $0xffff  }
0x246: {  	v43 =	vor.u32 v5, v17;
	v39 =	vor.u32 v13, v35;
	v42 =	vld.idx.msk [tilespmem:v40+s18+$0x0], $0xffff;
	[tilespmem:v50+s6+$0x0] =	vst.idx.msk $0xffff, v58  }
0x247: {  	v28 =	vor.u32 v15, v35;
	v34 =	vor.u32 v15, v34;
	[tilespmem:v60+s6+$0x0] =	vst.idx.msk $0xffff, v51;
	v46 =	vld.idx.msk [tilespmem:v59+s18+$0x0], $0xffff  }
0x248: {  	s23 =	sor.u32 $0x3, s23;
	s26 =	simm.s32 $0x8;
	v45 =	vor.u32 v6, v16;
	v49 =	vor.u32 v5, v25;
	[tilespmem:v61+s6+$0x0] =	vst.idx.msk $0xffff, v53;
	v40 =	vld.idx.msk [tilespmem:v63+s18+$0x0], $0xffff  }
.LBB2_9:
0x249: {  	p0 =	slt.u32 s26, $0x1C;
	v35 =	vor.u32 v10, v16;
	[tilespmem:v47+s6+$0x0] =	vst.idx.msk $0xffff, v38;
	v38 =	vld.idx.msk [tilespmem:v44+s18+$0x0], $0xffff;
	v20 =	vor.u32 v13, v20;
	s0 =	smov.u32 s26;
	s26 =	sadd.s32 $0x4, s26  }
0x24a: {  	v47 =	vor.u32 v10, v22;
	v44 =	vld.idx.msk [tilespmem:v48+s18+$0x0], $0xffff;
	v48 =	vor.u32 v5, v21;
	[tilespmem:v41+s6+$0x0] =	vst.idx.msk $0xffff, v36  }
0x24b: {  	v36 =	vor.u32 v5, v19;
	v41 =	vor.u32 v6, v18;
	v50 =	vld.idx.msk [tilespmem:v33+s18+$0x0], $0xffff;
	[tilespmem:v39+s6+$0x0] =	vst.idx.msk $0xffff, v37  }
0x24c: {  	v37 =	vor.u32 v6, v22;
	v39 =	vor.u32 v10, v18;
	[tilespmem:v43+s6+$0x0] =	vst.idx.msk $0xffff, v42;
	v31 =	vld.idx.msk [tilespmem:v31+s18+$0x0], $0xffff  }
0x24d: {  	v43 =	vor.u32 v9, v19;
	v42 =	vld.idx.msk [tilespmem:v45+s18+$0x0], $0xffff;
	[tilespmem:v49+s6+$0x0] =	vst.idx.msk $0xffff, v46;
	v45 =	vor.u32 v10, v23  }
0x24e: {  	v46 =	vor.u32 v7, v17;
	v49 =	vor.u32 v8, v22;
	v30 =	vld.idx.msk [tilespmem:v30+s18+$0x0], $0xffff;
	[tilespmem:v27+s6+$0x0] =	vst.idx.msk $0xffff, v40  }
0x24f: {  	v33 =	vmov v22;
	v27 =	vor.u32 v8, v16;
	[tilespmem:v48+s6+$0x0] =	vst.idx.msk $0xffff, v38;
	v38 =	vor.u32 v7, v25  }
0x250: {  	v40 =	vor.u32 v8, v23;
	[tilespmem:v36+s6+$0x0] =	vst.idx.msk $0xffff, v44;
	v36 =	vld.idx.msk [tilespmem:v41+s18+$0x0], $0xffff;
	v41 =	vor.u32 v9, v25  }
0x251: {  	v48 =	vor.u32 v8, v18;
	v44 =	vor.u32 v7, v21;
	v37 =	vld.idx.msk [tilespmem:v37+s18+$0x0], $0xffff;
	[tilespmem:v34+s6+$0x0] =	vst.idx.msk $0xffff, v50  }
0x252: {  	v51 =	vor.u32 v7, v19;
	s1 =	sadd.s32 $0x1, s0;
	s15 =	sadd.s32 $0x2, s0;
	v34 =	vadd.s32 s0, v0;
	s0 =	sadd.s32 $0x3, s0;
	v50 =	vor.u32 v9, v17;
	[tilespmem:v20+s6+$0x0] =	vst.idx.msk $0xffff, v32  }
0x253: {  	v20 =	vadd.s32 s1, v0;
	v32 =	vadd.s32 s15, v0;
	v52 =	vadd.s32 s0, v0;
	[tilespmem:v46+s6+$0x0] =	vst.idx.msk $0xffff, v42;
	v42 =	vmovc v18;
	v46 =	vmovc v16  }
0x254: {  	v55 =	vmovc v23;
	v22 =	vand.u32 $0x1F, v20;
	v18 =	vand.u32 $0x1F, v32;
	v53 =	vshll.u32 v52, $0x7;
	v54 =	vld.idx.msk [tilespmem:v27+s18+$0x0], $0xffff;
	[tilespmem:v38+s6+$0x0] =	vst.idx.msk $0xffff, v30  }
0x255: {  	v57 =	vmovc v19;
	v16 =	vand.u32 $0x1F, v34;
	v38 =	vor.u32 v1, v22;
	v56 =	vor.u32 v1, v18;
	v40 =	vld.idx.msk [tilespmem:v40+s18+$0x0], $0xffff  }
0x256: {  	v19 =	vshll.u32 v20, $0x7;
	v23 =	vand.u32 $0x1F, v52;
	v58 =	vor.u32 v1, v16;
	[tilespmem:v44+s6+$0x0] =	vst.idx.msk $0xffff, v36;
	v29 =	vld.idx.msk [tilespmem:v29+s18+$0x0], $0xffff  }
0x257: {  	v19 =	vand.u32 $0xF80, v19;
	v36 =	vor.u32 v1, v23;
	[tilespmem:v51+s6+$0x0] =	vst.idx.msk $0xffff, v37;
	v37 =	vmovc v25;
	v25 =	vand.u32 $0xF80, v53  }
0x258: {  	v30 =	vor.u32 v6, v23;
	v20 =	vmov v17;
	v44 =	vshll.u32 v34, $0x7;
	v34 =	vld.idx.msk [tilespmem:v48+s18+$0x0], $0xffff;
	[tilespmem:v28+s6+$0x0] =	vst.idx.msk $0xffff, v31  }
0x259: {  	v27 =	vmovc v24;
	v17 =	vand.u32 $0xF80, v44;
	v28 =	vshll.u32 v32, $0x7;
	v32 =	vor.u32 v9, v21;
	v31 =	vld.idx.msk [tilespmem:v49+s18+$0x0], $0xffff;
	v49 =	vmovc v21  }
0x25a: {  	v44 =	vor.u32 v0, v17;
	v21 =	vand.u32 $0xF80, v28;
	v38 =	vld.idx.msk [tilespmem:v38+s18+$0x0], $0xffff;
	[tilespmem:v50+s6+$0x0] =	vst.idx.msk $0xffff, v54  }
0x25b: {  	v51 =	vor.u32 v0, v25;
	v50 =	vor.u32 v0, v21;
	v48 =	vld.idx.msk [tilespmem:v58+s18+$0x0], $0xffff;
	[tilespmem:v41+s6+$0x0] =	vst.idx.msk $0xffff, v40  }
0x25c: {  	v40 =	vor.u32 v2, v16;
	v41 =	vor.u32 v2, v18;
	v45 =	vld.idx.msk [tilespmem:v45+s18+$0x0], $0xffff;
	[tilespmem:v26+s6+$0x0] =	vst.idx.msk $0xffff, v29  }
0x25d: {  	v52 =	vor.u32 v0, v19;
	v24 =	vor.u32 v15, v25;
	v36 =	vld.idx.msk [tilespmem:v36+s18+$0x0], $0xffff  }
0x25e: {  	v53 =	vor.u32 v2, v22;
	v29 =	vor.u32 v14, v46;
	v54 =	vld.idx.msk [tilespmem:v56+s18+$0x0], $0xffff;
	[tilespmem:v32+s6+$0x0] =	vst.idx.msk $0xffff, v34  }
0x25f: {  	v32 =	vor.u32 v2, v23;
	[tilespmem:v43+s6+$0x0] =	vst.idx.msk $0xffff, v31;
	v34 =	vld.idx.msk [tilespmem:v39+s18+$0x0], $0xffff;
	v39 =	vor.u32 v11, v37  }
0x260: {  	v28 =	vor.u32 v15, v49;
	v26 =	vor.u32 v15, v20;
	v43 =	vld.idx.msk [tilespmem:v47+s18+$0x0], $0xffff;
	v47 =	vor.u32 v12, v55  }
0x261: {  	[tilespmem:v44+s6+$0x0] =	vst.idx.msk $0xffff, v48;
	v35 =	vld.idx.msk [tilespmem:v35+s18+$0x0], $0xffff;
	v44 =	vor.u32 v11, v57;
	v48 =	vor.u32 v12, v33  }
0x262: {  	v56 =	vor.u32 v11, v49;
	v40 =	vld.idx.msk [tilespmem:v40+s18+$0x0], $0xffff;
	[tilespmem:v52+s6+$0x0] =	vst.idx.msk $0xffff, v38;
	v52 =	vor.u32 v11, v20  }
0x263: {  	v46 =	vor.u32 v12, v46;
	v38 =	vld.idx.msk [tilespmem:v53+s18+$0x0], $0xffff;
	[tilespmem:v51+s6+$0x0] =	vst.idx.msk $0xffff, v36;
	v51 =	vor.u32 v12, v42  }
0x264: {  	v31 =	vor.u32 v14, v42;
	v53 =	vor.u32 v3, v17;
	v58 =	vld.idx.msk [tilespmem:v32+s18+$0x0], $0xffff;
	[tilespmem:v39+s6+$0x0] =	vst.idx.msk $0xffff, v45  }
0x265: {  	v39 =	vor.u32 v4, v16;
	v45 =	vor.u32 v3, v25;
	[tilespmem:v50+s6+$0x0] =	vst.idx.msk $0xffff, v54;
	v50 =	vld.idx.msk [tilespmem:v47+s18+$0x0], $0xffff  }
0x266: {  	v59 =	vor.u32 v4, v23;
	v60 =	vor.u32 v13, v37;
	v54 =	vld.idx.msk [tilespmem:v41+s18+$0x0], $0xffff;
	[tilespmem:v44+s6+$0x0] =	vst.idx.msk $0xffff, v43  }
0x267: {  	v61 =	vor.u32 v3, v21;
	[tilespmem:v52+s6+$0x0] =	vst.idx.msk $0xffff, v35;
	v36 =	vld.idx.msk [tilespmem:v48+s18+$0x0], $0xffff;
	v35 =	vor.u32 v14, v55  }
.Ltmp5:
0x268: {  	v47 =	vor.u32 v3, v19;
	v44 =	vor.u32 v4, v18;
	v32 =	vld.idx.msk [tilespmem:v46+s18+$0x0], $0xffff;
	[tilespmem:v56+s6+$0x0] =	vst.idx.msk $0xffff, v34;
	(pc) =	sbr.rel @p0 .LBB2_9-.Ltmp5, $4  }
0x269: {  	v41 =	vor.u32 v13, v57;
	v48 =	vor.u32 v4, v22;
	[tilespmem:v53+s6+$0x0] =	vst.idx.msk $0xffff, v40;
	v37 =	vld.idx.msk [tilespmem:v51+s18+$0x0], $0xffff  }
0x26a: {  	v33 =	vor.u32 v14, v33;
	v42 =	vld.idx.msk [tilespmem:v39+s18+$0x0], $0xffff;
	[tilespmem:v45+s6+$0x0] =	vst.idx.msk $0xffff, v58;
	v39 =	vor.u32 v13, v49  }
0x26b: {  	v43 =	vor.u32 v5, v17;
	v34 =	vor.u32 v15, v57;
	v46 =	vld.idx.msk [tilespmem:v59+s18+$0x0], $0xffff;
	[tilespmem:v60+s6+$0x0] =	vst.idx.msk $0xffff, v50  }
0x26c: {  	v45 =	vor.u32 v6, v16;
	v49 =	vor.u32 v5, v25;
	[tilespmem:v61+s6+$0x0] =	vst.idx.msk $0xffff, v54;
	v40 =	vld.idx.msk [tilespmem:v35+s18+$0x0], $0xffff  }
0x26d: {  	_ =	sdelay $0x3  }
0x26e: {  	[tilespmem:v47+s6+$0x0] =	vst.idx.msk $0xffff, v38;
	v44 =	vld.idx.msk [tilespmem:v44+s18+$0x0], $0xffff;
	v63 =	vor.u32 v5, v21  }
0x26f: {  	v62 =	vor.u32 v5, v19;
	v50 =	vor.u32 v6, v18;
	v35 =	vld.idx.msk [tilespmem:v48+s18+$0x0], $0xffff  }
0x270: {  	v52 =	vor.u32 v6, v22  }
0x271: {  	[tilespmem:v49+s6+$0x0] =	vst.idx.msk $0xffff, v46  }
0x272: {  	v53 =	vor.u32 v7, v25;
	[tilespmem:v43+s6+$0x0] =	vst.idx.msk $0xffff, v42;
	v30 =	vld.idx.msk [tilespmem:v30+s18+$0x0], $0xffff  }
0x273: {  	v54 =	vor.u32 v8, v23;
	v59 =	vor.u32 v7, v17;
	v45 =	vld.idx.msk [tilespmem:v45+s18+$0x0], $0xffff;
	[tilespmem:v63+s6+$0x0] =	vst.idx.msk $0xffff, v44  }
0x274: {  	v58 =	vor.u32 v7, v21;
	v61 =	vor.u32 v8, v16;
	[tilespmem:v62+s6+$0x0] =	vst.idx.msk $0xffff, v35;
	v57 =	vld.idx.msk [tilespmem:v50+s18+$0x0], $0xffff  }
0x275: {  	v55 =	vor.u32 v7, v19;
	v60 =	vor.u32 v8, v18;
	v38 =	vld.idx.msk [tilespmem:v52+s18+$0x0], $0xffff  }
0x276: {  	v56 =	vor.u32 v8, v22  }
0x277: {  	[tilespmem:v53+s6+$0x0] =	vst.idx.msk $0xffff, v30  }
0x278: {  	v62 =	vor.u32 v9, v25;
	[tilespmem:v59+s6+$0x0] =	vst.idx.msk $0xffff, v45;
	v35 =	vld.idx.msk [tilespmem:v54+s18+$0x0], $0xffff  }
0x279: {  	v52 =	vor.u32 v10, v23;
	[tilespmem:v58+s6+$0x0] =	vst.idx.msk $0xffff, v57;
	v57 =	vor.u32 v9, v17;
	v58 =	vld.idx.msk [tilespmem:v61+s18+$0x0], $0xffff  }
0x27a: {  	v59 =	vor.u32 v10, v16;
	[tilespmem:v55+s6+$0x0] =	vst.idx.msk $0xffff, v38;
	v54 =	vld.idx.msk [tilespmem:v60+s18+$0x0], $0xffff;
	v55 =	vor.u32 v9, v21  }
0x27b: {  	v63 =	vor.u32 v9, v19;
	v42 =	vld.idx.msk [tilespmem:v56+s18+$0x0], $0xffff;
	v56 =	vor.u32 v10, v18  }
0x27c: {  	[tilespmem:v41+s6+$0x0] =	vst.idx.msk $0xffff, v36;
	v53 =	vor.u32 v10, v22  }
0x27d: {  	[tilespmem:v62+s6+$0x0] =	vst.idx.msk $0xffff, v35  }
0x27e: {  	v60 =	vor.u32 v11, v25;
	v30 =	vld.idx.msk [tilespmem:v52+s18+$0x0], $0xffff;
	[tilespmem:v57+s6+$0x0] =	vst.idx.msk $0xffff, v58  }
0x27f: {  	v50 =	vor.u32 v11, v17;
	v61 =	vor.u32 v12, v23;
	[tilespmem:v55+s6+$0x0] =	vst.idx.msk $0xffff, v54;
	v36 =	vld.idx.msk [tilespmem:v59+s18+$0x0], $0xffff  }
0x280: {  	v49 =	vor.u32 v11, v21;
	v52 =	vor.u32 v12, v16;
	[tilespmem:v63+s6+$0x0] =	vst.idx.msk $0xffff, v42;
	v63 =	vld.idx.msk [tilespmem:v56+s18+$0x0], $0xffff  }
0x281: {  	v51 =	vor.u32 v12, v18;
	[tilespmem:v39+s6+$0x0] =	vst.idx.msk $0xffff, v37;
	v62 =	vor.u32 v11, v19;
	v38 =	vld.idx.msk [tilespmem:v53+s18+$0x0], $0xffff  }
0x282: {  	v20 =	vor.u32 v13, v20;
	v48 =	vor.u32 v12, v22;
	[tilespmem:v27+s6+$0x0] =	vst.idx.msk $0xffff, v40  }
0x283: {  	v33 =	vld.idx.msk [tilespmem:v33+s18+$0x0], $0xffff;
	[tilespmem:v60+s6+$0x0] =	vst.idx.msk $0xffff, v30  }
0x284: {  	v53 =	vor.u32 v13, v25;
	v30 =	vld.idx.msk [tilespmem:v61+s18+$0x0], $0xffff;
	[tilespmem:v50+s6+$0x0] =	vst.idx.msk $0xffff, v36  }
0x285: {  	v55 =	vor.u32 v14, v23;
	v61 =	vor.u32 v13, v17;
	[tilespmem:v49+s6+$0x0] =	vst.idx.msk $0xffff, v63;
	v27 =	vld.idx.msk [tilespmem:v52+s18+$0x0], $0xffff  }
0x286: {  	v16 =	vor.u32 v14, v16;
	v59 =	vor.u32 v13, v21;
	[tilespmem:v62+s6+$0x0] =	vst.idx.msk $0xffff, v38;
	v57 =	vld.idx.msk [tilespmem:v51+s18+$0x0], $0xffff  }
0x287: {  	[tilespmem:v20+s6+$0x0] =	vst.idx.msk $0xffff, v32;
	v56 =	vor.u32 v13, v19;
	v60 =	vor.u32 v14, v18;
	v54 =	vld.idx.msk [tilespmem:v48+s18+$0x0], $0xffff  }
0x288: {  	v31 =	vld.idx.msk [tilespmem:v31+s18+$0x0], $0xffff;
	[tilespmem:v34+s6+$0x0] =	vst.idx.msk $0xffff, v33;
	v58 =	vor.u32 v14, v22  }
0x289: {  	v20 =	vld.idx.msk [tilespmem:v29+s18+$0x0], $0xffff;
	[tilespmem:v53+s6+$0x0] =	vst.idx.msk $0xffff, v30  }
0x28a: {  	v23 =	vld.idx.msk [tilespmem:v55+s18+$0x0], $0xffff;
	[tilespmem:v61+s6+$0x0] =	vst.idx.msk $0xffff, v27  }
0x28b: {  	v17 =	vor.u32 v15, v17;
	[tilespmem:v59+s6+$0x0] =	vst.idx.msk $0xffff, v57;
	v16 =	vld.idx.msk [tilespmem:v16+s18+$0x0], $0xffff  }
0x28c: {  	v63 =	vor.u32 v15, v21;
	[tilespmem:v56+s6+$0x0] =	vst.idx.msk $0xffff, v54;
	v18 =	vld.idx.msk [tilespmem:v60+s18+$0x0], $0xffff  }
0x28d: {  	[tilespmem:v28+s6+$0x0] =	vst.idx.msk $0xffff, v31;
	v62 =	vor.u32 v15, v19;
	v22 =	vld.idx.msk [tilespmem:v58+s18+$0x0], $0xffff  }
0x28e: {  	s0 =	sadd.s32 s5, s23;
	[tilespmem:v26+s6+$0x0] =	vst.idx.msk $0xffff, v20  }
0x28f: {  	s1 =	sshll.u32 s0, $0x9;
	s0 =	sshll.u32 s0, $0x7;
	[tilespmem:v24+s6+$0x0] =	vst.idx.msk $0xffff, v23  }
0x290: {  	s1 =	sand.u32 $0xFFFC000, s1;
	s0 =	sand.u32 $0xF80, s0;
	[tilespmem:v17+s6+$0x0] =	vst.idx.msk $0xffff, v16  }
0x291: {  	s0 =	sor.u32 s0, s1;
	[tilespmem:v63+s6+$0x0] =	vst.idx.msk $0xffff, v18  }
0x292: {  	s1 =	sadd.s32 s2, s0;
	[tilespmem:v62+s6+$0x0] =	vst.idx.msk $0xffff, v22  }
0x293: {  	[hbm4b:s1+s3] =	stream.linear.scatter [tilespmem:s6], [sflag:$0x8], $0x400, $0x38;
	[tilespmem:$0xE400] =	vst v63  }
0x294: {  	s28 =	sadd.s32 s0, s7  }
0x295: {  	[hbm4b:s28+s3] =	stream.linear.scatter [tilespmem:s10], [sflag:$0x8], $0x400, $0x38;
	[tilespmem:$0xE400] =	vst v63  }
.Ltmp6:
0x296: {  	_ = 	snop;
	(pc) =	sbr.rel @p1 .LBB2_12-.Ltmp6, $4  }
0x297: {  	s29 =	sadd.s32 s0, s8  }
0x298: {  	[hbm4b:s29+s3] =	stream.linear.scatter [tilespmem:s11], [sflag:$0x8], $0x400, $0x38;
	[tilespmem:$0xE400] =	vst v63  }
0x299: {  	s0 =	sadd.s32 s0, s9  }
0x29a: {  	[hbm4b:s0+s3] =	stream.linear.scatter [tilespmem:s21], [sflag:$0x8], $0x400, $0x38;
	[tilespmem:$0xE400] =	vst v63  }
.Ltmp7:
0x29b: {  	(pc) =	sbr.rel .LBB2_2-.Ltmp7, $4  }
0x29c: {  	s0 =	sshll.u32 s22, $0x9  }
0x29d: {  	s0 =	sand.u32 $0x3FFFFE00, s0  }
0x29e: {  	s22 =	sadd.s32 $0x1, s22;
	s0 =	sadd.s32 $0x380, s0  }
0x29f: {  	[tilespmem:s18], [sflag:$0x4] =	stream.indirect.gather [hbm4b:s4+s12], $0x20, s0, s12, $0xb8;
	[tilespmem:$0xE400] =	vst v63  }
.LBB2_13:
0x2a0: {  	_ =	sfence.sel $0x180000  }
0x2a1: {  	[bflag:$0x0] =	sbarrier.arrive $0xFFFF  }
0x2a2: {  	_ =	strace $0x90000047  }
0x2a3: {  	s0 =	stileid.u32;
	[bflag:$0x2] =	sbarrier.arrive $0xFFFF  }
0x2a4: {  	p0 =	sne.s32 s0, $0x0;
	s0 =	rddreg [dreg:$0x2]  }
0x2a5: {  	s0 =	sadd.s32 @!p0 $0x100000, s0  }
0x2a6: {  	[sflag:s0] =	ssyncadd.tile.s32 @!p0 $0x1;
	_ =	shalt  }
.Lfunc_end2:
_tile_overlayer_lowered:
.L_overlay_start_2:
0x2a7: {  	(tag) =	ssettag $0x2  }
0x2a8: {  	s0 =	rddreg [dreg:$0x0];
	s2 =	stileid.u32  }
0x2a9: {  	s1 =	rddreg [dreg:$0x1];
	p0 =	sne.s32 s2, $0x0  }
0x2aa: {  	s3 =	rddreg [dreg:$0x2];
	[bflag:$0x3] =	sbarrier.arrive $0xFFFF;
	s2 =	simm.s32 @!p0 $0x1C09  }
0x2ab: {  	[timem:s3], [sflag:s2] =	dma.local @!p0 [hbm:s0], s1  }
0x2ac: {  	s0 =	simm.s32 @!p0 $0x9  }
0x2ad: {  	_ =	swait.ge @!p0 [sflag:s0], s1  }
0x2ae: {  	s1 =	ssub.s32 @!p0 $0x0, s1;
	[sflag:s0] =	ssyncset.done @!p0 $0x0  }
0x2af: {  	[sflag:s0] =	ssyncadd.s32 @!p0 s1  }
0x2b0: {  	[bflag:$0x3] =	sbarrier.arrive $0xFFFF  }
0x2b1: {  	_ =	shalt  }

</sc_bundles>
